<compile_context>
chip_gen: v7x
topology: tpu7x:2x2x1
jax: 0.10.2.dev20260603
libtpu: 0.0.44.dev20260713+nightly
codegen_flags: <defaults>
</compile_context>

<pallas_src>
import functools

import jax
import jax.numpy as jnp
from jax import lax
from jax.experimental import pallas as pl
from jax.experimental.pallas import tpu as pltpu
from jax.experimental.pallas import tpu_sc as plsc

_N = 10000
_E = 320000
_D = 128
_NC = 2
_NS = 16
_BLK = 80
_EPT = _E // _NS
_NBLK = _EPT // _BLK
_NP = 10112
_RPT = _NP // _NS
_CW = 16
_SB = 50
_NSB = _NBLK // _SB
_NPAIR = _SB // 2


def _sc_body(x_ps, x_gw, x_sw,
             e_psgw, e_gwps, e_pssw, e_swps,
             z128, z16, ones_h,
             o_s_psgw, o_c_psgw, o_s_gwps, o_c_gwps,
             o_s_pssw, o_c_pssw, o_s_swps, o_c_swps,
             acc, cnt, sidx_sb, didx_sb, rows0, rows1,
             ones_v, semg0, semg1, semr0, semr1, semc0, semc1):
  core = lax.axis_index("c")
  sub = lax.axis_index("s")
  pltpu.sync_copy(ones_h, ones_v)
  rows = (rows0, rows1)
  semg = (semg0, semg1)
  semr = (semr0, semr1)
  semc = (semc0, semc1)

  def run(x_src, e2, osum, ocnt):
    rbase = sub * _RPT
    pltpu.sync_copy(z128, acc.at[pl.ds(rbase, _RPT)])
    pltpu.sync_copy(z16, cnt.at[pl.ds(rbase, _RPT)])
    plsc.subcore_barrier()

    sbbase = sub * (_EPT // _BLK)

    def g_start(j, k):
      pltpu.make_async_copy(x_src.at[sidx_sb.at[j]], rows[k], semg[k]).start()

    def g_drain(j, k):
      pltpu.make_async_copy(x_src.at[sidx_sb.at[j]], rows[k], semg[k]).wait()

    def s_start(j, k):
      pltpu.make_async_copy(
          rows[k], acc.at[didx_sb.at[j]], semr[k]).start(add=True)
      pltpu.make_async_copy(
          ones_v, cnt.at[didx_sb.at[j]], semc[k]).start(add=True)

    def s_drain(j, k):
      pltpu.make_async_copy(rows[k], acc.at[didx_sb.at[j]], semr[k]).wait()
      pltpu.make_async_copy(ones_v, cnt.at[didx_sb.at[j]], semc[k]).wait()

    def pair(t, first, last):
      j0 = 2 * t
      j1 = j0 + 1
      if not first:
        s_drain(j1 - 2, 1)
      g_start(j1, 1)
      g_drain(j0, 0)
      s_start(j0, 0)
      g_drain(j1, 1)
      s_start(j1, 1)
      s_drain(j0, 0)
      if not last:
        g_start(j0 + 2, 0)
      else:
        s_drain(j1, 1)

    def super_block(s, carry):
      pltpu.sync_copy(e2.at[pl.ds(sbbase + s * _SB, _SB)], sidx_sb)
      pltpu.sync_copy(e2.at[pl.ds(_E // _BLK + sbbase + s * _SB, _SB)],
                      didx_sb)
      g_start(0, 0)
      pair(0, True, False)
      lax.fori_loop(1, _NPAIR - 1, lambda t, c: (pair(t, False, False), c)[1],
                    carry)
      pair(_NPAIR - 1, False, True)
      return carry

    lax.fori_loop(0, _NSB, super_block, 0)
    plsc.subcore_barrier()

    pltpu.sync_copy(acc.at[pl.ds(rbase, _RPT)], osum.at[pl.ds(rbase, _RPT)])
    pltpu.sync_copy(cnt.at[pl.ds(rbase, _RPT)], ocnt.at[pl.ds(rbase, _RPT)])
    plsc.subcore_barrier()

  @pl.when(core == 0)
  def _():
    run(x_ps, e_psgw, o_s_psgw, o_c_psgw)
    run(x_gw, e_gwps, o_s_gwps, o_c_gwps)

  @pl.when(core == 1)
  def _():
    run(x_ps, e_pssw, o_s_pssw, o_c_pssw)
    run(x_sw, e_swps, o_s_swps, o_c_swps)


_sum_t = jax.ShapeDtypeStruct((_NP, _D), jnp.float32)
_cnt_t = jax.ShapeDtypeStruct((_NP, _CW), jnp.float32)

_sc_agg = pl.kernel(
    _sc_body,
    out_type=[_sum_t, _cnt_t, _sum_t, _cnt_t, _sum_t, _cnt_t, _sum_t, _cnt_t],
    mesh=plsc.VectorSubcoreMesh(core_axis_name="c", subcore_axis_name="s",
                                num_cores=_NC, num_subcores=_NS),
    scratch_types=[
        pltpu.VMEM_SHARED((_NP, _D), jnp.float32),
        pltpu.VMEM_SHARED((_NP, _CW), jnp.float32),
        pltpu.VMEM((_SB, _BLK), jnp.int32),
        pltpu.VMEM((_SB, _BLK), jnp.int32),
        pltpu.VMEM((_BLK, _D), jnp.float32),
        pltpu.VMEM((_BLK, _D), jnp.float32),
        pltpu.VMEM((_BLK, _CW), jnp.float32),
        pltpu.SemaphoreType.DMA,
        pltpu.SemaphoreType.DMA,
        pltpu.SemaphoreType.DMA,
        pltpu.SemaphoreType.DMA,
        pltpu.SemaphoreType.DMA,
        pltpu.SemaphoreType.DMA,
    ],
    compiler_params=pltpu.CompilerParams(use_tc_tiling_on_sc=False),
)


def _dotT(a, w):
  return lax.dot_general(a, w, (((1,), (1,)), ((), ())),
                         preferred_element_type=jnp.float32)


def _tc_body(s_gwps, c_gwps, s_swps, c_swps, x_ps,
             s_psgw, c_psgw, x_gw, s_pssw, c_pssw, x_sw,
             wl_gwps, wr_gwps, blv_gwps, wl_swps, wr_swps, blv_swps,
             wl_psgw, wr_psgw, blv_psgw, wl_pssw, wr_pssw, blv_pssw,
             wg, bg, ag, ws, bs, asw,
             o_ps, o_gw, o_sw):
  def sage(s_ref, c_ref, x_ref, wl, wr, bl):
    cntc = jnp.maximum(c_ref[:, 0:1], 1.0)
    mean = s_ref[...] / cntc
    return _dotT(mean, wl[...]) + _dotT(x_ref[...], wr[...]) + bl[...]

  t_ps = (sage(s_gwps, c_gwps, x_ps, wl_gwps, wr_gwps, blv_gwps)
          + sage(s_swps, c_swps, x_ps, wl_swps, wr_swps, blv_swps))
  o_ps[...] = jnp.maximum(t_ps, 0.0)

  t_gw = jnp.maximum(sage(s_psgw, c_psgw, x_gw, wl_psgw, wr_psgw, blv_psgw), 0.0)
  z_gw = jnp.sum(t_gw * wg[...], axis=1, keepdims=True) + bg[...]
  o_gw[...] = jnp.where(z_gw >= 0.0, z_gw, ag[...] * z_gw)

  t_sw = jnp.maximum(sage(s_pssw, c_pssw, x_sw, wl_pssw, wr_pssw, blv_pssw), 0.0)
  z_sw = jnp.sum(t_sw * ws[...], axis=1, keepdims=True) + bs[...]
  o_sw[...] = jnp.where(z_sw >= 0.0, z_sw, asw[...] * z_sw)


_TCR = 1000


def _tc_epilogue(args):
  (s_gwps, c_gwps, s_swps, c_swps, x_ps, s_psgw, c_psgw, x_gw,
   s_pssw, c_pssw, x_sw, *rest) = args
  rowf = pl.BlockSpec((_TCR, _D), lambda i: (i, 0))
  rowc = pl.BlockSpec((_TCR, _CW), lambda i: (i, 0))
  mat = pl.BlockSpec((_D, _D), lambda i: (0, 0))
  vec = pl.BlockSpec((1, _D), lambda i: (0, 0))
  scl = pl.BlockSpec((1, 1), lambda i: (0, 0))
  in_specs = [rowf, rowc, rowf, rowc, rowf, rowf, rowc, rowf, rowf, rowc, rowf]
  in_specs += [mat, mat, vec, mat, mat, vec, mat, mat, vec, mat, mat, vec,
               vec, scl, scl, vec, scl, scl]
  return pl.pallas_call(
      _tc_body,
      grid=(_N // _TCR,),
      in_specs=in_specs,
      out_specs=[pl.BlockSpec((_TCR, _D), lambda i: (i, 0)),
                 pl.BlockSpec((_TCR, 1), lambda i: (i, 0)),
                 pl.BlockSpec((_TCR, 1), lambda i: (i, 0))],
      out_shape=[jax.ShapeDtypeStruct((_N, _D), jnp.float32),
                 jax.ShapeDtypeStruct((_N, 1), jnp.float32),
                 jax.ShapeDtypeStruct((_N, 1), jnp.float32)],
  )(*args)


@jax.jit
def kernel(x_pfas_sites, x_gw_wells, x_sw_stations,
           edge_index_ps_gw, edge_index_gw_ps, edge_index_ps_sw,
           edge_index_sw_ps,
           Wl_ps_gw, bl_ps_gw, Wr_ps_gw,
           Wl_gw_ps, bl_gw_ps, Wr_gw_ps,
           Wl_ps_sw, bl_ps_sw, Wr_ps_sw,
           Wl_sw_ps, bl_sw_ps, Wr_sw_ps,
           W_gw, b_gw, W_sw, b_sw, a_gw, a_sw):
  z128 = jnp.zeros((_RPT, _D), jnp.float32)
  z16 = jnp.zeros((_RPT, _CW), jnp.float32)
  ones_h = jnp.ones((_BLK, _CW), jnp.float32)

  def ei2(ei):
    return ei.reshape(2 * _E // _BLK, _BLK)

  (sum_psgw, cnt_psgw, sum_gwps, cnt_gwps,
   sum_pssw, cnt_pssw, sum_swps, cnt_swps) = _sc_agg(
      x_pfas_sites, x_gw_wells, x_sw_stations,
      ei2(edge_index_ps_gw), ei2(edge_index_gw_ps),
      ei2(edge_index_ps_sw), ei2(edge_index_sw_ps),
      z128, z16, ones_h)

  out_ps, out_gw, out_sw = _tc_epilogue((
      sum_gwps, cnt_gwps, sum_swps, cnt_swps, x_pfas_sites,
      sum_psgw, cnt_psgw, x_gw_wells, sum_pssw, cnt_pssw, x_sw_stations,
      Wl_gw_ps, Wr_gw_ps, bl_gw_ps.reshape(1, _D),
      Wl_sw_ps, Wr_sw_ps, bl_sw_ps.reshape(1, _D),
      Wl_ps_gw, Wr_ps_gw, bl_ps_gw.reshape(1, _D),
      Wl_ps_sw, Wr_ps_sw, bl_ps_sw.reshape(1, _D),
      W_gw, b_gw.reshape(1, 1), a_gw.reshape(1, 1),
      W_sw, b_sw.reshape(1, 1), a_sw.reshape(1, 1)))
  return (out_ps, out_gw, out_sw)

# --- scband reference (transcript-rebuilt; emitter-appended) ---
"""Pipeline reference for scband-gnn-prelu-50689204027576 (READ-ONLY COPY).

The authoritative reference and input builder live on the scoring server;
editing this copy changes nothing except your own understanding.
"""

import jax, jax.numpy as jnp
import numpy as np

N = 10000
E = 320000
D = 128


def setup_inputs(seed: int = 0) -> dict:
    key = jax.random.key(seed)
    ks = jax.random.split(key, 32)
    inp = {}
    inp["x_pfas_sites"] = jax.random.normal(ks[0], (N, D), jnp.float32)
    inp["x_gw_wells"] = jax.random.normal(ks[1], (N, D), jnp.float32)
    inp["x_sw_stations"] = jax.random.normal(ks[2], (N, D), jnp.float32)
    inp["edge_index_ps_gw"] = jax.random.randint(ks[3], (2, E), 0, N, dtype=jnp.int32)
    inp["edge_index_gw_ps"] = jax.random.randint(ks[4], (2, E), 0, N, dtype=jnp.int32)
    inp["edge_index_ps_sw"] = jax.random.randint(ks[5], (2, E), 0, N, dtype=jnp.int32)
    inp["edge_index_sw_ps"] = jax.random.randint(ks[6], (2, E), 0, N, dtype=jnp.int32)
    s = 0.05
    # SAGEConv params per relation: lin_l (W,b) applied to aggregated msgs, lin_r (W, no bias) applied to x_dst
    names = ["ps_gw", "gw_ps", "ps_sw", "sw_ps"]
    for i, nm in enumerate(names):
        inp["Wl_" + nm] = jax.random.normal(ks[7 + 3 * i], (D, D), jnp.float32) * s
        inp["bl_" + nm] = jnp.zeros((D,), jnp.float32)
        inp["Wr_" + nm] = jax.random.normal(ks[8 + 3 * i], (D, D), jnp.float32) * s
    inp["W_gw"] = jax.random.normal(ks[20], (1, D), jnp.float32) * s
    inp["b_gw"] = jnp.zeros((1,), jnp.float32)
    inp["W_sw"] = jax.random.normal(ks[21], (1, D), jnp.float32) * s
    inp["b_sw"] = jnp.zeros((1,), jnp.float32)
    inp["a_gw"] = jnp.full((1,), 0.25, jnp.float32)
    inp["a_sw"] = jnp.full((1,), 0.25, jnp.float32)
    return inp


def _sage(x_src, x_dst, ei, Wl, bl, Wr, n_dst):
    src = ei[0]
    dst = ei[1]
    msgs = jnp.take(x_src, src, axis=0)
    summed = jax.ops.segment_sum(msgs, dst, num_segments=n_dst)
    cnt = jax.ops.segment_sum(jnp.ones((ei.shape[1], 1), x_src.dtype), dst, num_segments=n_dst)
    mean = summed / jnp.clip(cnt, 1.0, None)
    return mean @ Wl.T + bl + x_dst @ Wr.T


def _prelu(x, a):
    return jnp.where(x >= 0, x, a * x)


def reference(x_pfas_sites, x_gw_wells, x_sw_stations,
              edge_index_ps_gw, edge_index_gw_ps, edge_index_ps_sw, edge_index_sw_ps,
              Wl_ps_gw, bl_ps_gw, Wr_ps_gw,
              Wl_gw_ps, bl_gw_ps, Wr_gw_ps,
              Wl_ps_sw, bl_ps_sw, Wr_ps_sw,
              Wl_sw_ps, bl_sw_ps, Wr_sw_ps,
              W_gw, b_gw, W_sw, b_sw, a_gw, a_sw):
    # HeteroConv with aggr='sum' over relations sharing a dst node type
    out_gw = _sage(x_pfas_sites, x_gw_wells, edge_index_ps_gw, Wl_ps_gw, bl_ps_gw, Wr_ps_gw, N)
    out_ps = _sage(x_gw_wells, x_pfas_sites, edge_index_gw_ps, Wl_gw_ps, bl_gw_ps, Wr_gw_ps, N) \
           + _sage(x_sw_stations, x_pfas_sites, edge_index_sw_ps, Wl_sw_ps, bl_sw_ps, Wr_sw_ps, N)
    out_sw = _sage(x_pfas_sites, x_sw_stations, edge_index_ps_sw, Wl_ps_sw, bl_ps_sw, Wr_ps_sw, N)
    out_ps = jax.nn.relu(out_ps)
    out_gw = jax.nn.relu(out_gw)
    out_sw = jax.nn.relu(out_sw)
    out_gw = _prelu(out_gw @ W_gw.T + b_gw, a_gw)
    out_sw = _prelu(out_sw @ W_sw.T + b_sw, a_sw)
    return (out_ps, out_gw, out_sw)

if __name__ == "__main__":
    import jax
    _d = setup_inputs()
    print(jax.jit(kernel)(*tuple(_d.values())))

</pallas_src>

<mosaic_0001>
#map = affine_map<(d0, d1) -> (0, 0)>
module attributes {stable_mosaic.version = 14 : i64} {
  func.func @_sc_body(%arg0: i32, %arg1: i32, %arg2: memref<10000x128xf32, #tpu.memory_space<hbm>>, %arg3: memref<10000x128xf32, #tpu.memory_space<hbm>>, %arg4: memref<10000x128xf32, #tpu.memory_space<hbm>>, %arg5: memref<8000x80xi32, #tpu.memory_space<hbm>>, %arg6: memref<8000x80xi32, #tpu.memory_space<hbm>>, %arg7: memref<8000x80xi32, #tpu.memory_space<hbm>>, %arg8: memref<8000x80xi32, #tpu.memory_space<hbm>>, %arg9: memref<632x128xf32, #tpu.memory_space<hbm>>, %arg10: memref<632x16xf32, #tpu.memory_space<hbm>>, %arg11: memref<80x16xf32, #tpu.memory_space<hbm>>, %arg12: memref<10112x128xf32, #tpu.memory_space<hbm>>, %arg13: memref<10112x16xf32, #tpu.memory_space<hbm>>, %arg14: memref<10112x128xf32, #tpu.memory_space<hbm>>, %arg15: memref<10112x16xf32, #tpu.memory_space<hbm>>, %arg16: memref<10112x128xf32, #tpu.memory_space<hbm>>, %arg17: memref<10112x16xf32, #tpu.memory_space<hbm>>, %arg18: memref<10112x128xf32, #tpu.memory_space<hbm>>, %arg19: memref<10112x16xf32, #tpu.memory_space<hbm>>, %arg20: memref<10112x128xf32, #tpu.memory_space<vmem_shared>>, %arg21: memref<10112x16xf32, #tpu.memory_space<vmem_shared>>, %arg22: memref<50x80xi32, #tpu.memory_space<vmem>>, %arg23: memref<50x80xi32, #tpu.memory_space<vmem>>, %arg24: memref<80x128xf32, #tpu.memory_space<vmem>>, %arg25: memref<80x128xf32, #tpu.memory_space<vmem>>, %arg26: memref<80x16xf32, #tpu.memory_space<vmem>>, %arg27: memref<!tpu.dma_semaphore, #tpu.memory_space<semaphore_mem>>, %arg28: memref<!tpu.dma_semaphore, #tpu.memory_space<semaphore_mem>>, %arg29: memref<!tpu.dma_semaphore, #tpu.memory_space<semaphore_mem>>, %arg30: memref<!tpu.dma_semaphore, #tpu.memory_space<semaphore_mem>>, %arg31: memref<!tpu.dma_semaphore, #tpu.memory_space<semaphore_mem>>, %arg32: memref<!tpu.dma_semaphore, #tpu.memory_space<semaphore_mem>>) attributes {dimension_semantics = [#tpu.dimension_semantics<core_parallel>, #tpu.dimension_semantics<subcore_parallel>], iteration_bounds = array<i64: 2, 16>, scalar_prefetch = 0 : i64, scratch_operands = 13 : i64, tpu.core_type = #tpu.core_type<sc_vector_subcore>, window_params = [{transform_indices = #map}, {transform_indices = #map}, {transform_indices = #map}, {transform_indices = #map}, {transform_indices = #map}, {transform_indices = #map}, {transform_indices = #map}, {transform_indices = #map}, {transform_indices = #map}, {transform_indices = #map}, {transform_indices = #map}, {transform_indices = #map}, {transform_indices = #map}, {transform_indices = #map}, {transform_indices = #map}, {transform_indices = #map}, {transform_indices = #map}, {transform_indices = #map}]} {
    "tpu.region"() ({
      %run_scoped3A = tpu.sem_alloc : memref<!tpu.dma_semaphore, #tpu.memory_space<semaphore_mem>>
      tpu.enqueue_dma source(%arg11 : memref<80x16xf32, #tpu.memory_space<hbm>>) target(%arg26 : memref<80x16xf32, #tpu.memory_space<vmem>>) target_semaphore(%run_scoped3A : memref<!tpu.dma_semaphore, #tpu.memory_space<semaphore_mem>>)
      tpu.wait_dma2 semaphore(%run_scoped3A : memref<!tpu.dma_semaphore, #tpu.memory_space<semaphore_mem>>) src(%arg11 : memref<80x16xf32, #tpu.memory_space<hbm>>) dst(%arg26 : memref<80x16xf32, #tpu.memory_space<vmem>>)
      tpu.yield
    }) : () -> ()
    %eq3A = arith.constant 0 : i32
    %eq3A_0 = arith.cmpi eq, %arg0, %eq3A : i32
    %convert_element_type3A = arith.extui %eq3A_0 : i1 to i32
    %cond3A = arith.constant 0 : i32
    %cond3A_1 = arith.cmpi ne, %convert_element_type3A, %cond3A : i32
    scf.if %cond3A_1 {
      %mul3A = arith.constant 632 : i32
      %mul3A_7 = arith.muli %arg1, %mul3A : i32
      "tpu.region"() ({
        %run_scoped3A = tpu.sem_alloc : memref<!tpu.dma_semaphore, #tpu.memory_space<semaphore_mem>>
        %dma_start3A = arith.constant 0 : i32
        %dma_start3A_30 = tpu.memref_slice %arg20[%mul3A_7, %dma_start3A] : memref<10112x128xf32, #tpu.memory_space<vmem_shared>> -> memref<632x128xf32, #tpu.memory_space<vmem_shared>>
        tpu.enqueue_dma source(%arg9 : memref<632x128xf32, #tpu.memory_space<hbm>>) target(%dma_start3A_30 : memref<632x128xf32, #tpu.memory_space<vmem_shared>>) target_semaphore(%run_scoped3A : memref<!tpu.dma_semaphore, #tpu.memory_space<semaphore_mem>>)
        %dma_wait3A = arith.constant 0 : i32
        %dma_wait3A_31 = tpu.memref_slice %arg20[%mul3A_7, %dma_wait3A] : memref<10112x128xf32, #tpu.memory_space<vmem_shared>> -> memref<632x128xf32, #tpu.memory_space<vmem_shared>>
        tpu.wait_dma2 semaphore(%run_scoped3A : memref<!tpu.dma_semaphore, #tpu.memory_space<semaphore_mem>>) src(%arg9 : memref<632x128xf32, #tpu.memory_space<hbm>>) dst(%dma_wait3A_31 : memref<632x128xf32, #tpu.memory_space<vmem_shared>>)
        tpu.yield
      }) : () -> ()
      "tpu.region"() ({
        %run_scoped3A = tpu.sem_alloc : memref<!tpu.dma_semaphore, #tpu.memory_space<semaphore_mem>>
        %dma_start3A = arith.constant 0 : i32
        %dma_start3A_30 = tpu.memref_slice %arg21[%mul3A_7, %dma_start3A] : memref<10112x16xf32, #tpu.memory_space<vmem_shared>> -> memref<632x16xf32, #tpu.memory_space<vmem_shared>>
        tpu.enqueue_dma source(%arg10 : memref<632x16xf32, #tpu.memory_space<hbm>>) target(%dma_start3A_30 : memref<632x16xf32, #tpu.memory_space<vmem_shared>>) target_semaphore(%run_scoped3A : memref<!tpu.dma_semaphore, #tpu.memory_space<semaphore_mem>>)
        %dma_wait3A = arith.constant 0 : i32
        %dma_wait3A_31 = tpu.memref_slice %arg21[%mul3A_7, %dma_wait3A] : memref<10112x16xf32, #tpu.memory_space<vmem_shared>> -> memref<632x16xf32, #tpu.memory_space<vmem_shared>>
        tpu.wait_dma2 semaphore(%run_scoped3A : memref<!tpu.dma_semaphore, #tpu.memory_space<semaphore_mem>>) src(%arg10 : memref<632x16xf32, #tpu.memory_space<hbm>>) dst(%dma_wait3A_31 : memref<632x16xf32, #tpu.memory_space<vmem_shared>>)
        tpu.yield
      }) : () -> ()
      %barrier3A = arith.constant 0 : index
      tpu.barrier barrier_id(%barrier3A)
      %mul3A_8 = arith.constant 250 : i32
      %mul3A_9 = arith.muli %arg1, %mul3A_8 : i32
      %scan3A = arith.constant 0 : i32
      %scan3A_10 = arith.constant 0 : i32
      %scan3A_11 = arith.constant 5 : i32
      %scan3A_12 = arith.addi %scan3A_10, %scan3A_11 : i32
      %scan3A_13 = arith.constant 1 : i32
      scf.for %scan3A_30 = %scan3A_10 to %scan3A_12 step %scan3A_13  : i32 {
        %mul3A_31 = arith.constant 50 : i32
        %mul3A_32 = arith.muli %scan3A_30, %mul3A_31 : i32
        %add3A = arith.addi %mul3A_9, %mul3A_32 : i32
        "tpu.region"() ({
          %run_scoped3A = tpu.sem_alloc : memref<!tpu.dma_semaphore, #tpu.memory_space<semaphore_mem>>
          %dma_start3A_209 = arith.constant 0 : i32
          %dma_start3A_210 = tpu.memref_slice %arg5[%add3A, %dma_start3A_209] : memref<8000x80xi32, #tpu.memory_space<hbm>> -> memref<50x80xi32, #tpu.memory_space<hbm>>
          %dma_start3A_211 = arith.constant 0 : i32
          %dma_start3A_212 = tpu.memref_slice %arg5[%add3A, %dma_start3A_211] : memref<8000x80xi32, #tpu.memory_space<hbm>> -> memref<50x80xi32, #tpu.memory_space<hbm>>
          tpu.enqueue_dma source(%dma_start3A_212 : memref<50x80xi32, #tpu.memory_space<hbm>>) target(%arg22 : memref<50x80xi32, #tpu.memory_space<vmem>>) target_semaphore(%run_scoped3A : memref<!tpu.dma_semaphore, #tpu.memory_space<semaphore_mem>>)
          %dma_wait3A_213 = arith.constant 0 : i32
          %dma_wait3A_214 = tpu.memref_slice %arg5[%add3A, %dma_wait3A_213] : memref<8000x80xi32, #tpu.memory_space<hbm>> -> memref<50x80xi32, #tpu.memory_space<hbm>>
          %dma_wait3A_215 = arith.constant 0 : i32
          %dma_wait3A_216 = tpu.memref_slice %arg5[%add3A, %dma_wait3A_215] : memref<8000x80xi32, #tpu.memory_space<hbm>> -> memref<50x80xi32, #tpu.memory_space<hbm>>
          tpu.wait_dma2 semaphore(%run_scoped3A : memref<!tpu.dma_semaphore, #tpu.memory_space<semaphore_mem>>) src(%dma_wait3A_216 : memref<50x80xi32, #tpu.memory_space<hbm>>) dst(%arg22 : memref<50x80xi32, #tpu.memory_space<vmem>>)
          tpu.yield
        }) : () -> ()
        %add3A_33 = arith.constant 4000 : i32
        %add3A_34 = arith.addi %add3A_33, %mul3A_9 : i32
        %mul3A_35 = arith.constant 50 : i32
        %mul3A_36 = arith.muli %scan3A_30, %mul3A_35 : i32
        %add3A_37 = arith.addi %add3A_34, %mul3A_36 : i32
        "tpu.region"() ({
          %run_scoped3A = tpu.sem_alloc : memref<!tpu.dma_semaphore, #tpu.memory_space<semaphore_mem>>
          %dma_start3A_209 = arith.constant 0 : i32
          %dma_start3A_210 = tpu.memref_slice %arg5[%add3A_37, %dma_start3A_209] : memref<8000x80xi32, #tpu.memory_space<hbm>> -> memref<50x80xi32, #tpu.memory_space<hbm>>
          %dma_start3A_211 = arith.constant 0 : i32
          %dma_start3A_212 = tpu.memref_slice %arg5[%add3A_37, %dma_start3A_211] : memref<8000x80xi32, #tpu.memory_space<hbm>> -> memref<50x80xi32, #tpu.memory_space<hbm>>
          tpu.enqueue_dma source(%dma_start3A_212 : memref<50x80xi32, #tpu.memory_space<hbm>>) target(%arg23 : memref<50x80xi32, #tpu.memory_space<vmem>>) target_semaphore(%run_scoped3A : memref<!tpu.dma_semaphore, #tpu.memory_space<semaphore_mem>>)
          %dma_wait3A_213 = arith.constant 0 : i32
          %dma_wait3A_214 = tpu.memref_slice %arg5[%add3A_37, %dma_wait3A_213] : memref<8000x80xi32, #tpu.memory_space<hbm>> -> memref<50x80xi32, #tpu.memory_space<hbm>>
          %dma_wait3A_215 = arith.constant 0 : i32
          %dma_wait3A_216 = tpu.memref_slice %arg5[%add3A_37, %dma_wait3A_215] : memref<8000x80xi32, #tpu.memory_space<hbm>> -> memref<50x80xi32, #tpu.memory_space<hbm>>
          tpu.wait_dma2 semaphore(%run_scoped3A : memref<!tpu.dma_semaphore, #tpu.memory_space<semaphore_mem>>) src(%dma_wait3A_216 : memref<50x80xi32, #tpu.memory_space<hbm>>) dst(%arg23 : memref<50x80xi32, #tpu.memory_space<vmem>>)
          tpu.yield
        }) : () -> ()
        %dma_start3A = arith.constant 0 : i32
        %dma_start3A_38 = arith.constant 0 : i32
        %dma_start3A_39 = tpu.memref_slice %arg22[%dma_start3A, %dma_start3A_38] : memref<50x80xi32, #tpu.memory_space<vmem>> -> memref<1x80xi32, #tpu.memory_space<vmem>>
        %dma_start3A_40 = tpu.memref_squeeze %dma_start3A_39 : memref<1x80xi32, #tpu.memory_space<vmem>> -> memref<80xi32, #tpu.memory_space<vmem>>
        %dma_start3A_41 = arith.constant 0 : i32
        %dma_start3A_42 = arith.constant 0 : i32
        %dma_start3A_43 = tpu.memref_slice %arg2[%dma_start3A_41, %dma_start3A_42] : memref<10000x128xf32, #tpu.memory_space<hbm>> -> memref<10000x128xf32, #tpu.memory_space<hbm>>
        tpu.enqueue_indirect_dma source(%dma_start3A_43 : memref<10000x128xf32, #tpu.memory_space<hbm>>) target(%arg24 : memref<80x128xf32, #tpu.memory_space<vmem>>) offsets(%dma_start3A_40 : memref<80xi32, #tpu.memory_space<vmem>>) semaphore(%arg27 : memref<!tpu.dma_semaphore, #tpu.memory_space<semaphore_mem>>)
        %dma_start3A_44 = arith.constant 1 : i32
        %dma_start3A_45 = arith.constant 0 : i32
        %dma_start3A_46 = tpu.memref_slice %arg22[%dma_start3A_44, %dma_start3A_45] : memref<50x80xi32, #tpu.memory_space<vmem>> -> memref<1x80xi32, #tpu.memory_space<vmem>>
        %dma_start3A_47 = tpu.memref_squeeze %dma_start3A_46 : memref<1x80xi32, #tpu.memory_space<vmem>> -> memref<80xi32, #tpu.memory_space<vmem>>
        %dma_start3A_48 = arith.constant 0 : i32
        %dma_start3A_49 = arith.constant 0 : i32
        %dma_start3A_50 = tpu.memref_slice %arg2[%dma_start3A_48, %dma_start3A_49] : memref<10000x128xf32, #tpu.memory_space<hbm>> -> memref<10000x128xf32, #tpu.memory_space<hbm>>
        tpu.enqueue_indirect_dma source(%dma_start3A_50 : memref<10000x128xf32, #tpu.memory_space<hbm>>) target(%arg25 : memref<80x128xf32, #tpu.memory_space<vmem>>) offsets(%dma_start3A_47 : memref<80xi32, #tpu.memory_space<vmem>>) semaphore(%arg28 : memref<!tpu.dma_semaphore, #tpu.memory_space<semaphore_mem>>)
        %dma_wait3A = arith.constant 0 : i32
        %dma_wait3A_51 = arith.constant 0 : i32
        %dma_wait3A_52 = tpu.memref_slice %arg22[%dma_wait3A, %dma_wait3A_51] : memref<50x80xi32, #tpu.memory_space<vmem>> -> memref<1x80xi32, #tpu.memory_space<vmem>>
        %dma_wait3A_53 = tpu.memref_squeeze %dma_wait3A_52 : memref<1x80xi32, #tpu.memory_space<vmem>> -> memref<80xi32, #tpu.memory_space<vmem>>
        %dma_wait3A_54 = arith.constant 0 : i32
        %dma_wait3A_55 = arith.constant 0 : i32
        %dma_wait3A_56 = tpu.memref_slice %arg2[%dma_wait3A_54, %dma_wait3A_55] : memref<10000x128xf32, #tpu.memory_space<hbm>> -> memref<10000x128xf32, #tpu.memory_space<hbm>>
        tpu.wait_indirect_dma semaphore(%arg27 : memref<!tpu.dma_semaphore, #tpu.memory_space<semaphore_mem>>) src(%dma_wait3A_56 : memref<10000x128xf32, #tpu.memory_space<hbm>>) dst(%arg24 : memref<80x128xf32, #tpu.memory_space<vmem>>)
        %dma_start3A_57 = arith.constant 0 : i32
        %dma_start3A_58 = arith.constant 0 : i32
        %dma_start3A_59 = tpu.memref_slice %arg23[%dma_start3A_57, %dma_start3A_58] : memref<50x80xi32, #tpu.memory_space<vmem>> -> memref<1x80xi32, #tpu.memory_space<vmem>>
        %dma_start3A_60 = tpu.memref_squeeze %dma_start3A_59 : memref<1x80xi32, #tpu.memory_space<vmem>> -> memref<80xi32, #tpu.memory_space<vmem>>
        %dma_start3A_61 = arith.constant 0 : i32
        %dma_start3A_62 = arith.constant 0 : i32
        %dma_start3A_63 = tpu.memref_slice %arg20[%dma_start3A_61, %dma_start3A_62] : memref<10112x128xf32, #tpu.memory_space<vmem_shared>> -> memref<10112x128xf32, #tpu.memory_space<vmem_shared>>
        tpu.enqueue_indirect_dma source(%arg24 : memref<80x128xf32, #tpu.memory_space<vmem>>) target(%dma_start3A_63 : memref<10112x128xf32, #tpu.memory_space<vmem_shared>>) offsets(%dma_start3A_60 : memref<80xi32, #tpu.memory_space<vmem>>) semaphore(%arg29 : memref<!tpu.dma_semaphore, #tpu.memory_space<semaphore_mem>>) {add = true}
        %dma_start3A_64 = arith.constant 0 : i32
        %dma_start3A_65 = arith.constant 0 : i32
        %dma_start3A_66 = tpu.memref_slice %arg23[%dma_start3A_64, %dma_start3A_65] : memref<50x80xi32, #tpu.memory_space<vmem>> -> memref<1x80xi32, #tpu.memory_space<vmem>>
        %dma_start3A_67 = tpu.memref_squeeze %dma_start3A_66 : memref<1x80xi32, #tpu.memory_space<vmem>> -> memref<80xi32, #tpu.memory_space<vmem>>
        %dma_start3A_68 = arith.constant 0 : i32
        %dma_start3A_69 = arith.constant 0 : i32
        %dma_start3A_70 = tpu.memref_slice %arg21[%dma_start3A_68, %dma_start3A_69] : memref<10112x16xf32, #tpu.memory_space<vmem_shared>> -> memref<10112x16xf32, #tpu.memory_space<vmem_shared>>
        tpu.enqueue_indirect_dma source(%arg26 : memref<80x16xf32, #tpu.memory_space<vmem>>) target(%dma_start3A_70 : memref<10112x16xf32, #tpu.memory_space<vmem_shared>>) offsets(%dma_start3A_67 : memref<80xi32, #tpu.memory_space<vmem>>) semaphore(%arg31 : memref<!tpu.dma_semaphore, #tpu.memory_space<semaphore_mem>>) {add = true}
        %dma_wait3A_71 = arith.constant 1 : i32
        %dma_wait3A_72 = arith.constant 0 : i32
        %dma_wait3A_73 = tpu.memref_slice %arg22[%dma_wait3A_71, %dma_wait3A_72] : memref<50x80xi32, #tpu.memory_space<vmem>> -> memref<1x80xi32, #tpu.memory_space<vmem>>
        %dma_wait3A_74 = tpu.memref_squeeze %dma_wait3A_73 : memref<1x80xi32, #tpu.memory_space<vmem>> -> memref<80xi32, #tpu.memory_space<vmem>>
        %dma_wait3A_75 = arith.constant 0 : i32
        %dma_wait3A_76 = arith.constant 0 : i32
        %dma_wait3A_77 = tpu.memref_slice %arg2[%dma_wait3A_75, %dma_wait3A_76] : memref<10000x128xf32, #tpu.memory_space<hbm>> -> memref<10000x128xf32, #tpu.memory_space<hbm>>
        tpu.wait_indirect_dma semaphore(%arg28 : memref<!tpu.dma_semaphore, #tpu.memory_space<semaphore_mem>>) src(%dma_wait3A_77 : memref<10000x128xf32, #tpu.memory_space<hbm>>) dst(%arg25 : memref<80x128xf32, #tpu.memory_space<vmem>>)
        %dma_start3A_78 = arith.constant 1 : i32
        %dma_start3A_79 = arith.constant 0 : i32
        %dma_start3A_80 = tpu.memref_slice %arg23[%dma_start3A_78, %dma_start3A_79] : memref<50x80xi32, #tpu.memory_space<vmem>> -> memref<1x80xi32, #tpu.memory_space<vmem>>
        %dma_start3A_81 = tpu.memref_squeeze %dma_start3A_80 : memref<1x80xi32, #tpu.memory_space<vmem>> -> memref<80xi32, #tpu.memory_space<vmem>>
        %dma_start3A_82 = arith.constant 0 : i32
        %dma_start3A_83 = arith.constant 0 : i32
        %dma_start3A_84 = tpu.memref_slice %arg20[%dma_start3A_82, %dma_start3A_83] : memref<10112x128xf32, #tpu.memory_space<vmem_shared>> -> memref<10112x128xf32, #tpu.memory_space<vmem_shared>>
        tpu.enqueue_indirect_dma source(%arg25 : memref<80x128xf32, #tpu.memory_space<vmem>>) target(%dma_start3A_84 : memref<10112x128xf32, #tpu.memory_space<vmem_shared>>) offsets(%dma_start3A_81 : memref<80xi32, #tpu.memory_space<vmem>>) semaphore(%arg30 : memref<!tpu.dma_semaphore, #tpu.memory_space<semaphore_mem>>) {add = true}
        %dma_start3A_85 = arith.constant 1 : i32
        %dma_start3A_86 = arith.constant 0 : i32
        %dma_start3A_87 = tpu.memref_slice %arg23[%dma_start3A_85, %dma_start3A_86] : memref<50x80xi32, #tpu.memory_space<vmem>> -> memref<1x80xi32, #tpu.memory_space<vmem>>
        %dma_start3A_88 = tpu.memref_squeeze %dma_start3A_87 : memref<1x80xi32, #tpu.memory_space<vmem>> -> memref<80xi32, #tpu.memory_space<vmem>>
        %dma_start3A_89 = arith.constant 0 : i32
        %dma_start3A_90 = arith.constant 0 : i32
        %dma_start3A_91 = tpu.memref_slice %arg21[%dma_start3A_89, %dma_start3A_90] : memref<10112x16xf32, #tpu.memory_space<vmem_shared>> -> memref<10112x16xf32, #tpu.memory_space<vmem_shared>>
        tpu.enqueue_indirect_dma source(%arg26 : memref<80x16xf32, #tpu.memory_space<vmem>>) target(%dma_start3A_91 : memref<10112x16xf32, #tpu.memory_space<vmem_shared>>) offsets(%dma_start3A_88 : memref<80xi32, #tpu.memory_space<vmem>>) semaphore(%arg32 : memref<!tpu.dma_semaphore, #tpu.memory_space<semaphore_mem>>) {add = true}
        %dma_wait3A_92 = arith.constant 0 : i32
        %dma_wait3A_93 = arith.constant 0 : i32
        %dma_wait3A_94 = tpu.memref_slice %arg23[%dma_wait3A_92, %dma_wait3A_93] : memref<50x80xi32, #tpu.memory_space<vmem>> -> memref<1x80xi32, #tpu.memory_space<vmem>>
        %dma_wait3A_95 = tpu.memref_squeeze %dma_wait3A_94 : memref<1x80xi32, #tpu.memory_space<vmem>> -> memref<80xi32, #tpu.memory_space<vmem>>
        %dma_wait3A_96 = arith.constant 0 : i32
        %dma_wait3A_97 = arith.constant 0 : i32
        %dma_wait3A_98 = tpu.memref_slice %arg20[%dma_wait3A_96, %dma_wait3A_97] : memref<10112x128xf32, #tpu.memory_space<vmem_shared>> -> memref<10112x128xf32, #tpu.memory_space<vmem_shared>>
        tpu.wait_indirect_dma semaphore(%arg29 : memref<!tpu.dma_semaphore, #tpu.memory_space<semaphore_mem>>) src(%arg24 : memref<80x128xf32, #tpu.memory_space<vmem>>) dst(%dma_wait3A_98 : memref<10112x128xf32, #tpu.memory_space<vmem_shared>>)
        %dma_wait3A_99 = arith.constant 0 : i32
        %dma_wait3A_100 = arith.constant 0 : i32
        %dma_wait3A_101 = tpu.memref_slice %arg23[%dma_wait3A_99, %dma_wait3A_100] : memref<50x80xi32, #tpu.memory_space<vmem>> -> memref<1x80xi32, #tpu.memory_space<vmem>>
        %dma_wait3A_102 = tpu.memref_squeeze %dma_wait3A_101 : memref<1x80xi32, #tpu.memory_space<vmem>> -> memref<80xi32, #tpu.memory_space<vmem>>
        %dma_wait3A_103 = arith.constant 0 : i32
        %dma_wait3A_104 = arith.constant 0 : i32
        %dma_wait3A_105 = tpu.memref_slice %arg21[%dma_wait3A_103, %dma_wait3A_104] : memref<10112x16xf32, #tpu.memory_space<vmem_shared>> -> memref<10112x16xf32, #tpu.memory_space<vmem_shared>>
        tpu.wait_indirect_dma semaphore(%arg31 : memref<!tpu.dma_semaphore, #tpu.memory_space<semaphore_mem>>) src(%arg26 : memref<80x16xf32, #tpu.memory_space<vmem>>) dst(%dma_wait3A_105 : memref<10112x16xf32, #tpu.memory_space<vmem_shared>>)
        %dma_start3A_106 = arith.constant 2 : i32
        %dma_start3A_107 = arith.constant 0 : i32
        %dma_start3A_108 = tpu.memref_slice %arg22[%dma_start3A_106, %dma_start3A_107] : memref<50x80xi32, #tpu.memory_space<vmem>> -> memref<1x80xi32, #tpu.memory_space<vmem>>
        %dma_start3A_109 = tpu.memref_squeeze %dma_start3A_108 : memref<1x80xi32, #tpu.memory_space<vmem>> -> memref<80xi32, #tpu.memory_space<vmem>>
        %dma_start3A_110 = arith.constant 0 : i32
        %dma_start3A_111 = arith.constant 0 : i32
        %dma_start3A_112 = tpu.memref_slice %arg2[%dma_start3A_110, %dma_start3A_111] : memref<10000x128xf32, #tpu.memory_space<hbm>> -> memref<10000x128xf32, #tpu.memory_space<hbm>>
        tpu.enqueue_indirect_dma source(%dma_start3A_112 : memref<10000x128xf32, #tpu.memory_space<hbm>>) target(%arg24 : memref<80x128xf32, #tpu.memory_space<vmem>>) offsets(%dma_start3A_109 : memref<80xi32, #tpu.memory_space<vmem>>) semaphore(%arg27 : memref<!tpu.dma_semaphore, #tpu.memory_space<semaphore_mem>>)
        %scan3A_113 = arith.constant 1 : i32
        %scan3A_114 = arith.constant 23 : i32
        %scan3A_115 = arith.addi %scan3A_113, %scan3A_114 : i32
        %scan3A_116 = arith.constant 1 : i32
        scf.for %scan3A_209 = %scan3A_113 to %scan3A_115 step %scan3A_116  : i32 {
          %mul3A_210 = arith.constant 2 : i32
          %mul3A_211 = arith.muli %mul3A_210, %scan3A_209 : i32
          %add3A_212 = arith.constant 1 : i32
          %add3A_213 = arith.addi %mul3A_211, %add3A_212 : i32
          %sub3A = arith.constant 2 : i32
          %sub3A_214 = arith.subi %add3A_213, %sub3A : i32
          %dma_wait3A_215 = arith.constant 0 : i32
          %dma_wait3A_216 = tpu.memref_slice %arg23[%sub3A_214, %dma_wait3A_215] : memref<50x80xi32, #tpu.memory_space<vmem>> -> memref<1x80xi32, #tpu.memory_space<vmem>>
          %dma_wait3A_217 = tpu.memref_squeeze %dma_wait3A_216 : memref<1x80xi32, #tpu.memory_space<vmem>> -> memref<80xi32, #tpu.memory_space<vmem>>
          %dma_wait3A_218 = arith.constant 0 : i32
          %dma_wait3A_219 = arith.constant 0 : i32
          %dma_wait3A_220 = tpu.memref_slice %arg20[%dma_wait3A_218, %dma_wait3A_219] : memref<10112x128xf32, #tpu.memory_space<vmem_shared>> -> memref<10112x128xf32, #tpu.memory_space<vmem_shared>>
          tpu.wait_indirect_dma semaphore(%arg30 : memref<!tpu.dma_semaphore, #tpu.memory_space<semaphore_mem>>) src(%arg25 : memref<80x128xf32, #tpu.memory_space<vmem>>) dst(%dma_wait3A_220 : memref<10112x128xf32, #tpu.memory_space<vmem_shared>>)
          %dma_wait3A_221 = arith.constant 0 : i32
          %dma_wait3A_222 = tpu.memref_slice %arg23[%sub3A_214, %dma_wait3A_221] : memref<50x80xi32, #tpu.memory_space<vmem>> -> memref<1x80xi32, #tpu.memory_space<vmem>>
          %dma_wait3A_223 = tpu.memref_squeeze %dma_wait3A_222 : memref<1x80xi32, #tpu.memory_space<vmem>> -> memref<80xi32, #tpu.memory_space<vmem>>
          %dma_wait3A_224 = arith.constant 0 : i32
          %dma_wait3A_225 = arith.constant 0 : i32
          %dma_wait3A_226 = tpu.memref_slice %arg21[%dma_wait3A_224, %dma_wait3A_225] : memref<10112x16xf32, #tpu.memory_space<vmem_shared>> -> memref<10112x16xf32, #tpu.memory_space<vmem_shared>>
          tpu.wait_indirect_dma semaphore(%arg32 : memref<!tpu.dma_semaphore, #tpu.memory_space<semaphore_mem>>) src(%arg26 : memref<80x16xf32, #tpu.memory_space<vmem>>) dst(%dma_wait3A_226 : memref<10112x16xf32, #tpu.memory_space<vmem_shared>>)
          %dma_start3A_227 = arith.constant 0 : i32
          %dma_start3A_228 = tpu.memref_slice %arg22[%add3A_213, %dma_start3A_227] : memref<50x80xi32, #tpu.memory_space<vmem>> -> memref<1x80xi32, #tpu.memory_space<vmem>>
          %dma_start3A_229 = tpu.memref_squeeze %dma_start3A_228 : memref<1x80xi32, #tpu.memory_space<vmem>> -> memref<80xi32, #tpu.memory_space<vmem>>
          %dma_start3A_230 = arith.constant 0 : i32
          %dma_start3A_231 = arith.constant 0 : i32
          %dma_start3A_232 = tpu.memref_slice %arg2[%dma_start3A_230, %dma_start3A_231] : memref<10000x128xf32, #tpu.memory_space<hbm>> -> memref<10000x128xf32, #tpu.memory_space<hbm>>
          tpu.enqueue_indirect_dma source(%dma_start3A_232 : memref<10000x128xf32, #tpu.memory_space<hbm>>) target(%arg25 : memref<80x128xf32, #tpu.memory_space<vmem>>) offsets(%dma_start3A_229 : memref<80xi32, #tpu.memory_space<vmem>>) semaphore(%arg28 : memref<!tpu.dma_semaphore, #tpu.memory_space<semaphore_mem>>)
          %dma_wait3A_233 = arith.constant 0 : i32
          %dma_wait3A_234 = tpu.memref_slice %arg22[%mul3A_211, %dma_wait3A_233] : memref<50x80xi32, #tpu.memory_space<vmem>> -> memref<1x80xi32, #tpu.memory_space<vmem>>
          %dma_wait3A_235 = tpu.memref_squeeze %dma_wait3A_234 : memref<1x80xi32, #tpu.memory_space<vmem>> -> memref<80xi32, #tpu.memory_space<vmem>>
          %dma_wait3A_236 = arith.constant 0 : i32
          %dma_wait3A_237 = arith.constant 0 : i32
          %dma_wait3A_238 = tpu.memref_slice %arg2[%dma_wait3A_236, %dma_wait3A_237] : memref<10000x128xf32, #tpu.memory_space<hbm>> -> memref<10000x128xf32, #tpu.memory_space<hbm>>
          tpu.wait_indirect_dma semaphore(%arg27 : memref<!tpu.dma_semaphore, #tpu.memory_space<semaphore_mem>>) src(%dma_wait3A_238 : memref<10000x128xf32, #tpu.memory_space<hbm>>) dst(%arg24 : memref<80x128xf32, #tpu.memory_space<vmem>>)
          %dma_start3A_239 = arith.constant 0 : i32
          %dma_start3A_240 = tpu.memref_slice %arg23[%mul3A_211, %dma_start3A_239] : memref<50x80xi32, #tpu.memory_space<vmem>> -> memref<1x80xi32, #tpu.memory_space<vmem>>
          %dma_start3A_241 = tpu.memref_squeeze %dma_start3A_240 : memref<1x80xi32, #tpu.memory_space<vmem>> -> memref<80xi32, #tpu.memory_space<vmem>>
          %dma_start3A_242 = arith.constant 0 : i32
          %dma_start3A_243 = arith.constant 0 : i32
          %dma_start3A_244 = tpu.memref_slice %arg20[%dma_start3A_242, %dma_start3A_243] : memref<10112x128xf32, #tpu.memory_space<vmem_shared>> -> memref<10112x128xf32, #tpu.memory_space<vmem_shared>>
          tpu.enqueue_indirect_dma source(%arg24 : memref<80x128xf32, #tpu.memory_space<vmem>>) target(%dma_start3A_244 : memref<10112x128xf32, #tpu.memory_space<vmem_shared>>) offsets(%dma_start3A_241 : memref<80xi32, #tpu.memory_space<vmem>>) semaphore(%arg29 : memref<!tpu.dma_semaphore, #tpu.memory_space<semaphore_mem>>) {add = true}
          %dma_start3A_245 = arith.constant 0 : i32
          %dma_start3A_246 = tpu.memref_slice %arg23[%mul3A_211, %dma_start3A_245] : memref<50x80xi32, #tpu.memory_space<vmem>> -> memref<1x80xi32, #tpu.memory_space<vmem>>
          %dma_start3A_247 = tpu.memref_squeeze %dma_start3A_246 : memref<1x80xi32, #tpu.memory_space<vmem>> -> memref<80xi32, #tpu.memory_space<vmem>>
          %dma_start3A_248 = arith.constant 0 : i32
          %dma_start3A_249 = arith.constant 0 : i32
          %dma_start3A_250 = tpu.memref_slice %arg21[%dma_start3A_248, %dma_start3A_249] : memref<10112x16xf32, #tpu.memory_space<vmem_shared>> -> memref<10112x16xf32, #tpu.memory_space<vmem_shared>>
          tpu.enqueue_indirect_dma source(%arg26 : memref<80x16xf32, #tpu.memory_space<vmem>>) target(%dma_start3A_250 : memref<10112x16xf32, #tpu.memory_space<vmem_shared>>) offsets(%dma_start3A_247 : memref<80xi32, #tpu.memory_space<vmem>>) semaphore(%arg31 : memref<!tpu.dma_semaphore, #tpu.memory_space<semaphore_mem>>) {add = true}
          %dma_wait3A_251 = arith.constant 0 : i32
          %dma_wait3A_252 = tpu.memref_slice %arg22[%add3A_213, %dma_wait3A_251] : memref<50x80xi32, #tpu.memory_space<vmem>> -> memref<1x80xi32, #tpu.memory_space<vmem>>
          %dma_wait3A_253 = tpu.memref_squeeze %dma_wait3A_252 : memref<1x80xi32, #tpu.memory_space<vmem>> -> memref<80xi32, #tpu.memory_space<vmem>>
          %dma_wait3A_254 = arith.constant 0 : i32
          %dma_wait3A_255 = arith.constant 0 : i32
          %dma_wait3A_256 = tpu.memref_slice %arg2[%dma_wait3A_254, %dma_wait3A_255] : memref<10000x128xf32, #tpu.memory_space<hbm>> -> memref<10000x128xf32, #tpu.memory_space<hbm>>
          tpu.wait_indirect_dma semaphore(%arg28 : memref<!tpu.dma_semaphore, #tpu.memory_space<semaphore_mem>>) src(%dma_wait3A_256 : memref<10000x128xf32, #tpu.memory_space<hbm>>) dst(%arg25 : memref<80x128xf32, #tpu.memory_space<vmem>>)
          %dma_start3A_257 = arith.constant 0 : i32
          %dma_start3A_258 = tpu.memref_slice %arg23[%add3A_213, %dma_start3A_257] : memref<50x80xi32, #tpu.memory_space<vmem>> -> memref<1x80xi32, #tpu.memory_space<vmem>>
          %dma_start3A_259 = tpu.memref_squeeze %dma_start3A_258 : memref<1x80xi32, #tpu.memory_space<vmem>> -> memref<80xi32, #tpu.memory_space<vmem>>
          %dma_start3A_260 = arith.constant 0 : i32
          %dma_start3A_261 = arith.constant 0 : i32
          %dma_start3A_262 = tpu.memref_slice %arg20[%dma_start3A_260, %dma_start3A_261] : memref<10112x128xf32, #tpu.memory_space<vmem_shared>> -> memref<10112x128xf32, #tpu.memory_space<vmem_shared>>
          tpu.enqueue_indirect_dma source(%arg25 : memref<80x128xf32, #tpu.memory_space<vmem>>) target(%dma_start3A_262 : memref<10112x128xf32, #tpu.memory_space<vmem_shared>>) offsets(%dma_start3A_259 : memref<80xi32, #tpu.memory_space<vmem>>) semaphore(%arg30 : memref<!tpu.dma_semaphore, #tpu.memory_space<semaphore_mem>>) {add = true}
          %dma_start3A_263 = arith.constant 0 : i32
          %dma_start3A_264 = tpu.memref_slice %arg23[%add3A_213, %dma_start3A_263] : memref<50x80xi32, #tpu.memory_space<vmem>> -> memref<1x80xi32, #tpu.memory_space<vmem>>
          %dma_start3A_265 = tpu.memref_squeeze %dma_start3A_264 : memref<1x80xi32, #tpu.memory_space<vmem>> -> memref<80xi32, #tpu.memory_space<vmem>>
          %dma_start3A_266 = arith.constant 0 : i32
          %dma_start3A_267 = arith.constant 0 : i32
          %dma_start3A_268 = tpu.memref_slice %arg21[%dma_start3A_266, %dma_start3A_267] : memref<10112x16xf32, #tpu.memory_space<vmem_shared>> -> memref<10112x16xf32, #tpu.memory_space<vmem_shared>>
          tpu.enqueue_indirect_dma source(%arg26 : memref<80x16xf32, #tpu.memory_space<vmem>>) target(%dma_start3A_268 : memref<10112x16xf32, #tpu.memory_space<vmem_shared>>) offsets(%dma_start3A_265 : memref<80xi32, #tpu.memory_space<vmem>>) semaphore(%arg32 : memref<!tpu.dma_semaphore, #tpu.memory_space<semaphore_mem>>) {add = true}
          %dma_wait3A_269 = arith.constant 0 : i32
          %dma_wait3A_270 = tpu.memref_slice %arg23[%mul3A_211, %dma_wait3A_269] : memref<50x80xi32, #tpu.memory_space<vmem>> -> memref<1x80xi32, #tpu.memory_space<vmem>>
          %dma_wait3A_271 = tpu.memref_squeeze %dma_wait3A_270 : memref<1x80xi32, #tpu.memory_space<vmem>> -> memref<80xi32, #tpu.memory_space<vmem>>
          %dma_wait3A_272 = arith.constant 0 : i32
          %dma_wait3A_273 = arith.constant 0 : i32
          %dma_wait3A_274 = tpu.memref_slice %arg20[%dma_wait3A_272, %dma_wait3A_273] : memref<10112x128xf32, #tpu.memory_space<vmem_shared>> -> memref<10112x128xf32, #tpu.memory_space<vmem_shared>>
          tpu.wait_indirect_dma semaphore(%arg29 : memref<!tpu.dma_semaphore, #tpu.memory_space<semaphore_mem>>) src(%arg24 : memref<80x128xf32, #tpu.memory_space<vmem>>) dst(%dma_wait3A_274 : memref<10112x128xf32, #tpu.memory_space<vmem_shared>>)
          %dma_wait3A_275 = arith.constant 0 : i32
          %dma_wait3A_276 = tpu.memref_slice %arg23[%mul3A_211, %dma_wait3A_275] : memref<50x80xi32, #tpu.memory_space<vmem>> -> memref<1x80xi32, #tpu.memory_space<vmem>>
          %dma_wait3A_277 = tpu.memref_squeeze %dma_wait3A_276 : memref<1x80xi32, #tpu.memory_space<vmem>> -> memref<80xi32, #tpu.memory_space<vmem>>
          %dma_wait3A_278 = arith.constant 0 : i32
          %dma_wait3A_279 = arith.constant 0 : i32
          %dma_wait3A_280 = tpu.memref_slice %arg21[%dma_wait3A_278, %dma_wait3A_279] : memref<10112x16xf32, #tpu.memory_space<vmem_shared>> -> memref<10112x16xf32, #tpu.memory_space<vmem_shared>>
          tpu.wait_indirect_dma semaphore(%arg31 : memref<!tpu.dma_semaphore, #tpu.memory_space<semaphore_mem>>) src(%arg26 : memref<80x16xf32, #tpu.memory_space<vmem>>) dst(%dma_wait3A_280 : memref<10112x16xf32, #tpu.memory_space<vmem_shared>>)
          %add3A_281 = arith.constant 2 : i32
          %add3A_282 = arith.addi %mul3A_211, %add3A_281 : i32
          %dma_start3A_283 = arith.constant 0 : i32
          %dma_start3A_284 = tpu.memref_slice %arg22[%add3A_282, %dma_start3A_283] : memref<50x80xi32, #tpu.memory_space<vmem>> -> memref<1x80xi32, #tpu.memory_space<vmem>>
          %dma_start3A_285 = tpu.memref_squeeze %dma_start3A_284 : memref<1x80xi32, #tpu.memory_space<vmem>> -> memref<80xi32, #tpu.memory_space<vmem>>
          %dma_start3A_286 = arith.constant 0 : i32
          %dma_start3A_287 = arith.constant 0 : i32
          %dma_start3A_288 = tpu.memref_slice %arg2[%dma_start3A_286, %dma_start3A_287] : memref<10000x128xf32, #tpu.memory_space<hbm>> -> memref<10000x128xf32, #tpu.memory_space<hbm>>
          tpu.enqueue_indirect_dma source(%dma_start3A_288 : memref<10000x128xf32, #tpu.memory_space<hbm>>) target(%arg24 : memref<80x128xf32, #tpu.memory_space<vmem>>) offsets(%dma_start3A_285 : memref<80xi32, #tpu.memory_space<vmem>>) semaphore(%arg27 : memref<!tpu.dma_semaphore, #tpu.memory_space<semaphore_mem>>)
        }
        %scan3A_117 = arith.constant 23 : i32
        %dma_wait3A_118 = arith.constant 47 : i32
        %dma_wait3A_119 = arith.constant 0 : i32
        %dma_wait3A_120 = tpu.memref_slice %arg23[%dma_wait3A_118, %dma_wait3A_119] : memref<50x80xi32, #tpu.memory_space<vmem>> -> memref<1x80xi32, #tpu.memory_space<vmem>>
        %dma_wait3A_121 = tpu.memref_squeeze %dma_wait3A_120 : memref<1x80xi32, #tpu.memory_space<vmem>> -> memref<80xi32, #tpu.memory_space<vmem>>
        %dma_wait3A_122 = arith.constant 0 : i32
        %dma_wait3A_123 = arith.constant 0 : i32
        %dma_wait3A_124 = tpu.memref_slice %arg20[%dma_wait3A_122, %dma_wait3A_123] : memref<10112x128xf32, #tpu.memory_space<vmem_shared>> -> memref<10112x128xf32, #tpu.memory_space<vmem_shared>>
        tpu.wait_indirect_dma semaphore(%arg30 : memref<!tpu.dma_semaphore, #tpu.memory_space<semaphore_mem>>) src(%arg25 : memref<80x128xf32, #tpu.memory_space<vmem>>) dst(%dma_wait3A_124 : memref<10112x128xf32, #tpu.memory_space<vmem_shared>>)
        %dma_wait3A_125 = arith.constant 47 : i32
        %dma_wait3A_126 = arith.constant 0 : i32
        %dma_wait3A_127 = tpu.memref_slice %arg23[%dma_wait3A_125, %dma_wait3A_126] : memref<50x80xi32, #tpu.memory_space<vmem>> -> memref<1x80xi32, #tpu.memory_space<vmem>>
        %dma_wait3A_128 = tpu.memref_squeeze %dma_wait3A_127 : memref<1x80xi32, #tpu.memory_space<vmem>> -> memref<80xi32, #tpu.memory_space<vmem>>
        %dma_wait3A_129 = arith.constant 0 : i32
        %dma_wait3A_130 = arith.constant 0 : i32
        %dma_wait3A_131 = tpu.memref_slice %arg21[%dma_wait3A_129, %dma_wait3A_130] : memref<10112x16xf32, #tpu.memory_space<vmem_shared>> -> memref<10112x16xf32, #tpu.memory_space<vmem_shared>>
        tpu.wait_indirect_dma semaphore(%arg32 : memref<!tpu.dma_semaphore, #tpu.memory_space<semaphore_mem>>) src(%arg26 : memref<80x16xf32, #tpu.memory_space<vmem>>) dst(%dma_wait3A_131 : memref<10112x16xf32, #tpu.memory_space<vmem_shared>>)
        %dma_start3A_132 = arith.constant 49 : i32
        %dma_start3A_133 = arith.constant 0 : i32
        %dma_start3A_134 = tpu.memref_slice %arg22[%dma_start3A_132, %dma_start3A_133] : memref<50x80xi32, #tpu.memory_space<vmem>> -> memref<1x80xi32, #tpu.memory_space<vmem>>
        %dma_start3A_135 = tpu.memref_squeeze %dma_start3A_134 : memref<1x80xi32, #tpu.memory_space<vmem>> -> memref<80xi32, #tpu.memory_space<vmem>>
        %dma_start3A_136 = arith.constant 0 : i32
        %dma_start3A_137 = arith.constant 0 : i32
        %dma_start3A_138 = tpu.memref_slice %arg2[%dma_start3A_136, %dma_start3A_137] : memref<10000x128xf32, #tpu.memory_space<hbm>> -> memref<10000x128xf32, #tpu.memory_space<hbm>>
        tpu.enqueue_indirect_dma source(%dma_start3A_138 : memref<10000x128xf32, #tpu.memory_space<hbm>>) target(%arg25 : memref<80x128xf32, #tpu.memory_space<vmem>>) offsets(%dma_start3A_135 : memref<80xi32, #tpu.memory_space<vmem>>) semaphore(%arg28 : memref<!tpu.dma_semaphore, #tpu.memory_space<semaphore_mem>>)
        %dma_wait3A_139 = arith.constant 48 : i32
        %dma_wait3A_140 = arith.constant 0 : i32
        %dma_wait3A_141 = tpu.memref_slice %arg22[%dma_wait3A_139, %dma_wait3A_140] : memref<50x80xi32, #tpu.memory_space<vmem>> -> memref<1x80xi32, #tpu.memory_space<vmem>>
        %dma_wait3A_142 = tpu.memref_squeeze %dma_wait3A_141 : memref<1x80xi32, #tpu.memory_space<vmem>> -> memref<80xi32, #tpu.memory_space<vmem>>
        %dma_wait3A_143 = arith.constant 0 : i32
        %dma_wait3A_144 = arith.constant 0 : i32
        %dma_wait3A_145 = tpu.memref_slice %arg2[%dma_wait3A_143, %dma_wait3A_144] : memref<10000x128xf32, #tpu.memory_space<hbm>> -> memref<10000x128xf32, #tpu.memory_space<hbm>>
        tpu.wait_indirect_dma semaphore(%arg27 : memref<!tpu.dma_semaphore, #tpu.memory_space<semaphore_mem>>) src(%dma_wait3A_145 : memref<10000x128xf32, #tpu.memory_space<hbm>>) dst(%arg24 : memref<80x128xf32, #tpu.memory_space<vmem>>)
        %dma_start3A_146 = arith.constant 48 : i32
        %dma_start3A_147 = arith.constant 0 : i32
        %dma_start3A_148 = tpu.memref_slice %arg23[%dma_start3A_146, %dma_start3A_147] : memref<50x80xi32, #tpu.memory_space<vmem>> -> memref<1x80xi32, #tpu.memory_space<vmem>>
        %dma_start3A_149 = tpu.memref_squeeze %dma_start3A_148 : memref<1x80xi32, #tpu.memory_space<vmem>> -> memref<80xi32, #tpu.memory_space<vmem>>
        %dma_start3A_150 = arith.constant 0 : i32
        %dma_start3A_151 = arith.constant 0 : i32
        %dma_start3A_152 = tpu.memref_slice %arg20[%dma_start3A_150, %dma_start3A_151] : memref<10112x128xf32, #tpu.memory_space<vmem_shared>> -> memref<10112x128xf32, #tpu.memory_space<vmem_shared>>
        tpu.enqueue_indirect_dma source(%arg24 : memref<80x128xf32, #tpu.memory_space<vmem>>) target(%dma_start3A_152 : memref<10112x128xf32, #tpu.memory_space<vmem_shared>>) offsets(%dma_start3A_149 : memref<80xi32, #tpu.memory_space<vmem>>) semaphore(%arg29 : memref<!tpu.dma_semaphore, #tpu.memory_space<semaphore_mem>>) {add = true}
        %dma_start3A_153 = arith.constant 48 : i32
        %dma_start3A_154 = arith.constant 0 : i32
        %dma_start3A_155 = tpu.memref_slice %arg23[%dma_start3A_153, %dma_start3A_154] : memref<50x80xi32, #tpu.memory_space<vmem>> -> memref<1x80xi32, #tpu.memory_space<vmem>>
        %dma_start3A_156 = tpu.memref_squeeze %dma_start3A_155 : memref<1x80xi32, #tpu.memory_space<vmem>> -> memref<80xi32, #tpu.memory_space<vmem>>
        %dma_start3A_157 = arith.constant 0 : i32
        %dma_start3A_158 = arith.constant 0 : i32
        %dma_start3A_159 = tpu.memref_slice %arg21[%dma_start3A_157, %dma_start3A_158] : memref<10112x16xf32, #tpu.memory_space<vmem_shared>> -> memref<10112x16xf32, #tpu.memory_space<vmem_shared>>
        tpu.enqueue_indirect_dma source(%arg26 : memref<80x16xf32, #tpu.memory_space<vmem>>) target(%dma_start3A_159 : memref<10112x16xf32, #tpu.memory_space<vmem_shared>>) offsets(%dma_start3A_156 : memref<80xi32, #tpu.memory_space<vmem>>) semaphore(%arg31 : memref<!tpu.dma_semaphore, #tpu.memory_space<semaphore_mem>>) {add = true}
        %dma_wait3A_160 = arith.constant 49 : i32
        %dma_wait3A_161 = arith.constant 0 : i32
        %dma_wait3A_162 = tpu.memref_slice %arg22[%dma_wait3A_160, %dma_wait3A_161] : memref<50x80xi32, #tpu.memory_space<vmem>> -> memref<1x80xi32, #tpu.memory_space<vmem>>
        %dma_wait3A_163 = tpu.memref_squeeze %dma_wait3A_162 : memref<1x80xi32, #tpu.memory_space<vmem>> -> memref<80xi32, #tpu.memory_space<vmem>>
        %dma_wait3A_164 = arith.constant 0 : i32
        %dma_wait3A_165 = arith.constant 0 : i32
        %dma_wait3A_166 = tpu.memref_slice %arg2[%dma_wait3A_164, %dma_wait3A_165] : memref<10000x128xf32, #tpu.memory_space<hbm>> -> memref<10000x128xf32, #tpu.memory_space<hbm>>
        tpu.wait_indirect_dma semaphore(%arg28 : memref<!tpu.dma_semaphore, #tpu.memory_space<semaphore_mem>>) src(%dma_wait3A_166 : memref<10000x128xf32, #tpu.memory_space<hbm>>) dst(%arg25 : memref<80x128xf32, #tpu.memory_space<vmem>>)
        %dma_start3A_167 = arith.constant 49 : i32
        %dma_start3A_168 = arith.constant 0 : i32
        %dma_start3A_169 = tpu.memref_slice %arg23[%dma_start3A_167, %dma_start3A_168] : memref<50x80xi32, #tpu.memory_space<vmem>> -> memref<1x80xi32, #tpu.memory_space<vmem>>
        %dma_start3A_170 = tpu.memref_squeeze %dma_start3A_169 : memref<1x80xi32, #tpu.memory_space<vmem>> -> memref<80xi32, #tpu.memory_space<vmem>>
        %dma_start3A_171 = arith.constant 0 : i32
        %dma_start3A_172 = arith.constant 0 : i32
        %dma_start3A_173 = tpu.memref_slice %arg20[%dma_start3A_171, %dma_start3A_172] : memref<10112x128xf32, #tpu.memory_space<vmem_shared>> -> memref<10112x128xf32, #tpu.memory_space<vmem_shared>>
        tpu.enqueue_indirect_dma source(%arg25 : memref<80x128xf32, #tpu.memory_space<vmem>>) target(%dma_start3A_173 : memref<10112x128xf32, #tpu.memory_space<vmem_shared>>) offsets(%dma_start3A_170 : memref<80xi32, #tpu.memory_space<vmem>>) semaphore(%arg30 : memref<!tpu.dma_semaphore, #tpu.memory_space<semaphore_mem>>) {add = true}
        %dma_start3A_174 = arith.constant 49 : i32
        %dma_start3A_175 = arith.constant 0 : i32
        %dma_start3A_176 = tpu.memref_slice %arg23[%dma_start3A_174, %dma_start3A_175] : memref<50x80xi32, #tpu.memory_space<vmem>> -> memref<1x80xi32, #tpu.memory_space<vmem>>
        %dma_start3A_177 = tpu.memref_squeeze %dma_start3A_176 : memref<1x80xi32, #tpu.memory_space<vmem>> -> memref<80xi32, #tpu.memory_space<vmem>>
        %dma_start3A_178 = arith.constant 0 : i32
        %dma_start3A_179 = arith.constant 0 : i32
        %dma_start3A_180 = tpu.memref_slice %arg21[%dma_start3A_178, %dma_start3A_179] : memref<10112x16xf32, #tpu.memory_space<vmem_shared>> -> memref<10112x16xf32, #tpu.memory_space<vmem_shared>>
        tpu.enqueue_indirect_dma source(%arg26 : memref<80x16xf32, #tpu.memory_space<vmem>>) target(%dma_start3A_180 : memref<10112x16xf32, #tpu.memory_space<vmem_shared>>) offsets(%dma_start3A_177 : memref<80xi32, #tpu.memory_space<vmem>>) semaphore(%arg32 : memref<!tpu.dma_semaphore, #tpu.memory_space<semaphore_mem>>) {add = true}
        %dma_wait3A_181 = arith.constant 48 : i32
        %dma_wait3A_182 = arith.constant 0 : i32
        %dma_wait3A_183 = tpu.memref_slice %arg23[%dma_wait3A_181, %dma_wait3A_182] : memref<50x80xi32, #tpu.memory_space<vmem>> -> memref<1x80xi32, #tpu.memory_space<vmem>>
        %dma_wait3A_184 = tpu.memref_squeeze %dma_wait3A_183 : memref<1x80xi32, #tpu.memory_space<vmem>> -> memref<80xi32, #tpu.memory_space<vmem>>
        %dma_wait3A_185 = arith.constant 0 : i32
        %dma_wait3A_186 = arith.constant 0 : i32
        %dma_wait3A_187 = tpu.memref_slice %arg20[%dma_wait3A_185, %dma_wait3A_186] : memref<10112x128xf32, #tpu.memory_space<vmem_shared>> -> memref<10112x128xf32, #tpu.memory_space<vmem_shared>>
        tpu.wait_indirect_dma semaphore(%arg29 : memref<!tpu.dma_semaphore, #tpu.memory_space<semaphore_mem>>) src(%arg24 : memref<80x128xf32, #tpu.memory_space<vmem>>) dst(%dma_wait3A_187 : memref<10112x128xf32, #tpu.memory_space<vmem_shared>>)
        %dma_wait3A_188 = arith.constant 48 : i32
        %dma_wait3A_189 = arith.constant 0 : i32
        %dma_wait3A_190 = tpu.memref_slice %arg23[%dma_wait3A_188, %dma_wait3A_189] : memref<50x80xi32, #tpu.memory_space<vmem>> -> memref<1x80xi32, #tpu.memory_space<vmem>>
        %dma_wait3A_191 = tpu.memref_squeeze %dma_wait3A_190 : memref<1x80xi32, #tpu.memory_space<vmem>> -> memref<80xi32, #tpu.memory_space<vmem>>
        %dma_wait3A_192 = arith.constant 0 : i32
        %dma_wait3A_193 = arith.constant 0 : i32
        %dma_wait3A_194 = tpu.memref_slice %arg21[%dma_wait3A_192, %dma_wait3A_193] : memref<10112x16xf32, #tpu.memory_space<vmem_shared>> -> memref<10112x16xf32, #tpu.memory_space<vmem_shared>>
        tpu.wait_indirect_dma semaphore(%arg31 : memref<!tpu.dma_semaphore, #tpu.memory_space<semaphore_mem>>) src(%arg26 : memref<80x16xf32, #tpu.memory_space<vmem>>) dst(%dma_wait3A_194 : memref<10112x16xf32, #tpu.memory_space<vmem_shared>>)
        %dma_wait3A_195 = arith.constant 49 : i32
        %dma_wait3A_196 = arith.constant 0 : i32
        %dma_wait3A_197 = tpu.memref_slice %arg23[%dma_wait3A_195, %dma_wait3A_196] : memref<50x80xi32, #tpu.memory_space<vmem>> -> memref<1x80xi32, #tpu.memory_space<vmem>>
        %dma_wait3A_198 = tpu.memref_squeeze %dma_wait3A_197 : memref<1x80xi32, #tpu.memory_space<vmem>> -> memref<80xi32, #tpu.memory_space<vmem>>
        %dma_wait3A_199 = arith.constant 0 : i32
        %dma_wait3A_200 = arith.constant 0 : i32
        %dma_wait3A_201 = tpu.memref_slice %arg20[%dma_wait3A_199, %dma_wait3A_200] : memref<10112x128xf32, #tpu.memory_space<vmem_shared>> -> memref<10112x128xf32, #tpu.memory_space<vmem_shared>>
        tpu.wait_indirect_dma semaphore(%arg30 : memref<!tpu.dma_semaphore, #tpu.memory_space<semaphore_mem>>) src(%arg25 : memref<80x128xf32, #tpu.memory_space<vmem>>) dst(%dma_wait3A_201 : memref<10112x128xf32, #tpu.memory_space<vmem_shared>>)
        %dma_wait3A_202 = arith.constant 49 : i32
        %dma_wait3A_203 = arith.constant 0 : i32
        %dma_wait3A_204 = tpu.memref_slice %arg23[%dma_wait3A_202, %dma_wait3A_203] : memref<50x80xi32, #tpu.memory_space<vmem>> -> memref<1x80xi32, #tpu.memory_space<vmem>>
        %dma_wait3A_205 = tpu.memref_squeeze %dma_wait3A_204 : memref<1x80xi32, #tpu.memory_space<vmem>> -> memref<80xi32, #tpu.memory_space<vmem>>
        %dma_wait3A_206 = arith.constant 0 : i32
        %dma_wait3A_207 = arith.constant 0 : i32
        %dma_wait3A_208 = tpu.memref_slice %arg21[%dma_wait3A_206, %dma_wait3A_207] : memref<10112x16xf32, #tpu.memory_space<vmem_shared>> -> memref<10112x16xf32, #tpu.memory_space<vmem_shared>>
        tpu.wait_indirect_dma semaphore(%arg32 : memref<!tpu.dma_semaphore, #tpu.memory_space<semaphore_mem>>) src(%arg26 : memref<80x16xf32, #tpu.memory_space<vmem>>) dst(%dma_wait3A_208 : memref<10112x16xf32, #tpu.memory_space<vmem_shared>>)
      }
      %scan3A_14 = arith.constant 5 : i32
      %barrier3A_15 = arith.constant 0 : index
      tpu.barrier barrier_id(%barrier3A_15)
      "tpu.region"() ({
        %run_scoped3A = tpu.sem_alloc : memref<!tpu.dma_semaphore, #tpu.memory_space<semaphore_mem>>
        %dma_start3A = arith.constant 0 : i32
        %dma_start3A_30 = tpu.memref_slice %arg12[%mul3A_7, %dma_start3A] : memref<10112x128xf32, #tpu.memory_space<hbm>> -> memref<632x128xf32, #tpu.memory_space<hbm>>
        %dma_start3A_31 = arith.constant 0 : i32
        %dma_start3A_32 = tpu.memref_slice %arg20[%mul3A_7, %dma_start3A_31] : memref<10112x128xf32, #tpu.memory_space<vmem_shared>> -> memref<632x128xf32, #tpu.memory_space<vmem_shared>>
        tpu.enqueue_dma source(%dma_start3A_32 : memref<632x128xf32, #tpu.memory_space<vmem_shared>>) target(%dma_start3A_30 : memref<632x128xf32, #tpu.memory_space<hbm>>) target_semaphore(%run_scoped3A : memref<!tpu.dma_semaphore, #tpu.memory_space<semaphore_mem>>)
        %dma_wait3A = arith.constant 0 : i32
        %dma_wait3A_33 = tpu.memref_slice %arg12[%mul3A_7, %dma_wait3A] : memref<10112x128xf32, #tpu.memory_space<hbm>> -> memref<632x128xf32, #tpu.memory_space<hbm>>
        %dma_wait3A_34 = arith.constant 0 : i32
        %dma_wait3A_35 = tpu.memref_slice %arg20[%mul3A_7, %dma_wait3A_34] : memref<10112x128xf32, #tpu.memory_space<vmem_shared>> -> memref<632x128xf32, #tpu.memory_space<vmem_shared>>
        tpu.wait_dma2 semaphore(%run_scoped3A : memref<!tpu.dma_semaphore, #tpu.memory_space<semaphore_mem>>) src(%dma_wait3A_35 : memref<632x128xf32, #tpu.memory_space<vmem_shared>>) dst(%dma_wait3A_33 : memref<632x128xf32, #tpu.memory_space<hbm>>)
        tpu.yield
      }) : () -> ()
      "tpu.region"() ({
        %run_scoped3A = tpu.sem_alloc : memref<!tpu.dma_semaphore, #tpu.memory_space<semaphore_mem>>
        %dma_start3A = arith.constant 0 : i32
        %dma_start3A_30 = tpu.memref_slice %arg13[%mul3A_7, %dma_start3A] : memref<10112x16xf32, #tpu.memory_space<hbm>> -> memref<632x16xf32, #tpu.memory_space<hbm>>
        %dma_start3A_31 = arith.constant 0 : i32
        %dma_start3A_32 = tpu.memref_slice %arg21[%mul3A_7, %dma_start3A_31] : memref<10112x16xf32, #tpu.memory_space<vmem_shared>> -> memref<632x16xf32, #tpu.memory_space<vmem_shared>>
        tpu.enqueue_dma source(%dma_start3A_32 : memref<632x16xf32, #tpu.memory_space<vmem_shared>>) target(%dma_start3A_30 : memref<632x16xf32, #tpu.memory_space<hbm>>) target_semaphore(%run_scoped3A : memref<!tpu.dma_semaphore, #tpu.memory_space<semaphore_mem>>)
        %dma_wait3A = arith.constant 0 : i32
        %dma_wait3A_33 = tpu.memref_slice %arg13[%mul3A_7, %dma_wait3A] : memref<10112x16xf32, #tpu.memory_space<hbm>> -> memref<632x16xf32, #tpu.memory_space<hbm>>
        %dma_wait3A_34 = arith.constant 0 : i32
        %dma_wait3A_35 = tpu.memref_slice %arg21[%mul3A_7, %dma_wait3A_34] : memref<10112x16xf32, #tpu.memory_space<vmem_shared>> -> memref<632x16xf32, #tpu.memory_space<vmem_shared>>
        tpu.wait_dma2 semaphore(%run_scoped3A : memref<!tpu.dma_semaphore, #tpu.memory_space<semaphore_mem>>) src(%dma_wait3A_35 : memref<632x16xf32, #tpu.memory_space<vmem_shared>>) dst(%dma_wait3A_33 : memref<632x16xf32, #tpu.memory_space<hbm>>)
        tpu.yield
      }) : () -> ()
      %barrier3A_16 = arith.constant 0 : index
      tpu.barrier barrier_id(%barrier3A_16)
      %mul3A_17 = arith.constant 632 : i32
      %mul3A_18 = arith.muli %arg1, %mul3A_17 : i32
      "tpu.region"() ({
        %run_scoped3A = tpu.sem_alloc : memref<!tpu.dma_semaphore, #tpu.memory_space<semaphore_mem>>
        %dma_start3A = arith.constant 0 : i32
        %dma_start3A_30 = tpu.memref_slice %arg20[%mul3A_18, %dma_start3A] : memref<10112x128xf32, #tpu.memory_space<vmem_shared>> -> memref<632x128xf32, #tpu.memory_space<vmem_shared>>
        tpu.enqueue_dma source(%arg9 : memref<632x128xf32, #tpu.memory_space<hbm>>) target(%dma_start3A_30 : memref<632x128xf32, #tpu.memory_space<vmem_shared>>) target_semaphore(%run_scoped3A : memref<!tpu.dma_semaphore, #tpu.memory_space<semaphore_mem>>)
        %dma_wait3A = arith.constant 0 : i32
        %dma_wait3A_31 = tpu.memref_slice %arg20[%mul3A_18, %dma_wait3A] : memref<10112x128xf32, #tpu.memory_space<vmem_shared>> -> memref<632x128xf32, #tpu.memory_space<vmem_shared>>
        tpu.wait_dma2 semaphore(%run_scoped3A : memref<!tpu.dma_semaphore, #tpu.memory_space<semaphore_mem>>) src(%arg9 : memref<632x128xf32, #tpu.memory_space<hbm>>) dst(%dma_wait3A_31 : memref<632x128xf32, #tpu.memory_space<vmem_shared>>)
        tpu.yield
      }) : () -> ()
      "tpu.region"() ({
        %run_scoped3A = tpu.sem_alloc : memref<!tpu.dma_semaphore, #tpu.memory_space<semaphore_mem>>
        %dma_start3A = arith.constant 0 : i32
        %dma_start3A_30 = tpu.memref_slice %arg21[%mul3A_18, %dma_start3A] : memref<10112x16xf32, #tpu.memory_space<vmem_shared>> -> memref<632x16xf32, #tpu.memory_space<vmem_shared>>
        tpu.enqueue_dma source(%arg10 : memref<632x16xf32, #tpu.memory_space<hbm>>) target(%dma_start3A_30 : memref<632x16xf32, #tpu.memory_space<vmem_shared>>) target_semaphore(%run_scoped3A : memref<!tpu.dma_semaphore, #tpu.memory_space<semaphore_mem>>)
        %dma_wait3A = arith.constant 0 : i32
        %dma_wait3A_31 = tpu.memref_slice %arg21[%mul3A_18, %dma_wait3A] : memref<10112x16xf32, #tpu.memory_space<vmem_shared>> -> memref<632x16xf32, #tpu.memory_space<vmem_shared>>
        tpu.wait_dma2 semaphore(%run_scoped3A : memref<!tpu.dma_semaphore, #tpu.memory_space<semaphore_mem>>) src(%arg10 : memref<632x16xf32, #tpu.memory_space<hbm>>) dst(%dma_wait3A_31 : memref<632x16xf32, #tpu.memory_space<vmem_shared>>)
        tpu.yield
      }) : () -> ()
      %barrier3A_19 = arith.constant 0 : index
      tpu.barrier barrier_id(%barrier3A_19)
      %mul3A_20 = arith.constant 250 : i32
      %mul3A_21 = arith.muli %arg1, %mul3A_20 : i32
      %scan3A_22 = arith.constant 0 : i32
      %scan3A_23 = arith.constant 0 : i32
      %scan3A_24 = arith.constant 5 : i32
      %scan3A_25 = arith.addi %scan3A_23, %scan3A_24 : i32
      %scan3A_26 = arith.constant 1 : i32
      scf.for %scan3A_30 = %scan3A_23 to %scan3A_25 step %scan3A_26  : i32 {
        %mul3A_31 = arith.constant 50 : i32
        %mul3A_32 = arith.muli %scan3A_30, %mul3A_31 : i32
        %add3A = arith.addi %mul3A_21, %mul3A_32 : i32
        "tpu.region"() ({
          %run_scoped3A = tpu.sem_alloc : memref<!tpu.dma_semaphore, #tpu.memory_space<semaphore_mem>>
          %dma_start3A_209 = arith.constant 0 : i32
          %dma_start3A_210 = tpu.memref_slice %arg6[%add3A, %dma_start3A_209] : memref<8000x80xi32, #tpu.memory_space<hbm>> -> memref<50x80xi32, #tpu.memory_space<hbm>>
          %dma_start3A_211 = arith.constant 0 : i32
          %dma_start3A_212 = tpu.memref_slice %arg6[%add3A, %dma_start3A_211] : memref<8000x80xi32, #tpu.memory_space<hbm>> -> memref<50x80xi32, #tpu.memory_space<hbm>>
          tpu.enqueue_dma source(%dma_start3A_212 : memref<50x80xi32, #tpu.memory_space<hbm>>) target(%arg22 : memref<50x80xi32, #tpu.memory_space<vmem>>) target_semaphore(%run_scoped3A : memref<!tpu.dma_semaphore, #tpu.memory_space<semaphore_mem>>)
          %dma_wait3A_213 = arith.constant 0 : i32
          %dma_wait3A_214 = tpu.memref_slice %arg6[%add3A, %dma_wait3A_213] : memref<8000x80xi32, #tpu.memory_space<hbm>> -> memref<50x80xi32, #tpu.memory_space<hbm>>
          %dma_wait3A_215 = arith.constant 0 : i32
          %dma_wait3A_216 = tpu.memref_slice %arg6[%add3A, %dma_wait3A_215] : memref<8000x80xi32, #tpu.memory_space<hbm>> -> memref<50x80xi32, #tpu.memory_space<hbm>>
          tpu.wait_dma2 semaphore(%run_scoped3A : memref<!tpu.dma_semaphore, #tpu.memory_space<semaphore_mem>>) src(%dma_wait3A_216 : memref<50x80xi32, #tpu.memory_space<hbm>>) dst(%arg22 : memref<50x80xi32, #tpu.memory_space<vmem>>)
          tpu.yield
        }) : () -> ()
        %add3A_33 = arith.constant 4000 : i32
        %add3A_34 = arith.addi %add3A_33, %mul3A_21 : i32
        %mul3A_35 = arith.constant 50 : i32
        %mul3A_36 = arith.muli %scan3A_30, %mul3A_35 : i32
        %add3A_37 = arith.addi %add3A_34, %mul3A_36 : i32
        "tpu.region"() ({
          %run_scoped3A = tpu.sem_alloc : memref<!tpu.dma_semaphore, #tpu.memory_space<semaphore_mem>>
          %dma_start3A_209 = arith.constant 0 : i32
          %dma_start3A_210 = tpu.memref_slice %arg6[%add3A_37, %dma_start3A_209] : memref<8000x80xi32, #tpu.memory_space<hbm>> -> memref<50x80xi32, #tpu.memory_space<hbm>>
          %dma_start3A_211 = arith.constant 0 : i32
          %dma_start3A_212 = tpu.memref_slice %arg6[%add3A_37, %dma_start3A_211] : memref<8000x80xi32, #tpu.memory_space<hbm>> -> memref<50x80xi32, #tpu.memory_space<hbm>>
          tpu.enqueue_dma source(%dma_start3A_212 : memref<50x80xi32, #tpu.memory_space<hbm>>) target(%arg23 : memref<50x80xi32, #tpu.memory_space<vmem>>) target_semaphore(%run_scoped3A : memref<!tpu.dma_semaphore, #tpu.memory_space<semaphore_mem>>)
          %dma_wait3A_213 = arith.constant 0 : i32
          %dma_wait3A_214 = tpu.memref_slice %arg6[%add3A_37, %dma_wait3A_213] : memref<8000x80xi32, #tpu.memory_space<hbm>> -> memref<50x80xi32, #tpu.memory_space<hbm>>
          %dma_wait3A_215 = arith.constant 0 : i32
          %dma_wait3A_216 = tpu.memref_slice %arg6[%add3A_37, %dma_wait3A_215] : memref<8000x80xi32, #tpu.memory_space<hbm>> -> memref<50x80xi32, #tpu.memory_space<hbm>>
          tpu.wait_dma2 semaphore(%run_scoped3A : memref<!tpu.dma_semaphore, #tpu.memory_space<semaphore_mem>>) src(%dma_wait3A_216 : memref<50x80xi32, #tpu.memory_space<hbm>>) dst(%arg23 : memref<50x80xi32, #tpu.memory_space<vmem>>)
          tpu.yield
        }) : () -> ()
        %dma_start3A = arith.constant 0 : i32
        %dma_start3A_38 = arith.constant 0 : i32
        %dma_start3A_39 = tpu.memref_slice %arg22[%dma_start3A, %dma_start3A_38] : memref<50x80xi32, #tpu.memory_space<vmem>> -> memref<1x80xi32, #tpu.memory_space<vmem>>
        %dma_start3A_40 = tpu.memref_squeeze %dma_start3A_39 : memref<1x80xi32, #tpu.memory_space<vmem>> -> memref<80xi32, #tpu.memory_space<vmem>>
        %dma_start3A_41 = arith.constant 0 : i32
        %dma_start3A_42 = arith.constant 0 : i32
        %dma_start3A_43 = tpu.memref_slice %arg3[%dma_start3A_41, %dma_start3A_42] : memref<10000x128xf32, #tpu.memory_space<hbm>> -> memref<10000x128xf32, #tpu.memory_space<hbm>>
        tpu.enqueue_indirect_dma source(%dma_start3A_43 : memref<10000x128xf32, #tpu.memory_space<hbm>>) target(%arg24 : memref<80x128xf32, #tpu.memory_space<vmem>>) offsets(%dma_start3A_40 : memref<80xi32, #tpu.memory_space<vmem>>) semaphore(%arg27 : memref<!tpu.dma_semaphore, #tpu.memory_space<semaphore_mem>>)
        %dma_start3A_44 = arith.constant 1 : i32
        %dma_start3A_45 = arith.constant 0 : i32
        %dma_start3A_46 = tpu.memref_slice %arg22[%dma_start3A_44, %dma_start3A_45] : memref<50x80xi32, #tpu.memory_space<vmem>> -> memref<1x80xi32, #tpu.memory_space<vmem>>
        %dma_start3A_47 = tpu.memref_squeeze %dma_start3A_46 : memref<1x80xi32, #tpu.memory_space<vmem>> -> memref<80xi32, #tpu.memory_space<vmem>>
        %dma_start3A_48 = arith.constant 0 : i32
        %dma_start3A_49 = arith.constant 0 : i32
        %dma_start3A_50 = tpu.memref_slice %arg3[%dma_start3A_48, %dma_start3A_49] : memref<10000x128xf32, #tpu.memory_space<hbm>> -> memref<10000x128xf32, #tpu.memory_space<hbm>>
        tpu.enqueue_indirect_dma source(%dma_start3A_50 : memref<10000x128xf32, #tpu.memory_space<hbm>>) target(%arg25 : memref<80x128xf32, #tpu.memory_space<vmem>>) offsets(%dma_start3A_47 : memref<80xi32, #tpu.memory_space<vmem>>) semaphore(%arg28 : memref<!tpu.dma_semaphore, #tpu.memory_space<semaphore_mem>>)
        %dma_wait3A = arith.constant 0 : i32
        %dma_wait3A_51 = arith.constant 0 : i32
        %dma_wait3A_52 = tpu.memref_slice %arg22[%dma_wait3A, %dma_wait3A_51] : memref<50x80xi32, #tpu.memory_space<vmem>> -> memref<1x80xi32, #tpu.memory_space<vmem>>
        %dma_wait3A_53 = tpu.memref_squeeze %dma_wait3A_52 : memref<1x80xi32, #tpu.memory_space<vmem>> -> memref<80xi32, #tpu.memory_space<vmem>>
        %dma_wait3A_54 = arith.constant 0 : i32
        %dma_wait3A_55 = arith.constant 0 : i32
        %dma_wait3A_56 = tpu.memref_slice %arg3[%dma_wait3A_54, %dma_wait3A_55] : memref<10000x128xf32, #tpu.memory_space<hbm>> -> memref<10000x128xf32, #tpu.memory_space<hbm>>
        tpu.wait_indirect_dma semaphore(%arg27 : memref<!tpu.dma_semaphore, #tpu.memory_space<semaphore_mem>>) src(%dma_wait3A_56 : memref<10000x128xf32, #tpu.memory_space<hbm>>) dst(%arg24 : memref<80x128xf32, #tpu.memory_space<vmem>>)
        %dma_start3A_57 = arith.constant 0 : i32
        %dma_start3A_58 = arith.constant 0 : i32
        %dma_start3A_59 = tpu.memref_slice %arg23[%dma_start3A_57, %dma_start3A_58] : memref<50x80xi32, #tpu.memory_space<vmem>> -> memref<1x80xi32, #tpu.memory_space<vmem>>
        %dma_start3A_60 = tpu.memref_squeeze %dma_start3A_59 : memref<1x80xi32, #tpu.memory_space<vmem>> -> memref<80xi32, #tpu.memory_space<vmem>>
        %dma_start3A_61 = arith.constant 0 : i32
        %dma_start3A_62 = arith.constant 0 : i32
        %dma_start3A_63 = tpu.memref_slice %arg20[%dma_start3A_61, %dma_start3A_62] : memref<10112x128xf32, #tpu.memory_space<vmem_shared>> -> memref<10112x128xf32, #tpu.memory_space<vmem_shared>>
        tpu.enqueue_indirect_dma source(%arg24 : memref<80x128xf32, #tpu.memory_space<vmem>>) target(%dma_start3A_63 : memref<10112x128xf32, #tpu.memory_space<vmem_shared>>) offsets(%dma_start3A_60 : memref<80xi32, #tpu.memory_space<vmem>>) semaphore(%arg29 : memref<!tpu.dma_semaphore, #tpu.memory_space<semaphore_mem>>) {add = true}
        %dma_start3A_64 = arith.constant 0 : i32
        %dma_start3A_65 = arith.constant 0 : i32
        %dma_start3A_66 = tpu.memref_slice %arg23[%dma_start3A_64, %dma_start3A_65] : memref<50x80xi32, #tpu.memory_space<vmem>> -> memref<1x80xi32, #tpu.memory_space<vmem>>
        %dma_start3A_67 = tpu.memref_squeeze %dma_start3A_66 : memref<1x80xi32, #tpu.memory_space<vmem>> -> memref<80xi32, #tpu.memory_space<vmem>>
        %dma_start3A_68 = arith.constant 0 : i32
        %dma_start3A_69 = arith.constant 0 : i32
        %dma_start3A_70 = tpu.memref_slice %arg21[%dma_start3A_68, %dma_start3A_69] : memref<10112x16xf32, #tpu.memory_space<vmem_shared>> -> memref<10112x16xf32, #tpu.memory_space<vmem_shared>>
        tpu.enqueue_indirect_dma source(%arg26 : memref<80x16xf32, #tpu.memory_space<vmem>>) target(%dma_start3A_70 : memref<10112x16xf32, #tpu.memory_space<vmem_shared>>) offsets(%dma_start3A_67 : memref<80xi32, #tpu.memory_space<vmem>>) semaphore(%arg31 : memref<!tpu.dma_semaphore, #tpu.memory_space<semaphore_mem>>) {add = true}
        %dma_wait3A_71 = arith.constant 1 : i32
        %dma_wait3A_72 = arith.constant 0 : i32
        %dma_wait3A_73 = tpu.memref_slice %arg22[%dma_wait3A_71, %dma_wait3A_72] : memref<50x80xi32, #tpu.memory_space<vmem>> -> memref<1x80xi32, #tpu.memory_space<vmem>>
        %dma_wait3A_74 = tpu.memref_squeeze %dma_wait3A_73 : memref<1x80xi32, #tpu.memory_space<vmem>> -> memref<80xi32, #tpu.memory_space<vmem>>
        %dma_wait3A_75 = arith.constant 0 : i32
        %dma_wait3A_76 = arith.constant 0 : i32
        %dma_wait3A_77 = tpu.memref_slice %arg3[%dma_wait3A_75, %dma_wait3A_76] : memref<10000x128xf32, #tpu.memory_space<hbm>> -> memref<10000x128xf32, #tpu.memory_space<hbm>>
        tpu.wait_indirect_dma semaphore(%arg28 : memref<!tpu.dma_semaphore, #tpu.memory_space<semaphore_mem>>) src(%dma_wait3A_77 : memref<10000x128xf32, #tpu.memory_space<hbm>>) dst(%arg25 : memref<80x128xf32, #tpu.memory_space<vmem>>)
        %dma_start3A_78 = arith.constant 1 : i32
        %dma_start3A_79 = arith.constant 0 : i32
        %dma_start3A_80 = tpu.memref_slice %arg23[%dma_start3A_78, %dma_start3A_79] : memref<50x80xi32, #tpu.memory_space<vmem>> -> memref<1x80xi32, #tpu.memory_space<vmem>>
        %dma_start3A_81 = tpu.memref_squeeze %dma_start3A_80 : memref<1x80xi32, #tpu.memory_space<vmem>> -> memref<80xi32, #tpu.memory_space<vmem>>
        %dma_start3A_82 = arith.constant 0 : i32
        %dma_start3A_83 = arith.constant 0 : i32
        %dma_start3A_84 = tpu.memref_slice %arg20[%dma_start3A_82, %dma_start3A_83] : memref<10112x128xf32, #tpu.memory_space<vmem_shared>> -> memref<10112x128xf32, #tpu.memory_space<vmem_shared>>
        tpu.enqueue_indirect_dma source(%arg25 : memref<80x128xf32, #tpu.memory_space<vmem>>) target(%dma_start3A_84 : memref<10112x128xf32, #tpu.memory_space<vmem_shared>>) offsets(%dma_start3A_81 : memref<80xi32, #tpu.memory_space<vmem>>) semaphore(%arg30 : memref<!tpu.dma_semaphore, #tpu.memory_space<semaphore_mem>>) {add = true}
        %dma_start3A_85 = arith.constant 1 : i32
        %dma_start3A_86 = arith.constant 0 : i32
        %dma_start3A_87 = tpu.memref_slice %arg23[%dma_start3A_85, %dma_start3A_86] : memref<50x80xi32, #tpu.memory_space<vmem>> -> memref<1x80xi32, #tpu.memory_space<vmem>>
        %dma_start3A_88 = tpu.memref_squeeze %dma_start3A_87 : memref<1x80xi32, #tpu.memory_space<vmem>> -> memref<80xi32, #tpu.memory_space<vmem>>
        %dma_start3A_89 = arith.constant 0 : i32
        %dma_start3A_90 = arith.constant 0 : i32
        %dma_start3A_91 = tpu.memref_slice %arg21[%dma_start3A_89, %dma_start3A_90] : memref<10112x16xf32, #tpu.memory_space<vmem_shared>> -> memref<10112x16xf32, #tpu.memory_space<vmem_shared>>
        tpu.enqueue_indirect_dma source(%arg26 : memref<80x16xf32, #tpu.memory_space<vmem>>) target(%dma_start3A_91 : memref<10112x16xf32, #tpu.memory_space<vmem_shared>>) offsets(%dma_start3A_88 : memref<80xi32, #tpu.memory_space<vmem>>) semaphore(%arg32 : memref<!tpu.dma_semaphore, #tpu.memory_space<semaphore_mem>>) {add = true}
        %dma_wait3A_92 = arith.constant 0 : i32
        %dma_wait3A_93 = arith.constant 0 : i32
        %dma_wait3A_94 = tpu.memref_slice %arg23[%dma_wait3A_92, %dma_wait3A_93] : memref<50x80xi32, #tpu.memory_space<vmem>> -> memref<1x80xi32, #tpu.memory_space<vmem>>
        %dma_wait3A_95 = tpu.memref_squeeze %dma_wait3A_94 : memref<1x80xi32, #tpu.memory_space<vmem>> -> memref<80xi32, #tpu.memory_space<vmem>>
        %dma_wait3A_96 = arith.constant 0 : i32
        %dma_wait3A_97 = arith.constant 0 : i32
        %dma_wait3A_98 = tpu.memref_slice %arg20[%dma_wait3A_96, %dma_wait3A_97] : memref<10112x128xf32, #tpu.memory_space<vmem_shared>> -> memref<10112x128xf32, #tpu.memory_space<vmem_shared>>
        tpu.wait_indirect_dma semaphore(%arg29 : memref<!tpu.dma_semaphore, #tpu.memory_space<semaphore_mem>>) src(%arg24 : memref<80x128xf32, #tpu.memory_space<vmem>>) dst(%dma_wait3A_98 : memref<10112x128xf32, #tpu.memory_space<vmem_shared>>)
        %dma_wait3A_99 = arith.constant 0 : i32
        %dma_wait3A_100 = arith.constant 0 : i32
        %dma_wait3A_101 = tpu.memref_slice %arg23[%dma_wait3A_99, %dma_wait3A_100] : memref<50x80xi32, #tpu.memory_space<vmem>> -> memref<1x80xi32, #tpu.memory_space<vmem>>
        %dma_wait3A_102 = tpu.memref_squeeze %dma_wait3A_101 : memref<1x80xi32, #tpu.memory_space<vmem>> -> memref<80xi32, #tpu.memory_space<vmem>>
        %dma_wait3A_103 = arith.constant 0 : i32
        %dma_wait3A_104 = arith.constant 0 : i32
        %dma_wait3A_105 = tpu.memref_slice %arg21[%dma_wait3A_103, %dma_wait3A_104] : memref<10112x16xf32, #tpu.memory_space<vmem_shared>> -> memref<10112x16xf32, #tpu.memory_space<vmem_shared>>
        tpu.wait_indirect_dma semaphore(%arg31 : memref<!tpu.dma_semaphore, #tpu.memory_space<semaphore_mem>>) src(%arg26 : memref<80x16xf32, #tpu.memory_space<vmem>>) dst(%dma_wait3A_105 : memref<10112x16xf32, #tpu.memory_space<vmem_shared>>)
        %dma_start3A_106 = arith.constant 2 : i32
        %dma_start3A_107 = arith.constant 0 : i32
        %dma_start3A_108 = tpu.memref_slice %arg22[%dma_start3A_106, %dma_start3A_107] : memref<50x80xi32, #tpu.memory_space<vmem>> -> memref<1x80xi32, #tpu.memory_space<vmem>>
        %dma_start3A_109 = tpu.memref_squeeze %dma_start3A_108 : memref<1x80xi32, #tpu.memory_space<vmem>> -> memref<80xi32, #tpu.memory_space<vmem>>
        %dma_start3A_110 = arith.constant 0 : i32
        %dma_start3A_111 = arith.constant 0 : i32
        %dma_start3A_112 = tpu.memref_slice %arg3[%dma_start3A_110, %dma_start3A_111] : memref<10000x128xf32, #tpu.memory_space<hbm>> -> memref<10000x128xf32, #tpu.memory_space<hbm>>
        tpu.enqueue_indirect_dma source(%dma_start3A_112 : memref<10000x128xf32, #tpu.memory_space<hbm>>) target(%arg24 : memref<80x128xf32, #tpu.memory_space<vmem>>) offsets(%dma_start3A_109 : memref<80xi32, #tpu.memory_space<vmem>>) semaphore(%arg27 : memref<!tpu.dma_semaphore, #tpu.memory_space<semaphore_mem>>)
        %scan3A_113 = arith.constant 1 : i32
        %scan3A_114 = arith.constant 23 : i32
        %scan3A_115 = arith.addi %scan3A_113, %scan3A_114 : i32
        %scan3A_116 = arith.constant 1 : i32
        scf.for %scan3A_209 = %scan3A_113 to %scan3A_115 step %scan3A_116  : i32 {
          %mul3A_210 = arith.constant 2 : i32
          %mul3A_211 = arith.muli %mul3A_210, %scan3A_209 : i32
          %add3A_212 = arith.constant 1 : i32
          %add3A_213 = arith.addi %mul3A_211, %add3A_212 : i32
          %sub3A = arith.constant 2 : i32
          %sub3A_214 = arith.subi %add3A_213, %sub3A : i32
          %dma_wait3A_215 = arith.constant 0 : i32
          %dma_wait3A_216 = tpu.memref_slice %arg23[%sub3A_214, %dma_wait3A_215] : memref<50x80xi32, #tpu.memory_space<vmem>> -> memref<1x80xi32, #tpu.memory_space<vmem>>
          %dma_wait3A_217 = tpu.memref_squeeze %dma_wait3A_216 : memref<1x80xi32, #tpu.memory_space<vmem>> -> memref<80xi32, #tpu.memory_space<vmem>>
          %dma_wait3A_218 = arith.constant 0 : i32
          %dma_wait3A_219 = arith.constant 0 : i32
          %dma_wait3A_220 = tpu.memref_slice %arg20[%dma_wait3A_218, %dma_wait3A_219] : memref<10112x128xf32, #tpu.memory_space<vmem_shared>> -> memref<10112x128xf32, #tpu.memory_space<vmem_shared>>
          tpu.wait_indirect_dma semaphore(%arg30 : memref<!tpu.dma_semaphore, #tpu.memory_space<semaphore_mem>>) src(%arg25 : memref<80x128xf32, #tpu.memory_space<vmem>>) dst(%dma_wait3A_220 : memref<10112x128xf32, #tpu.memory_space<vmem_shared>>)
          %dma_wait3A_221 = arith.constant 0 : i32
          %dma_wait3A_222 = tpu.memref_slice %arg23[%sub3A_214, %dma_wait3A_221] : memref<50x80xi32, #tpu.memory_space<vmem>> -> memref<1x80xi32, #tpu.memory_space<vmem>>
          %dma_wait3A_223 = tpu.memref_squeeze %dma_wait3A_222 : memref<1x80xi32, #tpu.memory_space<vmem>> -> memref<80xi32, #tpu.memory_space<vmem>>
          %dma_wait3A_224 = arith.constant 0 : i32
          %dma_wait3A_225 = arith.constant 0 : i32
          %dma_wait3A_226 = tpu.memref_slice %arg21[%dma_wait3A_224, %dma_wait3A_225] : memref<10112x16xf32, #tpu.memory_space<vmem_shared>> -> memref<10112x16xf32, #tpu.memory_space<vmem_shared>>
          tpu.wait_indirect_dma semaphore(%arg32 : memref<!tpu.dma_semaphore, #tpu.memory_space<semaphore_mem>>) src(%arg26 : memref<80x16xf32, #tpu.memory_space<vmem>>) dst(%dma_wait3A_226 : memref<10112x16xf32, #tpu.memory_space<vmem_shared>>)
          %dma_start3A_227 = arith.constant 0 : i32
          %dma_start3A_228 = tpu.memref_slice %arg22[%add3A_213, %dma_start3A_227] : memref<50x80xi32, #tpu.memory_space<vmem>> -> memref<1x80xi32, #tpu.memory_space<vmem>>
          %dma_start3A_229 = tpu.memref_squeeze %dma_start3A_228 : memref<1x80xi32, #tpu.memory_space<vmem>> -> memref<80xi32, #tpu.memory_space<vmem>>
          %dma_start3A_230 = arith.constant 0 : i32
          %dma_start3A_231 = arith.constant 0 : i32
          %dma_start3A_232 = tpu.memref_slice %arg3[%dma_start3A_230, %dma_start3A_231] : memref<10000x128xf32, #tpu.memory_space<hbm>> -> memref<10000x128xf32, #tpu.memory_space<hbm>>
          tpu.enqueue_indirect_dma source(%dma_start3A_232 : memref<10000x128xf32, #tpu.memory_space<hbm>>) target(%arg25 : memref<80x128xf32, #tpu.memory_space<vmem>>) offsets(%dma_start3A_229 : memref<80xi32, #tpu.memory_space<vmem>>) semaphore(%arg28 : memref<!tpu.dma_semaphore, #tpu.memory_space<semaphore_mem>>)
          %dma_wait3A_233 = arith.constant 0 : i32
          %dma_wait3A_234 = tpu.memref_slice %arg22[%mul3A_211, %dma_wait3A_233] : memref<50x80xi32, #tpu.memory_space<vmem>> -> memref<1x80xi32, #tpu.memory_space<vmem>>
          %dma_wait3A_235 = tpu.memref_squeeze %dma_wait3A_234 : memref<1x80xi32, #tpu.memory_space<vmem>> -> memref<80xi32, #tpu.memory_space<vmem>>
          %dma_wait3A_236 = arith.constant 0 : i32
          %dma_wait3A_237 = arith.constant 0 : i32
          %dma_wait3A_238 = tpu.memref_slice %arg3[%dma_wait3A_236, %dma_wait3A_237] : memref<10000x128xf32, #tpu.memory_space<hbm>> -> memref<10000x128xf32, #tpu.memory_space<hbm>>
          tpu.wait_indirect_dma semaphore(%arg27 : memref<!tpu.dma_semaphore, #tpu.memory_space<semaphore_mem>>) src(%dma_wait3A_238 : memref<10000x128xf32, #tpu.memory_space<hbm>>) dst(%arg24 : memref<80x128xf32, #tpu.memory_space<vmem>>)
          %dma_start3A_239 = arith.constant 0 : i32
          %dma_start3A_240 = tpu.memref_slice %arg23[%mul3A_211, %dma_start3A_239] : memref<50x80xi32, #tpu.memory_space<vmem>> -> memref<1x80xi32, #tpu.memory_space<vmem>>
          %dma_start3A_241 = tpu.memref_squeeze %dma_start3A_240 : memref<1x80xi32, #tpu.memory_space<vmem>> -> memref<80xi32, #tpu.memory_space<vmem>>
          %dma_start3A_242 = arith.constant 0 : i32
          %dma_start3A_243 = arith.constant 0 : i32
          %dma_start3A_244 = tpu.memref_slice %arg20[%dma_start3A_242, %dma_start3A_243] : memref<10112x128xf32, #tpu.memory_space<vmem_shared>> -> memref<10112x128xf32, #tpu.memory_space<vmem_shared>>
          tpu.enqueue_indirect_dma source(%arg24 : memref<80x128xf32, #tpu.memory_space<vmem>>) target(%dma_start3A_244 : memref<10112x128xf32, #tpu.memory_space<vmem_shared>>) offsets(%dma_start3A_241 : memref<80xi32, #tpu.memory_space<vmem>>) semaphore(%arg29 : memref<!tpu.dma_semaphore, #tpu.memory_space<semaphore_mem>>) {add = true}
          %dma_start3A_245 = arith.constant 0 : i32
          %dma_start3A_246 = tpu.memref_slice %arg23[%mul3A_211, %dma_start3A_245] : memref<50x80xi32, #tpu.memory_space<vmem>> -> memref<1x80xi32, #tpu.memory_space<vmem>>
          %dma_start3A_247 = tpu.memref_squeeze %dma_start3A_246 : memref<1x80xi32, #tpu.memory_space<vmem>> -> memref<80xi32, #tpu.memory_space<vmem>>
          %dma_start3A_248 = arith.constant 0 : i32
          %dma_start3A_249 = arith.constant 0 : i32
          %dma_start3A_250 = tpu.memref_slice %arg21[%dma_start3A_248, %dma_start3A_249] : memref<10112x16xf32, #tpu.memory_space<vmem_shared>> -> memref<10112x16xf32, #tpu.memory_space<vmem_shared>>
          tpu.enqueue_indirect_dma source(%arg26 : memref<80x16xf32, #tpu.memory_space<vmem>>) target(%dma_start3A_250 : memref<10112x16xf32, #tpu.memory_space<vmem_shared>>) offsets(%dma_start3A_247 : memref<80xi32, #tpu.memory_space<vmem>>) semaphore(%arg31 : memref<!tpu.dma_semaphore, #tpu.memory_space<semaphore_mem>>) {add = true}
          %dma_wait3A_251 = arith.constant 0 : i32
          %dma_wait3A_252 = tpu.memref_slice %arg22[%add3A_213, %dma_wait3A_251] : memref<50x80xi32, #tpu.memory_space<vmem>> -> memref<1x80xi32, #tpu.memory_space<vmem>>
          %dma_wait3A_253 = tpu.memref_squeeze %dma_wait3A_252 : memref<1x80xi32, #tpu.memory_space<vmem>> -> memref<80xi32, #tpu.memory_space<vmem>>
          %dma_wait3A_254 = arith.constant 0 : i32
          %dma_wait3A_255 = arith.constant 0 : i32
          %dma_wait3A_256 = tpu.memref_slice %arg3[%dma_wait3A_254, %dma_wait3A_255] : memref<10000x128xf32, #tpu.memory_space<hbm>> -> memref<10000x128xf32, #tpu.memory_space<hbm>>
          tpu.wait_indirect_dma semaphore(%arg28 : memref<!tpu.dma_semaphore, #tpu.memory_space<semaphore_mem>>) src(%dma_wait3A_256 : memref<10000x128xf32, #tpu.memory_space<hbm>>) dst(%arg25 : memref<80x128xf32, #tpu.memory_space<vmem>>)
          %dma_start3A_257 = arith.constant 0 : i32
          %dma_start3A_258 = tpu.memref_slice %arg23[%add3A_213, %dma_start3A_257] : memref<50x80xi32, #tpu.memory_space<vmem>> -> memref<1x80xi32, #tpu.memory_space<vmem>>
          %dma_start3A_259 = tpu.memref_squeeze %dma_start3A_258 : memref<1x80xi32, #tpu.memory_space<vmem>> -> memref<80xi32, #tpu.memory_space<vmem>>
          %dma_start3A_260 = arith.constant 0 : i32
          %dma_start3A_261 = arith.constant 0 : i32
          %dma_start3A_262 = tpu.memref_slice %arg20[%dma_start3A_260, %dma_start3A_261] : memref<10112x128xf32, #tpu.memory_space<vmem_shared>> -> memref<10112x128xf32, #tpu.memory_space<vmem_shared>>
          tpu.enqueue_indirect_dma source(%arg25 : memref<80x128xf32, #tpu.memory_space<vmem>>) target(%dma_start3A_262 : memref<10112x128xf32, #tpu.memory_space<vmem_shared>>) offsets(%dma_start3A_259 : memref<80xi32, #tpu.memory_space<vmem>>) semaphore(%arg30 : memref<!tpu.dma_semaphore, #tpu.memory_space<semaphore_mem>>) {add = true}
          %dma_start3A_263 = arith.constant 0 : i32
          %dma_start3A_264 = tpu.memref_slice %arg23[%add3A_213, %dma_start3A_263] : memref<50x80xi32, #tpu.memory_space<vmem>> -> memref<1x80xi32, #tpu.memory_space<vmem>>
          %dma_start3A_265 = tpu.memref_squeeze %dma_start3A_264 : memref<1x80xi32, #tpu.memory_space<vmem>> -> memref<80xi32, #tpu.memory_space<vmem>>
          %dma_start3A_266 = arith.constant 0 : i32
          %dma_start3A_267 = arith.constant 0 : i32
          %dma_start3A_268 = tpu.memref_slice %arg21[%dma_start3A_266, %dma_start3A_267] : memref<10112x16xf32, #tpu.memory_space<vmem_shared>> -> memref<10112x16xf32, #tpu.memory_space<vmem_shared>>
          tpu.enqueue_indirect_dma source(%arg26 : memref<80x16xf32, #tpu.memory_space<vmem>>) target(%dma_start3A_268 : memref<10112x16xf32, #tpu.memory_space<vmem_shared>>) offsets(%dma_start3A_265 : memref<80xi32, #tpu.memory_space<vmem>>) semaphore(%arg32 : memref<!tpu.dma_semaphore, #tpu.memory_space<semaphore_mem>>) {add = true}
          %dma_wait3A_269 = arith.constant 0 : i32
          %dma_wait3A_270 = tpu.memref_slice %arg23[%mul3A_211, %dma_wait3A_269] : memref<50x80xi32, #tpu.memory_space<vmem>> -> memref<1x80xi32, #tpu.memory_space<vmem>>
          %dma_wait3A_271 = tpu.memref_squeeze %dma_wait3A_270 : memref<1x80xi32, #tpu.memory_space<vmem>> -> memref<80xi32, #tpu.memory_space<vmem>>
          %dma_wait3A_272 = arith.constant 0 : i32
          %dma_wait3A_273 = arith.constant 0 : i32
          %dma_wait3A_274 = tpu.memref_slice %arg20[%dma_wait3A_272, %dma_wait3A_273] : memref<10112x128xf32, #tpu.memory_space<vmem_shared>> -> memref<10112x128xf32, #tpu.memory_space<vmem_shared>>
          tpu.wait_indirect_dma semaphore(%arg29 : memref<!tpu.dma_semaphore, #tpu.memory_space<semaphore_mem>>) src(%arg24 : memref<80x128xf32, #tpu.memory_space<vmem>>) dst(%dma_wait3A_274 : memref<10112x128xf32, #tpu.memory_space<vmem_shared>>)
          %dma_wait3A_275 = arith.constant 0 : i32
          %dma_wait3A_276 = tpu.memref_slice %arg23[%mul3A_211, %dma_wait3A_275] : memref<50x80xi32, #tpu.memory_space<vmem>> -> memref<1x80xi32, #tpu.memory_space<vmem>>
          %dma_wait3A_277 = tpu.memref_squeeze %dma_wait3A_276 : memref<1x80xi32, #tpu.memory_space<vmem>> -> memref<80xi32, #tpu.memory_space<vmem>>
          %dma_wait3A_278 = arith.constant 0 : i32
          %dma_wait3A_279 = arith.constant 0 : i32
          %dma_wait3A_280 = tpu.memref_slice %arg21[%dma_wait3A_278, %dma_wait3A_279] : memref<10112x16xf32, #tpu.memory_space<vmem_shared>> -> memref<10112x16xf32, #tpu.memory_space<vmem_shared>>
          tpu.wait_indirect_dma semaphore(%arg31 : memref<!tpu.dma_semaphore, #tpu.memory_space<semaphore_mem>>) src(%arg26 : memref<80x16xf32, #tpu.memory_space<vmem>>) dst(%dma_wait3A_280 : memref<10112x16xf32, #tpu.memory_space<vmem_shared>>)
          %add3A_281 = arith.constant 2 : i32
          %add3A_282 = arith.addi %mul3A_211, %add3A_281 : i32
          %dma_start3A_283 = arith.constant 0 : i32
          %dma_start3A_284 = tpu.memref_slice %arg22[%add3A_282, %dma_start3A_283] : memref<50x80xi32, #tpu.memory_space<vmem>> -> memref<1x80xi32, #tpu.memory_space<vmem>>
          %dma_start3A_285 = tpu.memref_squeeze %dma_start3A_284 : memref<1x80xi32, #tpu.memory_space<vmem>> -> memref<80xi32, #tpu.memory_space<vmem>>
          %dma_start3A_286 = arith.constant 0 : i32
          %dma_start3A_287 = arith.constant 0 : i32
          %dma_start3A_288 = tpu.memref_slice %arg3[%dma_start3A_286, %dma_start3A_287] : memref<10000x128xf32, #tpu.memory_space<hbm>> -> memref<10000x128xf32, #tpu.memory_space<hbm>>
          tpu.enqueue_indirect_dma source(%dma_start3A_288 : memref<10000x128xf32, #tpu.memory_space<hbm>>) target(%arg24 : memref<80x128xf32, #tpu.memory_space<vmem>>) offsets(%dma_start3A_285 : memref<80xi32, #tpu.memory_space<vmem>>) semaphore(%arg27 : memref<!tpu.dma_semaphore, #tpu.memory_space<semaphore_mem>>)
        }
        %scan3A_117 = arith.constant 23 : i32
        %dma_wait3A_118 = arith.constant 47 : i32
        %dma_wait3A_119 = arith.constant 0 : i32
        %dma_wait3A_120 = tpu.memref_slice %arg23[%dma_wait3A_118, %dma_wait3A_119] : memref<50x80xi32, #tpu.memory_space<vmem>> -> memref<1x80xi32, #tpu.memory_space<vmem>>
        %dma_wait3A_121 = tpu.memref_squeeze %dma_wait3A_120 : memref<1x80xi32, #tpu.memory_space<vmem>> -> memref<80xi32, #tpu.memory_space<vmem>>
        %dma_wait3A_122 = arith.constant 0 : i32
        %dma_wait3A_123 = arith.constant 0 : i32
        %dma_wait3A_124 = tpu.memref_slice %arg20[%dma_wait3A_122, %dma_wait3A_123] : memref<10112x128xf32, #tpu.memory_space<vmem_shared>> -> memref<10112x128xf32, #tpu.memory_space<vmem_shared>>
        tpu.wait_indirect_dma semaphore(%arg30 : memref<!tpu.dma_semaphore, #tpu.memory_space<semaphore_mem>>) src(%arg25 : memref<80x128xf32, #tpu.memory_space<vmem>>) dst(%dma_wait3A_124 : memref<10112x128xf32, #tpu.memory_space<vmem_shared>>)
        %dma_wait3A_125 = arith.constant 47 : i32
        %dma_wait3A_126 = arith.constant 0 : i32
        %dma_wait3A_127 = tpu.memref_slice %arg23[%dma_wait3A_125, %dma_wait3A_126] : memref<50x80xi32, #tpu.memory_space<vmem>> -> memref<1x80xi32, #tpu.memory_space<vmem>>
        %dma_wait3A_128 = tpu.memref_squeeze %dma_wait3A_127 : memref<1x80xi32, #tpu.memory_space<vmem>> -> memref<80xi32, #tpu.memory_space<vmem>>
        %dma_wait3A_129 = arith.constant 0 : i32
        %dma_wait3A_130 = arith.constant 0 : i32
        %dma_wait3A_131 = tpu.memref_slice %arg21[%dma_wait3A_129, %dma_wait3A_130] : memref<10112x16xf32, #tpu.memory_space<vmem_shared>> -> memref<10112x16xf32, #tpu.memory_space<vmem_shared>>
        tpu.wait_indirect_dma semaphore(%arg32 : memref<!tpu.dma_semaphore, #tpu.memory_space<semaphore_mem>>) src(%arg26 : memref<80x16xf32, #tpu.memory_space<vmem>>) dst(%dma_wait3A_131 : memref<10112x16xf32, #tpu.memory_space<vmem_shared>>)
        %dma_start3A_132 = arith.constant 49 : i32
        %dma_start3A_133 = arith.constant 0 : i32
        %dma_start3A_134 = tpu.memref_slice %arg22[%dma_start3A_132, %dma_start3A_133] : memref<50x80xi32, #tpu.memory_space<vmem>> -> memref<1x80xi32, #tpu.memory_space<vmem>>
        %dma_start3A_135 = tpu.memref_squeeze %dma_start3A_134 : memref<1x80xi32, #tpu.memory_space<vmem>> -> memref<80xi32, #tpu.memory_space<vmem>>
        %dma_start3A_136 = arith.constant 0 : i32
        %dma_start3A_137 = arith.constant 0 : i32
        %dma_start3A_138 = tpu.memref_slice %arg3[%dma_start3A_136, %dma_start3A_137] : memref<10000x128xf32, #tpu.memory_space<hbm>> -> memref<10000x128xf32, #tpu.memory_space<hbm>>
        tpu.enqueue_indirect_dma source(%dma_start3A_138 : memref<10000x128xf32, #tpu.memory_space<hbm>>) target(%arg25 : memref<80x128xf32, #tpu.memory_space<vmem>>) offsets(%dma_start3A_135 : memref<80xi32, #tpu.memory_space<vmem>>) semaphore(%arg28 : memref<!tpu.dma_semaphore, #tpu.memory_space<semaphore_mem>>)
        %dma_wait3A_139 = arith.constant 48 : i32
        %dma_wait3A_140 = arith.constant 0 : i32
        %dma_wait3A_141 = tpu.memref_slice %arg22[%dma_wait3A_139, %dma_wait3A_140] : memref<50x80xi32, #tpu.memory_space<vmem>> -> memref<1x80xi32, #tpu.memory_space<vmem>>
        %dma_wait3A_142 = tpu.memref_squeeze %dma_wait3A_141 : memref<1x80xi32, #tpu.memory_space<vmem>> -> memref<80xi32, #tpu.memory_space<vmem>>
        %dma_wait3A_143 = arith.constant 0 : i32
        %dma_wait3A_144 = arith.constant 0 : i32
        %dma_wait3A_145 = tpu.memref_slice %arg3[%dma_wait3A_143, %dma_wait3A_144] : memref<10000x128xf32, #tpu.memory_space<hbm>> -> memref<10000x128xf32, #tpu.memory_space<hbm>>
        tpu.wait_indirect_dma semaphore(%arg27 : memref<!tpu.dma_semaphore, #tpu.memory_space<semaphore_mem>>) src(%dma_wait3A_145 : memref<10000x128xf32, #tpu.memory_space<hbm>>) dst(%arg24 : memref<80x128xf32, #tpu.memory_space<vmem>>)
        %dma_start3A_146 = arith.constant 48 : i32
        %dma_start3A_147 = arith.constant 0 : i32
        %dma_start3A_148 = tpu.memref_slice %arg23[%dma_start3A_146, %dma_start3A_147] : memref<50x80xi32, #tpu.memory_space<vmem>> -> memref<1x80xi32, #tpu.memory_space<vmem>>
        %dma_start3A_149 = tpu.memref_squeeze %dma_start3A_148 : memref<1x80xi32, #tpu.memory_space<vmem>> -> memref<80xi32, #tpu.memory_space<vmem>>
        %dma_start3A_150 = arith.constant 0 : i32
        %dma_start3A_151 = arith.constant 0 : i32
        %dma_start3A_152 = tpu.memref_slice %arg20[%dma_start3A_150, %dma_start3A_151] : memref<10112x128xf32, #tpu.memory_space<vmem_shared>> -> memref<10112x128xf32, #tpu.memory_space<vmem_shared>>
        tpu.enqueue_indirect_dma source(%arg24 : memref<80x128xf32, #tpu.memory_space<vmem>>) target(%dma_start3A_152 : memref<10112x128xf32, #tpu.memory_space<vmem_shared>>) offsets(%dma_start3A_149 : memref<80xi32, #tpu.memory_space<vmem>>) semaphore(%arg29 : memref<!tpu.dma_semaphore, #tpu.memory_space<semaphore_mem>>) {add = true}
        %dma_start3A_153 = arith.constant 48 : i32
        %dma_start3A_154 = arith.constant 0 : i32
        %dma_start3A_155 = tpu.memref_slice %arg23[%dma_start3A_153, %dma_start3A_154] : memref<50x80xi32, #tpu.memory_space<vmem>> -> memref<1x80xi32, #tpu.memory_space<vmem>>
        %dma_start3A_156 = tpu.memref_squeeze %dma_start3A_155 : memref<1x80xi32, #tpu.memory_space<vmem>> -> memref<80xi32, #tpu.memory_space<vmem>>
        %dma_start3A_157 = arith.constant 0 : i32
        %dma_start3A_158 = arith.constant 0 : i32
        %dma_start3A_159 = tpu.memref_slice %arg21[%dma_start3A_157, %dma_start3A_158] : memref<10112x16xf32, #tpu.memory_space<vmem_shared>> -> memref<10112x16xf32, #tpu.memory_space<vmem_shared>>
        tpu.enqueue_indirect_dma source(%arg26 : memref<80x16xf32, #tpu.memory_space<vmem>>) target(%dma_start3A_159 : memref<10112x16xf32, #tpu.memory_space<vmem_shared>>) offsets(%dma_start3A_156 : memref<80xi32, #tpu.memory_space<vmem>>) semaphore(%arg31 : memref<!tpu.dma_semaphore, #tpu.memory_space<semaphore_mem>>) {add = true}
        %dma_wait3A_160 = arith.constant 49 : i32
        %dma_wait3A_161 = arith.constant 0 : i32
        %dma_wait3A_162 = tpu.memref_slice %arg22[%dma_wait3A_160, %dma_wait3A_161] : memref<50x80xi32, #tpu.memory_space<vmem>> -> memref<1x80xi32, #tpu.memory_space<vmem>>
        %dma_wait3A_163 = tpu.memref_squeeze %dma_wait3A_162 : memref<1x80xi32, #tpu.memory_space<vmem>> -> memref<80xi32, #tpu.memory_space<vmem>>
        %dma_wait3A_164 = arith.constant 0 : i32
        %dma_wait3A_165 = arith.constant 0 : i32
        %dma_wait3A_166 = tpu.memref_slice %arg3[%dma_wait3A_164, %dma_wait3A_165] : memref<10000x128xf32, #tpu.memory_space<hbm>> -> memref<10000x128xf32, #tpu.memory_space<hbm>>
        tpu.wait_indirect_dma semaphore(%arg28 : memref<!tpu.dma_semaphore, #tpu.memory_space<semaphore_mem>>) src(%dma_wait3A_166 : memref<10000x128xf32, #tpu.memory_space<hbm>>) dst(%arg25 : memref<80x128xf32, #tpu.memory_space<vmem>>)
        %dma_start3A_167 = arith.constant 49 : i32
        %dma_start3A_168 = arith.constant 0 : i32
        %dma_start3A_169 = tpu.memref_slice %arg23[%dma_start3A_167, %dma_start3A_168] : memref<50x80xi32, #tpu.memory_space<vmem>> -> memref<1x80xi32, #tpu.memory_space<vmem>>
        %dma_start3A_170 = tpu.memref_squeeze %dma_start3A_169 : memref<1x80xi32, #tpu.memory_space<vmem>> -> memref<80xi32, #tpu.memory_space<vmem>>
        %dma_start3A_171 = arith.constant 0 : i32
        %dma_start3A_172 = arith.constant 0 : i32
        %dma_start3A_173 = tpu.memref_slice %arg20[%dma_start3A_171, %dma_start3A_172] : memref<10112x128xf32, #tpu.memory_space<vmem_shared>> -> memref<10112x128xf32, #tpu.memory_space<vmem_shared>>
        tpu.enqueue_indirect_dma source(%arg25 : memref<80x128xf32, #tpu.memory_space<vmem>>) target(%dma_start3A_173 : memref<10112x128xf32, #tpu.memory_space<vmem_shared>>) offsets(%dma_start3A_170 : memref<80xi32, #tpu.memory_space<vmem>>) semaphore(%arg30 : memref<!tpu.dma_semaphore, #tpu.memory_space<semaphore_mem>>) {add = true}
        %dma_start3A_174 = arith.constant 49 : i32
        %dma_start3A_175 = arith.constant 0 : i32
        %dma_start3A_176 = tpu.memref_slice %arg23[%dma_start3A_174, %dma_start3A_175] : memref<50x80xi32, #tpu.memory_space<vmem>> -> memref<1x80xi32, #tpu.memory_space<vmem>>
        %dma_start3A_177 = tpu.memref_squeeze %dma_start3A_176 : memref<1x80xi32, #tpu.memory_space<vmem>> -> memref<80xi32, #tpu.memory_space<vmem>>
        %dma_start3A_178 = arith.constant 0 : i32
        %dma_start3A_179 = arith.constant 0 : i32
        %dma_start3A_180 = tpu.memref_slice %arg21[%dma_start3A_178, %dma_start3A_179] : memref<10112x16xf32, #tpu.memory_space<vmem_shared>> -> memref<10112x16xf32, #tpu.memory_space<vmem_shared>>
        tpu.enqueue_indirect_dma source(%arg26 : memref<80x16xf32, #tpu.memory_space<vmem>>) target(%dma_start3A_180 : memref<10112x16xf32, #tpu.memory_space<vmem_shared>>) offsets(%dma_start3A_177 : memref<80xi32, #tpu.memory_space<vmem>>) semaphore(%arg32 : memref<!tpu.dma_semaphore, #tpu.memory_space<semaphore_mem>>) {add = true}
        %dma_wait3A_181 = arith.constant 48 : i32
        %dma_wait3A_182 = arith.constant 0 : i32
        %dma_wait3A_183 = tpu.memref_slice %arg23[%dma_wait3A_181, %dma_wait3A_182] : memref<50x80xi32, #tpu.memory_space<vmem>> -> memref<1x80xi32, #tpu.memory_space<vmem>>
        %dma_wait3A_184 = tpu.memref_squeeze %dma_wait3A_183 : memref<1x80xi32, #tpu.memory_space<vmem>> -> memref<80xi32, #tpu.memory_space<vmem>>
        %dma_wait3A_185 = arith.constant 0 : i32
        %dma_wait3A_186 = arith.constant 0 : i32
        %dma_wait3A_187 = tpu.memref_slice %arg20[%dma_wait3A_185, %dma_wait3A_186] : memref<10112x128xf32, #tpu.memory_space<vmem_shared>> -> memref<10112x128xf32, #tpu.memory_space<vmem_shared>>
        tpu.wait_indirect_dma semaphore(%arg29 : memref<!tpu.dma_semaphore, #tpu.memory_space<semaphore_mem>>) src(%arg24 : memref<80x128xf32, #tpu.memory_space<vmem>>) dst(%dma_wait3A_187 : memref<10112x128xf32, #tpu.memory_space<vmem_shared>>)
        %dma_wait3A_188 = arith.constant 48 : i32
        %dma_wait3A_189 = arith.constant 0 : i32
        %dma_wait3A_190 = tpu.memref_slice %arg23[%dma_wait3A_188, %dma_wait3A_189] : memref<50x80xi32, #tpu.memory_space<vmem>> -> memref<1x80xi32, #tpu.memory_space<vmem>>
        %dma_wait3A_191 = tpu.memref_squeeze %dma_wait3A_190 : memref<1x80xi32, #tpu.memory_space<vmem>> -> memref<80xi32, #tpu.memory_space<vmem>>
        %dma_wait3A_192 = arith.constant 0 : i32
        %dma_wait3A_193 = arith.constant 0 : i32
        %dma_wait3A_194 = tpu.memref_slice %arg21[%dma_wait3A_192, %dma_wait3A_193] : memref<10112x16xf32, #tpu.memory_space<vmem_shared>> -> memref<10112x16xf32, #tpu.memory_space<vmem_shared>>
        tpu.wait_indirect_dma semaphore(%arg31 : memref<!tpu.dma_semaphore, #tpu.memory_space<semaphore_mem>>) src(%arg26 : memref<80x16xf32, #tpu.memory_space<vmem>>) dst(%dma_wait3A_194 : memref<10112x16xf32, #tpu.memory_space<vmem_shared>>)
        %dma_wait3A_195 = arith.constant 49 : i32
        %dma_wait3A_196 = arith.constant 0 : i32
        %dma_wait3A_197 = tpu.memref_slice %arg23[%dma_wait3A_195, %dma_wait3A_196] : memref<50x80xi32, #tpu.memory_space<vmem>> -> memref<1x80xi32, #tpu.memory_space<vmem>>
        %dma_wait3A_198 = tpu.memref_squeeze %dma_wait3A_197 : memref<1x80xi32, #tpu.memory_space<vmem>> -> memref<80xi32, #tpu.memory_space<vmem>>
        %dma_wait3A_199 = arith.constant 0 : i32
        %dma_wait3A_200 = arith.constant 0 : i32
        %dma_wait3A_201 = tpu.memref_slice %arg20[%dma_wait3A_199, %dma_wait3A_200] : memref<10112x128xf32, #tpu.memory_space<vmem_shared>> -> memref<10112x128xf32, #tpu.memory_space<vmem_shared>>
        tpu.wait_indirect_dma semaphore(%arg30 : memref<!tpu.dma_semaphore, #tpu.memory_space<semaphore_mem>>) src(%arg25 : memref<80x128xf32, #tpu.memory_space<vmem>>) dst(%dma_wait3A_201 : memref<10112x128xf32, #tpu.memory_space<vmem_shared>>)
        %dma_wait3A_202 = arith.constant 49 : i32
        %dma_wait3A_203 = arith.constant 0 : i32
        %dma_wait3A_204 = tpu.memref_slice %arg23[%dma_wait3A_202, %dma_wait3A_203] : memref<50x80xi32, #tpu.memory_space<vmem>> -> memref<1x80xi32, #tpu.memory_space<vmem>>
        %dma_wait3A_205 = tpu.memref_squeeze %dma_wait3A_204 : memref<1x80xi32, #tpu.memory_space<vmem>> -> memref<80xi32, #tpu.memory_space<vmem>>
        %dma_wait3A_206 = arith.constant 0 : i32
        %dma_wait3A_207 = arith.constant 0 : i32
        %dma_wait3A_208 = tpu.memref_slice %arg21[%dma_wait3A_206, %dma_wait3A_207] : memref<10112x16xf32, #tpu.memory_space<vmem_shared>> -> memref<10112x16xf32, #tpu.memory_space<vmem_shared>>
        tpu.wait_indirect_dma semaphore(%arg32 : memref<!tpu.dma_semaphore, #tpu.memory_space<semaphore_mem>>) src(%arg26 : memref<80x16xf32, #tpu.memory_space<vmem>>) dst(%dma_wait3A_208 : memref<10112x16xf32, #tpu.memory_space<vmem_shared>>)
      }
      %scan3A_27 = arith.constant 5 : i32
      %barrier3A_28 = arith.constant 0 : index
      tpu.barrier barrier_id(%barrier3A_28)
      "tpu.region"() ({
        %run_scoped3A = tpu.sem_alloc : memref<!tpu.dma_semaphore, #tpu.memory_space<semaphore_mem>>
        %dma_start3A = arith.constant 0 : i32
        %dma_start3A_30 = tpu.memref_slice %arg14[%mul3A_18, %dma_start3A] : memref<10112x128xf32, #tpu.memory_space<hbm>> -> memref<632x128xf32, #tpu.memory_space<hbm>>
        %dma_start3A_31 = arith.constant 0 : i32
        %dma_start3A_32 = tpu.memref_slice %arg20[%mul3A_18, %dma_start3A_31] : memref<10112x128xf32, #tpu.memory_space<vmem_shared>> -> memref<632x128xf32, #tpu.memory_space<vmem_shared>>
        tpu.enqueue_dma source(%dma_start3A_32 : memref<632x128xf32, #tpu.memory_space<vmem_shared>>) target(%dma_start3A_30 : memref<632x128xf32, #tpu.memory_space<hbm>>) target_semaphore(%run_scoped3A : memref<!tpu.dma_semaphore, #tpu.memory_space<semaphore_mem>>)
        %dma_wait3A = arith.constant 0 : i32
        %dma_wait3A_33 = tpu.memref_slice %arg14[%mul3A_18, %dma_wait3A] : memref<10112x128xf32, #tpu.memory_space<hbm>> -> memref<632x128xf32, #tpu.memory_space<hbm>>
        %dma_wait3A_34 = arith.constant 0 : i32
        %dma_wait3A_35 = tpu.memref_slice %arg20[%mul3A_18, %dma_wait3A_34] : memref<10112x128xf32, #tpu.memory_space<vmem_shared>> -> memref<632x128xf32, #tpu.memory_space<vmem_shared>>
        tpu.wait_dma2 semaphore(%run_scoped3A : memref<!tpu.dma_semaphore, #tpu.memory_space<semaphore_mem>>) src(%dma_wait3A_35 : memref<632x128xf32, #tpu.memory_space<vmem_shared>>) dst(%dma_wait3A_33 : memref<632x128xf32, #tpu.memory_space<hbm>>)
        tpu.yield
      }) : () -> ()
      "tpu.region"() ({
        %run_scoped3A = tpu.sem_alloc : memref<!tpu.dma_semaphore, #tpu.memory_space<semaphore_mem>>
        %dma_start3A = arith.constant 0 : i32
        %dma_start3A_30 = tpu.memref_slice %arg15[%mul3A_18, %dma_start3A] : memref<10112x16xf32, #tpu.memory_space<hbm>> -> memref<632x16xf32, #tpu.memory_space<hbm>>
        %dma_start3A_31 = arith.constant 0 : i32
        %dma_start3A_32 = tpu.memref_slice %arg21[%mul3A_18, %dma_start3A_31] : memref<10112x16xf32, #tpu.memory_space<vmem_shared>> -> memref<632x16xf32, #tpu.memory_space<vmem_shared>>
        tpu.enqueue_dma source(%dma_start3A_32 : memref<632x16xf32, #tpu.memory_space<vmem_shared>>) target(%dma_start3A_30 : memref<632x16xf32, #tpu.memory_space<hbm>>) target_semaphore(%run_scoped3A : memref<!tpu.dma_semaphore, #tpu.memory_space<semaphore_mem>>)
        %dma_wait3A = arith.constant 0 : i32
        %dma_wait3A_33 = tpu.memref_slice %arg15[%mul3A_18, %dma_wait3A] : memref<10112x16xf32, #tpu.memory_space<hbm>> -> memref<632x16xf32, #tpu.memory_space<hbm>>
        %dma_wait3A_34 = arith.constant 0 : i32
        %dma_wait3A_35 = tpu.memref_slice %arg21[%mul3A_18, %dma_wait3A_34] : memref<10112x16xf32, #tpu.memory_space<vmem_shared>> -> memref<632x16xf32, #tpu.memory_space<vmem_shared>>
        tpu.wait_dma2 semaphore(%run_scoped3A : memref<!tpu.dma_semaphore, #tpu.memory_space<semaphore_mem>>) src(%dma_wait3A_35 : memref<632x16xf32, #tpu.memory_space<vmem_shared>>) dst(%dma_wait3A_33 : memref<632x16xf32, #tpu.memory_space<hbm>>)
        tpu.yield
      }) : () -> ()
      %barrier3A_29 = arith.constant 0 : index
      tpu.barrier barrier_id(%barrier3A_29)
    } else {
    }
    %eq3A_2 = arith.constant 1 : i32
    %eq3A_3 = arith.cmpi eq, %arg0, %eq3A_2 : i32
    %convert_element_type3A_4 = arith.extui %eq3A_3 : i1 to i32
    %cond3A_5 = arith.constant 0 : i32
    %cond3A_6 = arith.cmpi ne, %convert_element_type3A_4, %cond3A_5 : i32
    scf.if %cond3A_6 {
      %mul3A = arith.constant 632 : i32
      %mul3A_7 = arith.muli %arg1, %mul3A : i32
      "tpu.region"() ({
        %run_scoped3A = tpu.sem_alloc : memref<!tpu.dma_semaphore, #tpu.memory_space<semaphore_mem>>
        %dma_start3A = arith.constant 0 : i32
        %dma_start3A_30 = tpu.memref_slice %arg20[%mul3A_7, %dma_start3A] : memref<10112x128xf32, #tpu.memory_space<vmem_shared>> -> memref<632x128xf32, #tpu.memory_space<vmem_shared>>
        tpu.enqueue_dma source(%arg9 : memref<632x128xf32, #tpu.memory_space<hbm>>) target(%dma_start3A_30 : memref<632x128xf32, #tpu.memory_space<vmem_shared>>) target_semaphore(%run_scoped3A : memref<!tpu.dma_semaphore, #tpu.memory_space<semaphore_mem>>)
        %dma_wait3A = arith.constant 0 : i32
        %dma_wait3A_31 = tpu.memref_slice %arg20[%mul3A_7, %dma_wait3A] : memref<10112x128xf32, #tpu.memory_space<vmem_shared>> -> memref<632x128xf32, #tpu.memory_space<vmem_shared>>
        tpu.wait_dma2 semaphore(%run_scoped3A : memref<!tpu.dma_semaphore, #tpu.memory_space<semaphore_mem>>) src(%arg9 : memref<632x128xf32, #tpu.memory_space<hbm>>) dst(%dma_wait3A_31 : memref<632x128xf32, #tpu.memory_space<vmem_shared>>)
        tpu.yield
      }) : () -> ()
      "tpu.region"() ({
        %run_scoped3A = tpu.sem_alloc : memref<!tpu.dma_semaphore, #tpu.memory_space<semaphore_mem>>
        %dma_start3A = arith.constant 0 : i32
        %dma_start3A_30 = tpu.memref_slice %arg21[%mul3A_7, %dma_start3A] : memref<10112x16xf32, #tpu.memory_space<vmem_shared>> -> memref<632x16xf32, #tpu.memory_space<vmem_shared>>
        tpu.enqueue_dma source(%arg10 : memref<632x16xf32, #tpu.memory_space<hbm>>) target(%dma_start3A_30 : memref<632x16xf32, #tpu.memory_space<vmem_shared>>) target_semaphore(%run_scoped3A : memref<!tpu.dma_semaphore, #tpu.memory_space<semaphore_mem>>)
        %dma_wait3A = arith.constant 0 : i32
        %dma_wait3A_31 = tpu.memref_slice %arg21[%mul3A_7, %dma_wait3A] : memref<10112x16xf32, #tpu.memory_space<vmem_shared>> -> memref<632x16xf32, #tpu.memory_space<vmem_shared>>
        tpu.wait_dma2 semaphore(%run_scoped3A : memref<!tpu.dma_semaphore, #tpu.memory_space<semaphore_mem>>) src(%arg10 : memref<632x16xf32, #tpu.memory_space<hbm>>) dst(%dma_wait3A_31 : memref<632x16xf32, #tpu.memory_space<vmem_shared>>)
        tpu.yield
      }) : () -> ()
      %barrier3A = arith.constant 0 : index
      tpu.barrier barrier_id(%barrier3A)
      %mul3A_8 = arith.constant 250 : i32
      %mul3A_9 = arith.muli %arg1, %mul3A_8 : i32
      %scan3A = arith.constant 0 : i32
      %scan3A_10 = arith.constant 0 : i32
      %scan3A_11 = arith.constant 5 : i32
      %scan3A_12 = arith.addi %scan3A_10, %scan3A_11 : i32
      %scan3A_13 = arith.constant 1 : i32
      scf.for %scan3A_30 = %scan3A_10 to %scan3A_12 step %scan3A_13  : i32 {
        %mul3A_31 = arith.constant 50 : i32
        %mul3A_32 = arith.muli %scan3A_30, %mul3A_31 : i32
        %add3A = arith.addi %mul3A_9, %mul3A_32 : i32
        "tpu.region"() ({
          %run_scoped3A = tpu.sem_alloc : memref<!tpu.dma_semaphore, #tpu.memory_space<semaphore_mem>>
          %dma_start3A_209 = arith.constant 0 : i32
          %dma_start3A_210 = tpu.memref_slice %arg7[%add3A, %dma_start3A_209] : memref<8000x80xi32, #tpu.memory_space<hbm>> -> memref<50x80xi32, #tpu.memory_space<hbm>>
          %dma_start3A_211 = arith.constant 0 : i32
          %dma_start3A_212 = tpu.memref_slice %arg7[%add3A, %dma_start3A_211] : memref<8000x80xi32, #tpu.memory_space<hbm>> -> memref<50x80xi32, #tpu.memory_space<hbm>>
          tpu.enqueue_dma source(%dma_start3A_212 : memref<50x80xi32, #tpu.memory_space<hbm>>) target(%arg22 : memref<50x80xi32, #tpu.memory_space<vmem>>) target_semaphore(%run_scoped3A : memref<!tpu.dma_semaphore, #tpu.memory_space<semaphore_mem>>)
          %dma_wait3A_213 = arith.constant 0 : i32
          %dma_wait3A_214 = tpu.memref_slice %arg7[%add3A, %dma_wait3A_213] : memref<8000x80xi32, #tpu.memory_space<hbm>> -> memref<50x80xi32, #tpu.memory_space<hbm>>
          %dma_wait3A_215 = arith.constant 0 : i32
          %dma_wait3A_216 = tpu.memref_slice %arg7[%add3A, %dma_wait3A_215] : memref<8000x80xi32, #tpu.memory_space<hbm>> -> memref<50x80xi32, #tpu.memory_space<hbm>>
          tpu.wait_dma2 semaphore(%run_scoped3A : memref<!tpu.dma_semaphore, #tpu.memory_space<semaphore_mem>>) src(%dma_wait3A_216 : memref<50x80xi32, #tpu.memory_space<hbm>>) dst(%arg22 : memref<50x80xi32, #tpu.memory_space<vmem>>)
          tpu.yield
        }) : () -> ()
        %add3A_33 = arith.constant 4000 : i32
        %add3A_34 = arith.addi %add3A_33, %mul3A_9 : i32
        %mul3A_35 = arith.constant 50 : i32
        %mul3A_36 = arith.muli %scan3A_30, %mul3A_35 : i32
        %add3A_37 = arith.addi %add3A_34, %mul3A_36 : i32
        "tpu.region"() ({
          %run_scoped3A = tpu.sem_alloc : memref<!tpu.dma_semaphore, #tpu.memory_space<semaphore_mem>>
          %dma_start3A_209 = arith.constant 0 : i32
          %dma_start3A_210 = tpu.memref_slice %arg7[%add3A_37, %dma_start3A_209] : memref<8000x80xi32, #tpu.memory_space<hbm>> -> memref<50x80xi32, #tpu.memory_space<hbm>>
          %dma_start3A_211 = arith.constant 0 : i32
          %dma_start3A_212 = tpu.memref_slice %arg7[%add3A_37, %dma_start3A_211] : memref<8000x80xi32, #tpu.memory_space<hbm>> -> memref<50x80xi32, #tpu.memory_space<hbm>>
          tpu.enqueue_dma source(%dma_start3A_212 : memref<50x80xi32, #tpu.memory_space<hbm>>) target(%arg23 : memref<50x80xi32, #tpu.memory_space<vmem>>) target_semaphore(%run_scoped3A : memref<!tpu.dma_semaphore, #tpu.memory_space<semaphore_mem>>)
          %dma_wait3A_213 = arith.constant 0 : i32
          %dma_wait3A_214 = tpu.memref_slice %arg7[%add3A_37, %dma_wait3A_213] : memref<8000x80xi32, #tpu.memory_space<hbm>> -> memref<50x80xi32, #tpu.memory_space<hbm>>
          %dma_wait3A_215 = arith.constant 0 : i32
          %dma_wait3A_216 = tpu.memref_slice %arg7[%add3A_37, %dma_wait3A_215] : memref<8000x80xi32, #tpu.memory_space<hbm>> -> memref<50x80xi32, #tpu.memory_space<hbm>>
          tpu.wait_dma2 semaphore(%run_scoped3A : memref<!tpu.dma_semaphore, #tpu.memory_space<semaphore_mem>>) src(%dma_wait3A_216 : memref<50x80xi32, #tpu.memory_space<hbm>>) dst(%arg23 : memref<50x80xi32, #tpu.memory_space<vmem>>)
          tpu.yield
        }) : () -> ()
        %dma_start3A = arith.constant 0 : i32
        %dma_start3A_38 = arith.constant 0 : i32
        %dma_start3A_39 = tpu.memref_slice %arg22[%dma_start3A, %dma_start3A_38] : memref<50x80xi32, #tpu.memory_space<vmem>> -> memref<1x80xi32, #tpu.memory_space<vmem>>
        %dma_start3A_40 = tpu.memref_squeeze %dma_start3A_39 : memref<1x80xi32, #tpu.memory_space<vmem>> -> memref<80xi32, #tpu.memory_space<vmem>>
        %dma_start3A_41 = arith.constant 0 : i32
        %dma_start3A_42 = arith.constant 0 : i32
        %dma_start3A_43 = tpu.memref_slice %arg2[%dma_start3A_41, %dma_start3A_42] : memref<10000x128xf32, #tpu.memory_space<hbm>> -> memref<10000x128xf32, #tpu.memory_space<hbm>>
        tpu.enqueue_indirect_dma source(%dma_start3A_43 : memref<10000x128xf32, #tpu.memory_space<hbm>>) target(%arg24 : memref<80x128xf32, #tpu.memory_space<vmem>>) offsets(%dma_start3A_40 : memref<80xi32, #tpu.memory_space<vmem>>) semaphore(%arg27 : memref<!tpu.dma_semaphore, #tpu.memory_space<semaphore_mem>>)
        %dma_start3A_44 = arith.constant 1 : i32
        %dma_start3A_45 = arith.constant 0 : i32
        %dma_start3A_46 = tpu.memref_slice %arg22[%dma_start3A_44, %dma_start3A_45] : memref<50x80xi32, #tpu.memory_space<vmem>> -> memref<1x80xi32, #tpu.memory_space<vmem>>
        %dma_start3A_47 = tpu.memref_squeeze %dma_start3A_46 : memref<1x80xi32, #tpu.memory_space<vmem>> -> memref<80xi32, #tpu.memory_space<vmem>>
        %dma_start3A_48 = arith.constant 0 : i32
        %dma_start3A_49 = arith.constant 0 : i32
        %dma_start3A_50 = tpu.memref_slice %arg2[%dma_start3A_48, %dma_start3A_49] : memref<10000x128xf32, #tpu.memory_space<hbm>> -> memref<10000x128xf32, #tpu.memory_space<hbm>>
        tpu.enqueue_indirect_dma source(%dma_start3A_50 : memref<10000x128xf32, #tpu.memory_space<hbm>>) target(%arg25 : memref<80x128xf32, #tpu.memory_space<vmem>>) offsets(%dma_start3A_47 : memref<80xi32, #tpu.memory_space<vmem>>) semaphore(%arg28 : memref<!tpu.dma_semaphore, #tpu.memory_space<semaphore_mem>>)
        %dma_wait3A = arith.constant 0 : i32
        %dma_wait3A_51 = arith.constant 0 : i32
        %dma_wait3A_52 = tpu.memref_slice %arg22[%dma_wait3A, %dma_wait3A_51] : memref<50x80xi32, #tpu.memory_space<vmem>> -> memref<1x80xi32, #tpu.memory_space<vmem>>
        %dma_wait3A_53 = tpu.memref_squeeze %dma_wait3A_52 : memref<1x80xi32, #tpu.memory_space<vmem>> -> memref<80xi32, #tpu.memory_space<vmem>>
        %dma_wait3A_54 = arith.constant 0 : i32
        %dma_wait3A_55 = arith.constant 0 : i32
        %dma_wait3A_56 = tpu.memref_slice %arg2[%dma_wait3A_54, %dma_wait3A_55] : memref<10000x128xf32, #tpu.memory_space<hbm>> -> memref<10000x128xf32, #tpu.memory_space<hbm>>
        tpu.wait_indirect_dma semaphore(%arg27 : memref<!tpu.dma_semaphore, #tpu.memory_space<semaphore_mem>>) src(%dma_wait3A_56 : memref<10000x128xf32, #tpu.memory_space<hbm>>) dst(%arg24 : memref<80x128xf32, #tpu.memory_space<vmem>>)
        %dma_start3A_57 = arith.constant 0 : i32
        %dma_start3A_58 = arith.constant 0 : i32
        %dma_start3A_59 = tpu.memref_slice %arg23[%dma_start3A_57, %dma_start3A_58] : memref<50x80xi32, #tpu.memory_space<vmem>> -> memref<1x80xi32, #tpu.memory_space<vmem>>
        %dma_start3A_60 = tpu.memref_squeeze %dma_start3A_59 : memref<1x80xi32, #tpu.memory_space<vmem>> -> memref<80xi32, #tpu.memory_space<vmem>>
        %dma_start3A_61 = arith.constant 0 : i32
        %dma_start3A_62 = arith.constant 0 : i32
        %dma_start3A_63 = tpu.memref_slice %arg20[%dma_start3A_61, %dma_start3A_62] : memref<10112x128xf32, #tpu.memory_space<vmem_shared>> -> memref<10112x128xf32, #tpu.memory_space<vmem_shared>>
        tpu.enqueue_indirect_dma source(%arg24 : memref<80x128xf32, #tpu.memory_space<vmem>>) target(%dma_start3A_63 : memref<10112x128xf32, #tpu.memory_space<vmem_shared>>) offsets(%dma_start3A_60 : memref<80xi32, #tpu.memory_space<vmem>>) semaphore(%arg29 : memref<!tpu.dma_semaphore, #tpu.memory_space<semaphore_mem>>) {add = true}
        %dma_start3A_64 = arith.constant 0 : i32
        %dma_start3A_65 = arith.constant 0 : i32
        %dma_start3A_66 = tpu.memref_slice %arg23[%dma_start3A_64, %dma_start3A_65] : memref<50x80xi32, #tpu.memory_space<vmem>> -> memref<1x80xi32, #tpu.memory_space<vmem>>
        %dma_start3A_67 = tpu.memref_squeeze %dma_start3A_66 : memref<1x80xi32, #tpu.memory_space<vmem>> -> memref<80xi32, #tpu.memory_space<vmem>>
        %dma_start3A_68 = arith.constant 0 : i32
        %dma_start3A_69 = arith.constant 0 : i32
        %dma_start3A_70 = tpu.memref_slice %arg21[%dma_start3A_68, %dma_start3A_69] : memref<10112x16xf32, #tpu.memory_space<vmem_shared>> -> memref<10112x16xf32, #tpu.memory_space<vmem_shared>>
        tpu.enqueue_indirect_dma source(%arg26 : memref<80x16xf32, #tpu.memory_space<vmem>>) target(%dma_start3A_70 : memref<10112x16xf32, #tpu.memory_space<vmem_shared>>) offsets(%dma_start3A_67 : memref<80xi32, #tpu.memory_space<vmem>>) semaphore(%arg31 : memref<!tpu.dma_semaphore, #tpu.memory_space<semaphore_mem>>) {add = true}
        %dma_wait3A_71 = arith.constant 1 : i32
        %dma_wait3A_72 = arith.constant 0 : i32
        %dma_wait3A_73 = tpu.memref_slice %arg22[%dma_wait3A_71, %dma_wait3A_72] : memref<50x80xi32, #tpu.memory_space<vmem>> -> memref<1x80xi32, #tpu.memory_space<vmem>>
        %dma_wait3A_74 = tpu.memref_squeeze %dma_wait3A_73 : memref<1x80xi32, #tpu.memory_space<vmem>> -> memref<80xi32, #tpu.memory_space<vmem>>
        %dma_wait3A_75 = arith.constant 0 : i32
        %dma_wait3A_76 = arith.constant 0 : i32
        %dma_wait3A_77 = tpu.memref_slice %arg2[%dma_wait3A_75, %dma_wait3A_76] : memref<10000x128xf32, #tpu.memory_space<hbm>> -> memref<10000x128xf32, #tpu.memory_space<hbm>>
        tpu.wait_indirect_dma semaphore(%arg28 : memref<!tpu.dma_semaphore, #tpu.memory_space<semaphore_mem>>) src(%dma_wait3A_77 : memref<10000x128xf32, #tpu.memory_space<hbm>>) dst(%arg25 : memref<80x128xf32, #tpu.memory_space<vmem>>)
        %dma_start3A_78 = arith.constant 1 : i32
        %dma_start3A_79 = arith.constant 0 : i32
        %dma_start3A_80 = tpu.memref_slice %arg23[%dma_start3A_78, %dma_start3A_79] : memref<50x80xi32, #tpu.memory_space<vmem>> -> memref<1x80xi32, #tpu.memory_space<vmem>>
        %dma_start3A_81 = tpu.memref_squeeze %dma_start3A_80 : memref<1x80xi32, #tpu.memory_space<vmem>> -> memref<80xi32, #tpu.memory_space<vmem>>
        %dma_start3A_82 = arith.constant 0 : i32
        %dma_start3A_83 = arith.constant 0 : i32
        %dma_start3A_84 = tpu.memref_slice %arg20[%dma_start3A_82, %dma_start3A_83] : memref<10112x128xf32, #tpu.memory_space<vmem_shared>> -> memref<10112x128xf32, #tpu.memory_space<vmem_shared>>
        tpu.enqueue_indirect_dma source(%arg25 : memref<80x128xf32, #tpu.memory_space<vmem>>) target(%dma_start3A_84 : memref<10112x128xf32, #tpu.memory_space<vmem_shared>>) offsets(%dma_start3A_81 : memref<80xi32, #tpu.memory_space<vmem>>) semaphore(%arg30 : memref<!tpu.dma_semaphore, #tpu.memory_space<semaphore_mem>>) {add = true}
        %dma_start3A_85 = arith.constant 1 : i32
        %dma_start3A_86 = arith.constant 0 : i32
        %dma_start3A_87 = tpu.memref_slice %arg23[%dma_start3A_85, %dma_start3A_86] : memref<50x80xi32, #tpu.memory_space<vmem>> -> memref<1x80xi32, #tpu.memory_space<vmem>>
        %dma_start3A_88 = tpu.memref_squeeze %dma_start3A_87 : memref<1x80xi32, #tpu.memory_space<vmem>> -> memref<80xi32, #tpu.memory_space<vmem>>
        %dma_start3A_89 = arith.constant 0 : i32
        %dma_start3A_90 = arith.constant 0 : i32
        %dma_start3A_91 = tpu.memref_slice %arg21[%dma_start3A_89, %dma_start3A_90] : memref<10112x16xf32, #tpu.memory_space<vmem_shared>> -> memref<10112x16xf32, #tpu.memory_space<vmem_shared>>
        tpu.enqueue_indirect_dma source(%arg26 : memref<80x16xf32, #tpu.memory_space<vmem>>) target(%dma_start3A_91 : memref<10112x16xf32, #tpu.memory_space<vmem_shared>>) offsets(%dma_start3A_88 : memref<80xi32, #tpu.memory_space<vmem>>) semaphore(%arg32 : memref<!tpu.dma_semaphore, #tpu.memory_space<semaphore_mem>>) {add = true}
        %dma_wait3A_92 = arith.constant 0 : i32
        %dma_wait3A_93 = arith.constant 0 : i32
        %dma_wait3A_94 = tpu.memref_slice %arg23[%dma_wait3A_92, %dma_wait3A_93] : memref<50x80xi32, #tpu.memory_space<vmem>> -> memref<1x80xi32, #tpu.memory_space<vmem>>
        %dma_wait3A_95 = tpu.memref_squeeze %dma_wait3A_94 : memref<1x80xi32, #tpu.memory_space<vmem>> -> memref<80xi32, #tpu.memory_space<vmem>>
        %dma_wait3A_96 = arith.constant 0 : i32
        %dma_wait3A_97 = arith.constant 0 : i32
        %dma_wait3A_98 = tpu.memref_slice %arg20[%dma_wait3A_96, %dma_wait3A_97] : memref<10112x128xf32, #tpu.memory_space<vmem_shared>> -> memref<10112x128xf32, #tpu.memory_space<vmem_shared>>
        tpu.wait_indirect_dma semaphore(%arg29 : memref<!tpu.dma_semaphore, #tpu.memory_space<semaphore_mem>>) src(%arg24 : memref<80x128xf32, #tpu.memory_space<vmem>>) dst(%dma_wait3A_98 : memref<10112x128xf32, #tpu.memory_space<vmem_shared>>)
        %dma_wait3A_99 = arith.constant 0 : i32
        %dma_wait3A_100 = arith.constant 0 : i32
        %dma_wait3A_101 = tpu.memref_slice %arg23[%dma_wait3A_99, %dma_wait3A_100] : memref<50x80xi32, #tpu.memory_space<vmem>> -> memref<1x80xi32, #tpu.memory_space<vmem>>
        %dma_wait3A_102 = tpu.memref_squeeze %dma_wait3A_101 : memref<1x80xi32, #tpu.memory_space<vmem>> -> memref<80xi32, #tpu.memory_space<vmem>>
        %dma_wait3A_103 = arith.constant 0 : i32
        %dma_wait3A_104 = arith.constant 0 : i32
        %dma_wait3A_105 = tpu.memref_slice %arg21[%dma_wait3A_103, %dma_wait3A_104] : memref<10112x16xf32, #tpu.memory_space<vmem_shared>> -> memref<10112x16xf32, #tpu.memory_space<vmem_shared>>
        tpu.wait_indirect_dma semaphore(%arg31 : memref<!tpu.dma_semaphore, #tpu.memory_space<semaphore_mem>>) src(%arg26 : memref<80x16xf32, #tpu.memory_space<vmem>>) dst(%dma_wait3A_105 : memref<10112x16xf32, #tpu.memory_space<vmem_shared>>)
        %dma_start3A_106 = arith.constant 2 : i32
        %dma_start3A_107 = arith.constant 0 : i32
        %dma_start3A_108 = tpu.memref_slice %arg22[%dma_start3A_106, %dma_start3A_107] : memref<50x80xi32, #tpu.memory_space<vmem>> -> memref<1x80xi32, #tpu.memory_space<vmem>>
        %dma_start3A_109 = tpu.memref_squeeze %dma_start3A_108 : memref<1x80xi32, #tpu.memory_space<vmem>> -> memref<80xi32, #tpu.memory_space<vmem>>
        %dma_start3A_110 = arith.constant 0 : i32
        %dma_start3A_111 = arith.constant 0 : i32
        %dma_start3A_112 = tpu.memref_slice %arg2[%dma_start3A_110, %dma_start3A_111] : memref<10000x128xf32, #tpu.memory_space<hbm>> -> memref<10000x128xf32, #tpu.memory_space<hbm>>
        tpu.enqueue_indirect_dma source(%dma_start3A_112 : memref<10000x128xf32, #tpu.memory_space<hbm>>) target(%arg24 : memref<80x128xf32, #tpu.memory_space<vmem>>) offsets(%dma_start3A_109 : memref<80xi32, #tpu.memory_space<vmem>>) semaphore(%arg27 : memref<!tpu.dma_semaphore, #tpu.memory_space<semaphore_mem>>)
        %scan3A_113 = arith.constant 1 : i32
        %scan3A_114 = arith.constant 23 : i32
        %scan3A_115 = arith.addi %scan3A_113, %scan3A_114 : i32
        %scan3A_116 = arith.constant 1 : i32
        scf.for %scan3A_209 = %scan3A_113 to %scan3A_115 step %scan3A_116  : i32 {
          %mul3A_210 = arith.constant 2 : i32
          %mul3A_211 = arith.muli %mul3A_210, %scan3A_209 : i32
          %add3A_212 = arith.constant 1 : i32
          %add3A_213 = arith.addi %mul3A_211, %add3A_212 : i32
          %sub3A = arith.constant 2 : i32
          %sub3A_214 = arith.subi %add3A_213, %sub3A : i32
          %dma_wait3A_215 = arith.constant 0 : i32
          %dma_wait3A_216 = tpu.memref_slice %arg23[%sub3A_214, %dma_wait3A_215] : memref<50x80xi32, #tpu.memory_space<vmem>> -> memref<1x80xi32, #tpu.memory_space<vmem>>
          %dma_wait3A_217 = tpu.memref_squeeze %dma_wait3A_216 : memref<1x80xi32, #tpu.memory_space<vmem>> -> memref<80xi32, #tpu.memory_space<vmem>>
          %dma_wait3A_218 = arith.constant 0 : i32
          %dma_wait3A_219 = arith.constant 0 : i32
          %dma_wait3A_220 = tpu.memref_slice %arg20[%dma_wait3A_218, %dma_wait3A_219] : memref<10112x128xf32, #tpu.memory_space<vmem_shared>> -> memref<10112x128xf32, #tpu.memory_space<vmem_shared>>
          tpu.wait_indirect_dma semaphore(%arg30 : memref<!tpu.dma_semaphore, #tpu.memory_space<semaphore_mem>>) src(%arg25 : memref<80x128xf32, #tpu.memory_space<vmem>>) dst(%dma_wait3A_220 : memref<10112x128xf32, #tpu.memory_space<vmem_shared>>)
          %dma_wait3A_221 = arith.constant 0 : i32
          %dma_wait3A_222 = tpu.memref_slice %arg23[%sub3A_214, %dma_wait3A_221] : memref<50x80xi32, #tpu.memory_space<vmem>> -> memref<1x80xi32, #tpu.memory_space<vmem>>
          %dma_wait3A_223 = tpu.memref_squeeze %dma_wait3A_222 : memref<1x80xi32, #tpu.memory_space<vmem>> -> memref<80xi32, #tpu.memory_space<vmem>>
          %dma_wait3A_224 = arith.constant 0 : i32
          %dma_wait3A_225 = arith.constant 0 : i32
          %dma_wait3A_226 = tpu.memref_slice %arg21[%dma_wait3A_224, %dma_wait3A_225] : memref<10112x16xf32, #tpu.memory_space<vmem_shared>> -> memref<10112x16xf32, #tpu.memory_space<vmem_shared>>
          tpu.wait_indirect_dma semaphore(%arg32 : memref<!tpu.dma_semaphore, #tpu.memory_space<semaphore_mem>>) src(%arg26 : memref<80x16xf32, #tpu.memory_space<vmem>>) dst(%dma_wait3A_226 : memref<10112x16xf32, #tpu.memory_space<vmem_shared>>)
          %dma_start3A_227 = arith.constant 0 : i32
          %dma_start3A_228 = tpu.memref_slice %arg22[%add3A_213, %dma_start3A_227] : memref<50x80xi32, #tpu.memory_space<vmem>> -> memref<1x80xi32, #tpu.memory_space<vmem>>
          %dma_start3A_229 = tpu.memref_squeeze %dma_start3A_228 : memref<1x80xi32, #tpu.memory_space<vmem>> -> memref<80xi32, #tpu.memory_space<vmem>>
          %dma_start3A_230 = arith.constant 0 : i32
          %dma_start3A_231 = arith.constant 0 : i32
          %dma_start3A_232 = tpu.memref_slice %arg2[%dma_start3A_230, %dma_start3A_231] : memref<10000x128xf32, #tpu.memory_space<hbm>> -> memref<10000x128xf32, #tpu.memory_space<hbm>>
          tpu.enqueue_indirect_dma source(%dma_start3A_232 : memref<10000x128xf32, #tpu.memory_space<hbm>>) target(%arg25 : memref<80x128xf32, #tpu.memory_space<vmem>>) offsets(%dma_start3A_229 : memref<80xi32, #tpu.memory_space<vmem>>) semaphore(%arg28 : memref<!tpu.dma_semaphore, #tpu.memory_space<semaphore_mem>>)
          %dma_wait3A_233 = arith.constant 0 : i32
          %dma_wait3A_234 = tpu.memref_slice %arg22[%mul3A_211, %dma_wait3A_233] : memref<50x80xi32, #tpu.memory_space<vmem>> -> memref<1x80xi32, #tpu.memory_space<vmem>>
          %dma_wait3A_235 = tpu.memref_squeeze %dma_wait3A_234 : memref<1x80xi32, #tpu.memory_space<vmem>> -> memref<80xi32, #tpu.memory_space<vmem>>
          %dma_wait3A_236 = arith.constant 0 : i32
          %dma_wait3A_237 = arith.constant 0 : i32
          %dma_wait3A_238 = tpu.memref_slice %arg2[%dma_wait3A_236, %dma_wait3A_237] : memref<10000x128xf32, #tpu.memory_space<hbm>> -> memref<10000x128xf32, #tpu.memory_space<hbm>>
          tpu.wait_indirect_dma semaphore(%arg27 : memref<!tpu.dma_semaphore, #tpu.memory_space<semaphore_mem>>) src(%dma_wait3A_238 : memref<10000x128xf32, #tpu.memory_space<hbm>>) dst(%arg24 : memref<80x128xf32, #tpu.memory_space<vmem>>)
          %dma_start3A_239 = arith.constant 0 : i32
          %dma_start3A_240 = tpu.memref_slice %arg23[%mul3A_211, %dma_start3A_239] : memref<50x80xi32, #tpu.memory_space<vmem>> -> memref<1x80xi32, #tpu.memory_space<vmem>>
          %dma_start3A_241 = tpu.memref_squeeze %dma_start3A_240 : memref<1x80xi32, #tpu.memory_space<vmem>> -> memref<80xi32, #tpu.memory_space<vmem>>
          %dma_start3A_242 = arith.constant 0 : i32
          %dma_start3A_243 = arith.constant 0 : i32
          %dma_start3A_244 = tpu.memref_slice %arg20[%dma_start3A_242, %dma_start3A_243] : memref<10112x128xf32, #tpu.memory_space<vmem_shared>> -> memref<10112x128xf32, #tpu.memory_space<vmem_shared>>
          tpu.enqueue_indirect_dma source(%arg24 : memref<80x128xf32, #tpu.memory_space<vmem>>) target(%dma_start3A_244 : memref<10112x128xf32, #tpu.memory_space<vmem_shared>>) offsets(%dma_start3A_241 : memref<80xi32, #tpu.memory_space<vmem>>) semaphore(%arg29 : memref<!tpu.dma_semaphore, #tpu.memory_space<semaphore_mem>>) {add = true}
          %dma_start3A_245 = arith.constant 0 : i32
          %dma_start3A_246 = tpu.memref_slice %arg23[%mul3A_211, %dma_start3A_245] : memref<50x80xi32, #tpu.memory_space<vmem>> -> memref<1x80xi32, #tpu.memory_space<vmem>>
          %dma_start3A_247 = tpu.memref_squeeze %dma_start3A_246 : memref<1x80xi32, #tpu.memory_space<vmem>> -> memref<80xi32, #tpu.memory_space<vmem>>
          %dma_start3A_248 = arith.constant 0 : i32
          %dma_start3A_249 = arith.constant 0 : i32
          %dma_start3A_250 = tpu.memref_slice %arg21[%dma_start3A_248, %dma_start3A_249] : memref<10112x16xf32, #tpu.memory_space<vmem_shared>> -> memref<10112x16xf32, #tpu.memory_space<vmem_shared>>
          tpu.enqueue_indirect_dma source(%arg26 : memref<80x16xf32, #tpu.memory_space<vmem>>) target(%dma_start3A_250 : memref<10112x16xf32, #tpu.memory_space<vmem_shared>>) offsets(%dma_start3A_247 : memref<80xi32, #tpu.memory_space<vmem>>) semaphore(%arg31 : memref<!tpu.dma_semaphore, #tpu.memory_space<semaphore_mem>>) {add = true}
          %dma_wait3A_251 = arith.constant 0 : i32
          %dma_wait3A_252 = tpu.memref_slice %arg22[%add3A_213, %dma_wait3A_251] : memref<50x80xi32, #tpu.memory_space<vmem>> -> memref<1x80xi32, #tpu.memory_space<vmem>>
          %dma_wait3A_253 = tpu.memref_squeeze %dma_wait3A_252 : memref<1x80xi32, #tpu.memory_space<vmem>> -> memref<80xi32, #tpu.memory_space<vmem>>
          %dma_wait3A_254 = arith.constant 0 : i32
          %dma_wait3A_255 = arith.constant 0 : i32
          %dma_wait3A_256 = tpu.memref_slice %arg2[%dma_wait3A_254, %dma_wait3A_255] : memref<10000x128xf32, #tpu.memory_space<hbm>> -> memref<10000x128xf32, #tpu.memory_space<hbm>>
          tpu.wait_indirect_dma semaphore(%arg28 : memref<!tpu.dma_semaphore, #tpu.memory_space<semaphore_mem>>) src(%dma_wait3A_256 : memref<10000x128xf32, #tpu.memory_space<hbm>>) dst(%arg25 : memref<80x128xf32, #tpu.memory_space<vmem>>)
          %dma_start3A_257 = arith.constant 0 : i32
          %dma_start3A_258 = tpu.memref_slice %arg23[%add3A_213, %dma_start3A_257] : memref<50x80xi32, #tpu.memory_space<vmem>> -> memref<1x80xi32, #tpu.memory_space<vmem>>
          %dma_start3A_259 = tpu.memref_squeeze %dma_start3A_258 : memref<1x80xi32, #tpu.memory_space<vmem>> -> memref<80xi32, #tpu.memory_space<vmem>>
          %dma_start3A_260 = arith.constant 0 : i32
          %dma_start3A_261 = arith.constant 0 : i32
          %dma_start3A_262 = tpu.memref_slice %arg20[%dma_start3A_260, %dma_start3A_261] : memref<10112x128xf32, #tpu.memory_space<vmem_shared>> -> memref<10112x128xf32, #tpu.memory_space<vmem_shared>>
          tpu.enqueue_indirect_dma source(%arg25 : memref<80x128xf32, #tpu.memory_space<vmem>>) target(%dma_start3A_262 : memref<10112x128xf32, #tpu.memory_space<vmem_shared>>) offsets(%dma_start3A_259 : memref<80xi32, #tpu.memory_space<vmem>>) semaphore(%arg30 : memref<!tpu.dma_semaphore, #tpu.memory_space<semaphore_mem>>) {add = true}
          %dma_start3A_263 = arith.constant 0 : i32
          %dma_start3A_264 = tpu.memref_slice %arg23[%add3A_213, %dma_start3A_263] : memref<50x80xi32, #tpu.memory_space<vmem>> -> memref<1x80xi32, #tpu.memory_space<vmem>>
          %dma_start3A_265 = tpu.memref_squeeze %dma_start3A_264 : memref<1x80xi32, #tpu.memory_space<vmem>> -> memref<80xi32, #tpu.memory_space<vmem>>
          %dma_start3A_266 = arith.constant 0 : i32
          %dma_start3A_267 = arith.constant 0 : i32
          %dma_start3A_268 = tpu.memref_slice %arg21[%dma_start3A_266, %dma_start3A_267] : memref<10112x16xf32, #tpu.memory_space<vmem_shared>> -> memref<10112x16xf32, #tpu.memory_space<vmem_shared>>
          tpu.enqueue_indirect_dma source(%arg26 : memref<80x16xf32, #tpu.memory_space<vmem>>) target(%dma_start3A_268 : memref<10112x16xf32, #tpu.memory_space<vmem_shared>>) offsets(%dma_start3A_265 : memref<80xi32, #tpu.memory_space<vmem>>) semaphore(%arg32 : memref<!tpu.dma_semaphore, #tpu.memory_space<semaphore_mem>>) {add = true}
          %dma_wait3A_269 = arith.constant 0 : i32
          %dma_wait3A_270 = tpu.memref_slice %arg23[%mul3A_211, %dma_wait3A_269] : memref<50x80xi32, #tpu.memory_space<vmem>> -> memref<1x80xi32, #tpu.memory_space<vmem>>
          %dma_wait3A_271 = tpu.memref_squeeze %dma_wait3A_270 : memref<1x80xi32, #tpu.memory_space<vmem>> -> memref<80xi32, #tpu.memory_space<vmem>>
          %dma_wait3A_272 = arith.constant 0 : i32
          %dma_wait3A_273 = arith.constant 0 : i32
          %dma_wait3A_274 = tpu.memref_slice %arg20[%dma_wait3A_272, %dma_wait3A_273] : memref<10112x128xf32, #tpu.memory_space<vmem_shared>> -> memref<10112x128xf32, #tpu.memory_space<vmem_shared>>
          tpu.wait_indirect_dma semaphore(%arg29 : memref<!tpu.dma_semaphore, #tpu.memory_space<semaphore_mem>>) src(%arg24 : memref<80x128xf32, #tpu.memory_space<vmem>>) dst(%dma_wait3A_274 : memref<10112x128xf32, #tpu.memory_space<vmem_shared>>)
          %dma_wait3A_275 = arith.constant 0 : i32
          %dma_wait3A_276 = tpu.memref_slice %arg23[%mul3A_211, %dma_wait3A_275] : memref<50x80xi32, #tpu.memory_space<vmem>> -> memref<1x80xi32, #tpu.memory_space<vmem>>
          %dma_wait3A_277 = tpu.memref_squeeze %dma_wait3A_276 : memref<1x80xi32, #tpu.memory_space<vmem>> -> memref<80xi32, #tpu.memory_space<vmem>>
          %dma_wait3A_278 = arith.constant 0 : i32
          %dma_wait3A_279 = arith.constant 0 : i32
          %dma_wait3A_280 = tpu.memref_slice %arg21[%dma_wait3A_278, %dma_wait3A_279] : memref<10112x16xf32, #tpu.memory_space<vmem_shared>> -> memref<10112x16xf32, #tpu.memory_space<vmem_shared>>
          tpu.wait_indirect_dma semaphore(%arg31 : memref<!tpu.dma_semaphore, #tpu.memory_space<semaphore_mem>>) src(%arg26 : memref<80x16xf32, #tpu.memory_space<vmem>>) dst(%dma_wait3A_280 : memref<10112x16xf32, #tpu.memory_space<vmem_shared>>)
          %add3A_281 = arith.constant 2 : i32
          %add3A_282 = arith.addi %mul3A_211, %add3A_281 : i32
          %dma_start3A_283 = arith.constant 0 : i32
          %dma_start3A_284 = tpu.memref_slice %arg22[%add3A_282, %dma_start3A_283] : memref<50x80xi32, #tpu.memory_space<vmem>> -> memref<1x80xi32, #tpu.memory_space<vmem>>
          %dma_start3A_285 = tpu.memref_squeeze %dma_start3A_284 : memref<1x80xi32, #tpu.memory_space<vmem>> -> memref<80xi32, #tpu.memory_space<vmem>>
          %dma_start3A_286 = arith.constant 0 : i32
          %dma_start3A_287 = arith.constant 0 : i32
          %dma_start3A_288 = tpu.memref_slice %arg2[%dma_start3A_286, %dma_start3A_287] : memref<10000x128xf32, #tpu.memory_space<hbm>> -> memref<10000x128xf32, #tpu.memory_space<hbm>>
          tpu.enqueue_indirect_dma source(%dma_start3A_288 : memref<10000x128xf32, #tpu.memory_space<hbm>>) target(%arg24 : memref<80x128xf32, #tpu.memory_space<vmem>>) offsets(%dma_start3A_285 : memref<80xi32, #tpu.memory_space<vmem>>) semaphore(%arg27 : memref<!tpu.dma_semaphore, #tpu.memory_space<semaphore_mem>>)
        }
        %scan3A_117 = arith.constant 23 : i32
        %dma_wait3A_118 = arith.constant 47 : i32
        %dma_wait3A_119 = arith.constant 0 : i32
        %dma_wait3A_120 = tpu.memref_slice %arg23[%dma_wait3A_118, %dma_wait3A_119] : memref<50x80xi32, #tpu.memory_space<vmem>> -> memref<1x80xi32, #tpu.memory_space<vmem>>
        %dma_wait3A_121 = tpu.memref_squeeze %dma_wait3A_120 : memref<1x80xi32, #tpu.memory_space<vmem>> -> memref<80xi32, #tpu.memory_space<vmem>>
        %dma_wait3A_122 = arith.constant 0 : i32
        %dma_wait3A_123 = arith.constant 0 : i32
        %dma_wait3A_124 = tpu.memref_slice %arg20[%dma_wait3A_122, %dma_wait3A_123] : memref<10112x128xf32, #tpu.memory_space<vmem_shared>> -> memref<10112x128xf32, #tpu.memory_space<vmem_shared>>
        tpu.wait_indirect_dma semaphore(%arg30 : memref<!tpu.dma_semaphore, #tpu.memory_space<semaphore_mem>>) src(%arg25 : memref<80x128xf32, #tpu.memory_space<vmem>>) dst(%dma_wait3A_124 : memref<10112x128xf32, #tpu.memory_space<vmem_shared>>)
        %dma_wait3A_125 = arith.constant 47 : i32
        %dma_wait3A_126 = arith.constant 0 : i32
        %dma_wait3A_127 = tpu.memref_slice %arg23[%dma_wait3A_125, %dma_wait3A_126] : memref<50x80xi32, #tpu.memory_space<vmem>> -> memref<1x80xi32, #tpu.memory_space<vmem>>
        %dma_wait3A_128 = tpu.memref_squeeze %dma_wait3A_127 : memref<1x80xi32, #tpu.memory_space<vmem>> -> memref<80xi32, #tpu.memory_space<vmem>>
        %dma_wait3A_129 = arith.constant 0 : i32
        %dma_wait3A_130 = arith.constant 0 : i32
        %dma_wait3A_131 = tpu.memref_slice %arg21[%dma_wait3A_129, %dma_wait3A_130] : memref<10112x16xf32, #tpu.memory_space<vmem_shared>> -> memref<10112x16xf32, #tpu.memory_space<vmem_shared>>
        tpu.wait_indirect_dma semaphore(%arg32 : memref<!tpu.dma_semaphore, #tpu.memory_space<semaphore_mem>>) src(%arg26 : memref<80x16xf32, #tpu.memory_space<vmem>>) dst(%dma_wait3A_131 : memref<10112x16xf32, #tpu.memory_space<vmem_shared>>)
        %dma_start3A_132 = arith.constant 49 : i32
        %dma_start3A_133 = arith.constant 0 : i32
        %dma_start3A_134 = tpu.memref_slice %arg22[%dma_start3A_132, %dma_start3A_133] : memref<50x80xi32, #tpu.memory_space<vmem>> -> memref<1x80xi32, #tpu.memory_space<vmem>>
        %dma_start3A_135 = tpu.memref_squeeze %dma_start3A_134 : memref<1x80xi32, #tpu.memory_space<vmem>> -> memref<80xi32, #tpu.memory_space<vmem>>
        %dma_start3A_136 = arith.constant 0 : i32
        %dma_start3A_137 = arith.constant 0 : i32
        %dma_start3A_138 = tpu.memref_slice %arg2[%dma_start3A_136, %dma_start3A_137] : memref<10000x128xf32, #tpu.memory_space<hbm>> -> memref<10000x128xf32, #tpu.memory_space<hbm>>
        tpu.enqueue_indirect_dma source(%dma_start3A_138 : memref<10000x128xf32, #tpu.memory_space<hbm>>) target(%arg25 : memref<80x128xf32, #tpu.memory_space<vmem>>) offsets(%dma_start3A_135 : memref<80xi32, #tpu.memory_space<vmem>>) semaphore(%arg28 : memref<!tpu.dma_semaphore, #tpu.memory_space<semaphore_mem>>)
        %dma_wait3A_139 = arith.constant 48 : i32
        %dma_wait3A_140 = arith.constant 0 : i32
        %dma_wait3A_141 = tpu.memref_slice %arg22[%dma_wait3A_139, %dma_wait3A_140] : memref<50x80xi32, #tpu.memory_space<vmem>> -> memref<1x80xi32, #tpu.memory_space<vmem>>
        %dma_wait3A_142 = tpu.memref_squeeze %dma_wait3A_141 : memref<1x80xi32, #tpu.memory_space<vmem>> -> memref<80xi32, #tpu.memory_space<vmem>>
        %dma_wait3A_143 = arith.constant 0 : i32
        %dma_wait3A_144 = arith.constant 0 : i32
        %dma_wait3A_145 = tpu.memref_slice %arg2[%dma_wait3A_143, %dma_wait3A_144] : memref<10000x128xf32, #tpu.memory_space<hbm>> -> memref<10000x128xf32, #tpu.memory_space<hbm>>
        tpu.wait_indirect_dma semaphore(%arg27 : memref<!tpu.dma_semaphore, #tpu.memory_space<semaphore_mem>>) src(%dma_wait3A_145 : memref<10000x128xf32, #tpu.memory_space<hbm>>) dst(%arg24 : memref<80x128xf32, #tpu.memory_space<vmem>>)
        %dma_start3A_146 = arith.constant 48 : i32
        %dma_start3A_147 = arith.constant 0 : i32
        %dma_start3A_148 = tpu.memref_slice %arg23[%dma_start3A_146, %dma_start3A_147] : memref<50x80xi32, #tpu.memory_space<vmem>> -> memref<1x80xi32, #tpu.memory_space<vmem>>
        %dma_start3A_149 = tpu.memref_squeeze %dma_start3A_148 : memref<1x80xi32, #tpu.memory_space<vmem>> -> memref<80xi32, #tpu.memory_space<vmem>>
        %dma_start3A_150 = arith.constant 0 : i32
        %dma_start3A_151 = arith.constant 0 : i32
        %dma_start3A_152 = tpu.memref_slice %arg20[%dma_start3A_150, %dma_start3A_151] : memref<10112x128xf32, #tpu.memory_space<vmem_shared>> -> memref<10112x128xf32, #tpu.memory_space<vmem_shared>>
        tpu.enqueue_indirect_dma source(%arg24 : memref<80x128xf32, #tpu.memory_space<vmem>>) target(%dma_start3A_152 : memref<10112x128xf32, #tpu.memory_space<vmem_shared>>) offsets(%dma_start3A_149 : memref<80xi32, #tpu.memory_space<vmem>>) semaphore(%arg29 : memref<!tpu.dma_semaphore, #tpu.memory_space<semaphore_mem>>) {add = true}
        %dma_start3A_153 = arith.constant 48 : i32
        %dma_start3A_154 = arith.constant 0 : i32
        %dma_start3A_155 = tpu.memref_slice %arg23[%dma_start3A_153, %dma_start3A_154] : memref<50x80xi32, #tpu.memory_space<vmem>> -> memref<1x80xi32, #tpu.memory_space<vmem>>
        %dma_start3A_156 = tpu.memref_squeeze %dma_start3A_155 : memref<1x80xi32, #tpu.memory_space<vmem>> -> memref<80xi32, #tpu.memory_space<vmem>>
        %dma_start3A_157 = arith.constant 0 : i32
        %dma_start3A_158 = arith.constant 0 : i32
        %dma_start3A_159 = tpu.memref_slice %arg21[%dma_start3A_157, %dma_start3A_158] : memref<10112x16xf32, #tpu.memory_space<vmem_shared>> -> memref<10112x16xf32, #tpu.memory_space<vmem_shared>>
        tpu.enqueue_indirect_dma source(%arg26 : memref<80x16xf32, #tpu.memory_space<vmem>>) target(%dma_start3A_159 : memref<10112x16xf32, #tpu.memory_space<vmem_shared>>) offsets(%dma_start3A_156 : memref<80xi32, #tpu.memory_space<vmem>>) semaphore(%arg31 : memref<!tpu.dma_semaphore, #tpu.memory_space<semaphore_mem>>) {add = true}
        %dma_wait3A_160 = arith.constant 49 : i32
        %dma_wait3A_161 = arith.constant 0 : i32
        %dma_wait3A_162 = tpu.memref_slice %arg22[%dma_wait3A_160, %dma_wait3A_161] : memref<50x80xi32, #tpu.memory_space<vmem>> -> memref<1x80xi32, #tpu.memory_space<vmem>>
        %dma_wait3A_163 = tpu.memref_squeeze %dma_wait3A_162 : memref<1x80xi32, #tpu.memory_space<vmem>> -> memref<80xi32, #tpu.memory_space<vmem>>
        %dma_wait3A_164 = arith.constant 0 : i32
        %dma_wait3A_165 = arith.constant 0 : i32
        %dma_wait3A_166 = tpu.memref_slice %arg2[%dma_wait3A_164, %dma_wait3A_165] : memref<10000x128xf32, #tpu.memory_space<hbm>> -> memref<10000x128xf32, #tpu.memory_space<hbm>>
        tpu.wait_indirect_dma semaphore(%arg28 : memref<!tpu.dma_semaphore, #tpu.memory_space<semaphore_mem>>) src(%dma_wait3A_166 : memref<10000x128xf32, #tpu.memory_space<hbm>>) dst(%arg25 : memref<80x128xf32, #tpu.memory_space<vmem>>)
        %dma_start3A_167 = arith.constant 49 : i32
        %dma_start3A_168 = arith.constant 0 : i32
        %dma_start3A_169 = tpu.memref_slice %arg23[%dma_start3A_167, %dma_start3A_168] : memref<50x80xi32, #tpu.memory_space<vmem>> -> memref<1x80xi32, #tpu.memory_space<vmem>>
        %dma_start3A_170 = tpu.memref_squeeze %dma_start3A_169 : memref<1x80xi32, #tpu.memory_space<vmem>> -> memref<80xi32, #tpu.memory_space<vmem>>
        %dma_start3A_171 = arith.constant 0 : i32
        %dma_start3A_172 = arith.constant 0 : i32
        %dma_start3A_173 = tpu.memref_slice %arg20[%dma_start3A_171, %dma_start3A_172] : memref<10112x128xf32, #tpu.memory_space<vmem_shared>> -> memref<10112x128xf32, #tpu.memory_space<vmem_shared>>
        tpu.enqueue_indirect_dma source(%arg25 : memref<80x128xf32, #tpu.memory_space<vmem>>) target(%dma_start3A_173 : memref<10112x128xf32, #tpu.memory_space<vmem_shared>>) offsets(%dma_start3A_170 : memref<80xi32, #tpu.memory_space<vmem>>) semaphore(%arg30 : memref<!tpu.dma_semaphore, #tpu.memory_space<semaphore_mem>>) {add = true}
        %dma_start3A_174 = arith.constant 49 : i32
        %dma_start3A_175 = arith.constant 0 : i32
        %dma_start3A_176 = tpu.memref_slice %arg23[%dma_start3A_174, %dma_start3A_175] : memref<50x80xi32, #tpu.memory_space<vmem>> -> memref<1x80xi32, #tpu.memory_space<vmem>>
        %dma_start3A_177 = tpu.memref_squeeze %dma_start3A_176 : memref<1x80xi32, #tpu.memory_space<vmem>> -> memref<80xi32, #tpu.memory_space<vmem>>
        %dma_start3A_178 = arith.constant 0 : i32
        %dma_start3A_179 = arith.constant 0 : i32
        %dma_start3A_180 = tpu.memref_slice %arg21[%dma_start3A_178, %dma_start3A_179] : memref<10112x16xf32, #tpu.memory_space<vmem_shared>> -> memref<10112x16xf32, #tpu.memory_space<vmem_shared>>
        tpu.enqueue_indirect_dma source(%arg26 : memref<80x16xf32, #tpu.memory_space<vmem>>) target(%dma_start3A_180 : memref<10112x16xf32, #tpu.memory_space<vmem_shared>>) offsets(%dma_start3A_177 : memref<80xi32, #tpu.memory_space<vmem>>) semaphore(%arg32 : memref<!tpu.dma_semaphore, #tpu.memory_space<semaphore_mem>>) {add = true}
        %dma_wait3A_181 = arith.constant 48 : i32
        %dma_wait3A_182 = arith.constant 0 : i32
        %dma_wait3A_183 = tpu.memref_slice %arg23[%dma_wait3A_181, %dma_wait3A_182] : memref<50x80xi32, #tpu.memory_space<vmem>> -> memref<1x80xi32, #tpu.memory_space<vmem>>
        %dma_wait3A_184 = tpu.memref_squeeze %dma_wait3A_183 : memref<1x80xi32, #tpu.memory_space<vmem>> -> memref<80xi32, #tpu.memory_space<vmem>>
        %dma_wait3A_185 = arith.constant 0 : i32
        %dma_wait3A_186 = arith.constant 0 : i32
        %dma_wait3A_187 = tpu.memref_slice %arg20[%dma_wait3A_185, %dma_wait3A_186] : memref<10112x128xf32, #tpu.memory_space<vmem_shared>> -> memref<10112x128xf32, #tpu.memory_space<vmem_shared>>
        tpu.wait_indirect_dma semaphore(%arg29 : memref<!tpu.dma_semaphore, #tpu.memory_space<semaphore_mem>>) src(%arg24 : memref<80x128xf32, #tpu.memory_space<vmem>>) dst(%dma_wait3A_187 : memref<10112x128xf32, #tpu.memory_space<vmem_shared>>)
        %dma_wait3A_188 = arith.constant 48 : i32
        %dma_wait3A_189 = arith.constant 0 : i32
        %dma_wait3A_190 = tpu.memref_slice %arg23[%dma_wait3A_188, %dma_wait3A_189] : memref<50x80xi32, #tpu.memory_space<vmem>> -> memref<1x80xi32, #tpu.memory_space<vmem>>
        %dma_wait3A_191 = tpu.memref_squeeze %dma_wait3A_190 : memref<1x80xi32, #tpu.memory_space<vmem>> -> memref<80xi32, #tpu.memory_space<vmem>>
        %dma_wait3A_192 = arith.constant 0 : i32
        %dma_wait3A_193 = arith.constant 0 : i32
        %dma_wait3A_194 = tpu.memref_slice %arg21[%dma_wait3A_192, %dma_wait3A_193] : memref<10112x16xf32, #tpu.memory_space<vmem_shared>> -> memref<10112x16xf32, #tpu.memory_space<vmem_shared>>
        tpu.wait_indirect_dma semaphore(%arg31 : memref<!tpu.dma_semaphore, #tpu.memory_space<semaphore_mem>>) src(%arg26 : memref<80x16xf32, #tpu.memory_space<vmem>>) dst(%dma_wait3A_194 : memref<10112x16xf32, #tpu.memory_space<vmem_shared>>)
        %dma_wait3A_195 = arith.constant 49 : i32
        %dma_wait3A_196 = arith.constant 0 : i32
        %dma_wait3A_197 = tpu.memref_slice %arg23[%dma_wait3A_195, %dma_wait3A_196] : memref<50x80xi32, #tpu.memory_space<vmem>> -> memref<1x80xi32, #tpu.memory_space<vmem>>
        %dma_wait3A_198 = tpu.memref_squeeze %dma_wait3A_197 : memref<1x80xi32, #tpu.memory_space<vmem>> -> memref<80xi32, #tpu.memory_space<vmem>>
        %dma_wait3A_199 = arith.constant 0 : i32
        %dma_wait3A_200 = arith.constant 0 : i32
        %dma_wait3A_201 = tpu.memref_slice %arg20[%dma_wait3A_199, %dma_wait3A_200] : memref<10112x128xf32, #tpu.memory_space<vmem_shared>> -> memref<10112x128xf32, #tpu.memory_space<vmem_shared>>
        tpu.wait_indirect_dma semaphore(%arg30 : memref<!tpu.dma_semaphore, #tpu.memory_space<semaphore_mem>>) src(%arg25 : memref<80x128xf32, #tpu.memory_space<vmem>>) dst(%dma_wait3A_201 : memref<10112x128xf32, #tpu.memory_space<vmem_shared>>)
        %dma_wait3A_202 = arith.constant 49 : i32
        %dma_wait3A_203 = arith.constant 0 : i32
        %dma_wait3A_204 = tpu.memref_slice %arg23[%dma_wait3A_202, %dma_wait3A_203] : memref<50x80xi32, #tpu.memory_space<vmem>> -> memref<1x80xi32, #tpu.memory_space<vmem>>
        %dma_wait3A_205 = tpu.memref_squeeze %dma_wait3A_204 : memref<1x80xi32, #tpu.memory_space<vmem>> -> memref<80xi32, #tpu.memory_space<vmem>>
        %dma_wait3A_206 = arith.constant 0 : i32
        %dma_wait3A_207 = arith.constant 0 : i32
        %dma_wait3A_208 = tpu.memref_slice %arg21[%dma_wait3A_206, %dma_wait3A_207] : memref<10112x16xf32, #tpu.memory_space<vmem_shared>> -> memref<10112x16xf32, #tpu.memory_space<vmem_shared>>
        tpu.wait_indirect_dma semaphore(%arg32 : memref<!tpu.dma_semaphore, #tpu.memory_space<semaphore_mem>>) src(%arg26 : memref<80x16xf32, #tpu.memory_space<vmem>>) dst(%dma_wait3A_208 : memref<10112x16xf32, #tpu.memory_space<vmem_shared>>)
      }
      %scan3A_14 = arith.constant 5 : i32
      %barrier3A_15 = arith.constant 0 : index
      tpu.barrier barrier_id(%barrier3A_15)
      "tpu.region"() ({
        %run_scoped3A = tpu.sem_alloc : memref<!tpu.dma_semaphore, #tpu.memory_space<semaphore_mem>>
        %dma_start3A = arith.constant 0 : i32
        %dma_start3A_30 = tpu.memref_slice %arg16[%mul3A_7, %dma_start3A] : memref<10112x128xf32, #tpu.memory_space<hbm>> -> memref<632x128xf32, #tpu.memory_space<hbm>>
        %dma_start3A_31 = arith.constant 0 : i32
        %dma_start3A_32 = tpu.memref_slice %arg20[%mul3A_7, %dma_start3A_31] : memref<10112x128xf32, #tpu.memory_space<vmem_shared>> -> memref<632x128xf32, #tpu.memory_space<vmem_shared>>
        tpu.enqueue_dma source(%dma_start3A_32 : memref<632x128xf32, #tpu.memory_space<vmem_shared>>) target(%dma_start3A_30 : memref<632x128xf32, #tpu.memory_space<hbm>>) target_semaphore(%run_scoped3A : memref<!tpu.dma_semaphore, #tpu.memory_space<semaphore_mem>>)
        %dma_wait3A = arith.constant 0 : i32
        %dma_wait3A_33 = tpu.memref_slice %arg16[%mul3A_7, %dma_wait3A] : memref<10112x128xf32, #tpu.memory_space<hbm>> -> memref<632x128xf32, #tpu.memory_space<hbm>>
        %dma_wait3A_34 = arith.constant 0 : i32
        %dma_wait3A_35 = tpu.memref_slice %arg20[%mul3A_7, %dma_wait3A_34] : memref<10112x128xf32, #tpu.memory_space<vmem_shared>> -> memref<632x128xf32, #tpu.memory_space<vmem_shared>>
        tpu.wait_dma2 semaphore(%run_scoped3A : memref<!tpu.dma_semaphore, #tpu.memory_space<semaphore_mem>>) src(%dma_wait3A_35 : memref<632x128xf32, #tpu.memory_space<vmem_shared>>) dst(%dma_wait3A_33 : memref<632x128xf32, #tpu.memory_space<hbm>>)
        tpu.yield
      }) : () -> ()
      "tpu.region"() ({
        %run_scoped3A = tpu.sem_alloc : memref<!tpu.dma_semaphore, #tpu.memory_space<semaphore_mem>>
        %dma_start3A = arith.constant 0 : i32
        %dma_start3A_30 = tpu.memref_slice %arg17[%mul3A_7, %dma_start3A] : memref<10112x16xf32, #tpu.memory_space<hbm>> -> memref<632x16xf32, #tpu.memory_space<hbm>>
        %dma_start3A_31 = arith.constant 0 : i32
        %dma_start3A_32 = tpu.memref_slice %arg21[%mul3A_7, %dma_start3A_31] : memref<10112x16xf32, #tpu.memory_space<vmem_shared>> -> memref<632x16xf32, #tpu.memory_space<vmem_shared>>
        tpu.enqueue_dma source(%dma_start3A_32 : memref<632x16xf32, #tpu.memory_space<vmem_shared>>) target(%dma_start3A_30 : memref<632x16xf32, #tpu.memory_space<hbm>>) target_semaphore(%run_scoped3A : memref<!tpu.dma_semaphore, #tpu.memory_space<semaphore_mem>>)
        %dma_wait3A = arith.constant 0 : i32
        %dma_wait3A_33 = tpu.memref_slice %arg17[%mul3A_7, %dma_wait3A] : memref<10112x16xf32, #tpu.memory_space<hbm>> -> memref<632x16xf32, #tpu.memory_space<hbm>>
        %dma_wait3A_34 = arith.constant 0 : i32
        %dma_wait3A_35 = tpu.memref_slice %arg21[%mul3A_7, %dma_wait3A_34] : memref<10112x16xf32, #tpu.memory_space<vmem_shared>> -> memref<632x16xf32, #tpu.memory_space<vmem_shared>>
        tpu.wait_dma2 semaphore(%run_scoped3A : memref<!tpu.dma_semaphore, #tpu.memory_space<semaphore_mem>>) src(%dma_wait3A_35 : memref<632x16xf32, #tpu.memory_space<vmem_shared>>) dst(%dma_wait3A_33 : memref<632x16xf32, #tpu.memory_space<hbm>>)
        tpu.yield
      }) : () -> ()
      %barrier3A_16 = arith.constant 0 : index
      tpu.barrier barrier_id(%barrier3A_16)
      %mul3A_17 = arith.constant 632 : i32
      %mul3A_18 = arith.muli %arg1, %mul3A_17 : i32
      "tpu.region"() ({
        %run_scoped3A = tpu.sem_alloc : memref<!tpu.dma_semaphore, #tpu.memory_space<semaphore_mem>>
        %dma_start3A = arith.constant 0 : i32
        %dma_start3A_30 = tpu.memref_slice %arg20[%mul3A_18, %dma_start3A] : memref<10112x128xf32, #tpu.memory_space<vmem_shared>> -> memref<632x128xf32, #tpu.memory_space<vmem_shared>>
        tpu.enqueue_dma source(%arg9 : memref<632x128xf32, #tpu.memory_space<hbm>>) target(%dma_start3A_30 : memref<632x128xf32, #tpu.memory_space<vmem_shared>>) target_semaphore(%run_scoped3A : memref<!tpu.dma_semaphore, #tpu.memory_space<semaphore_mem>>)
        %dma_wait3A = arith.constant 0 : i32
        %dma_wait3A_31 = tpu.memref_slice %arg20[%mul3A_18, %dma_wait3A] : memref<10112x128xf32, #tpu.memory_space<vmem_shared>> -> memref<632x128xf32, #tpu.memory_space<vmem_shared>>
        tpu.wait_dma2 semaphore(%run_scoped3A : memref<!tpu.dma_semaphore, #tpu.memory_space<semaphore_mem>>) src(%arg9 : memref<632x128xf32, #tpu.memory_space<hbm>>) dst(%dma_wait3A_31 : memref<632x128xf32, #tpu.memory_space<vmem_shared>>)
        tpu.yield
      }) : () -> ()
      "tpu.region"() ({
        %run_scoped3A = tpu.sem_alloc : memref<!tpu.dma_semaphore, #tpu.memory_space<semaphore_mem>>
        %dma_start3A = arith.constant 0 : i32
        %dma_start3A_30 = tpu.memref_slice %arg21[%mul3A_18, %dma_start3A] : memref<10112x16xf32, #tpu.memory_space<vmem_shared>> -> memref<632x16xf32, #tpu.memory_space<vmem_shared>>
        tpu.enqueue_dma source(%arg10 : memref<632x16xf32, #tpu.memory_space<hbm>>) target(%dma_start3A_30 : memref<632x16xf32, #tpu.memory_space<vmem_shared>>) target_semaphore(%run_scoped3A : memref<!tpu.dma_semaphore, #tpu.memory_space<semaphore_mem>>)
        %dma_wait3A = arith.constant 0 : i32
        %dma_wait3A_31 = tpu.memref_slice %arg21[%mul3A_18, %dma_wait3A] : memref<10112x16xf32, #tpu.memory_space<vmem_shared>> -> memref<632x16xf32, #tpu.memory_space<vmem_shared>>
        tpu.wait_dma2 semaphore(%run_scoped3A : memref<!tpu.dma_semaphore, #tpu.memory_space<semaphore_mem>>) src(%arg10 : memref<632x16xf32, #tpu.memory_space<hbm>>) dst(%dma_wait3A_31 : memref<632x16xf32, #tpu.memory_space<vmem_shared>>)
        tpu.yield
      }) : () -> ()
      %barrier3A_19 = arith.constant 0 : index
      tpu.barrier barrier_id(%barrier3A_19)
      %mul3A_20 = arith.constant 250 : i32
      %mul3A_21 = arith.muli %arg1, %mul3A_20 : i32
      %scan3A_22 = arith.constant 0 : i32
      %scan3A_23 = arith.constant 0 : i32
      %scan3A_24 = arith.constant 5 : i32
      %scan3A_25 = arith.addi %scan3A_23, %scan3A_24 : i32
      %scan3A_26 = arith.constant 1 : i32
      scf.for %scan3A_30 = %scan3A_23 to %scan3A_25 step %scan3A_26  : i32 {
        %mul3A_31 = arith.constant 50 : i32
        %mul3A_32 = arith.muli %scan3A_30, %mul3A_31 : i32
        %add3A = arith.addi %mul3A_21, %mul3A_32 : i32
        "tpu.region"() ({
          %run_scoped3A = tpu.sem_alloc : memref<!tpu.dma_semaphore, #tpu.memory_space<semaphore_mem>>
          %dma_start3A_209 = arith.constant 0 : i32
          %dma_start3A_210 = tpu.memref_slice %arg8[%add3A, %dma_start3A_209] : memref<8000x80xi32, #tpu.memory_space<hbm>> -> memref<50x80xi32, #tpu.memory_space<hbm>>
          %dma_start3A_211 = arith.constant 0 : i32
          %dma_start3A_212 = tpu.memref_slice %arg8[%add3A, %dma_start3A_211] : memref<8000x80xi32, #tpu.memory_space<hbm>> -> memref<50x80xi32, #tpu.memory_space<hbm>>
          tpu.enqueue_dma source(%dma_start3A_212 : memref<50x80xi32, #tpu.memory_space<hbm>>) target(%arg22 : memref<50x80xi32, #tpu.memory_space<vmem>>) target_semaphore(%run_scoped3A : memref<!tpu.dma_semaphore, #tpu.memory_space<semaphore_mem>>)
          %dma_wait3A_213 = arith.constant 0 : i32
          %dma_wait3A_214 = tpu.memref_slice %arg8[%add3A, %dma_wait3A_213] : memref<8000x80xi32, #tpu.memory_space<hbm>> -> memref<50x80xi32, #tpu.memory_space<hbm>>
          %dma_wait3A_215 = arith.constant 0 : i32
          %dma_wait3A_216 = tpu.memref_slice %arg8[%add3A, %dma_wait3A_215] : memref<8000x80xi32, #tpu.memory_space<hbm>> -> memref<50x80xi32, #tpu.memory_space<hbm>>
          tpu.wait_dma2 semaphore(%run_scoped3A : memref<!tpu.dma_semaphore, #tpu.memory_space<semaphore_mem>>) src(%dma_wait3A_216 : memref<50x80xi32, #tpu.memory_space<hbm>>) dst(%arg22 : memref<50x80xi32, #tpu.memory_space<vmem>>)
          tpu.yield
        }) : () -> ()
        %add3A_33 = arith.constant 4000 : i32
        %add3A_34 = arith.addi %add3A_33, %mul3A_21 : i32
        %mul3A_35 = arith.constant 50 : i32
        %mul3A_36 = arith.muli %scan3A_30, %mul3A_35 : i32
        %add3A_37 = arith.addi %add3A_34, %mul3A_36 : i32
        "tpu.region"() ({
          %run_scoped3A = tpu.sem_alloc : memref<!tpu.dma_semaphore, #tpu.memory_space<semaphore_mem>>
          %dma_start3A_209 = arith.constant 0 : i32
          %dma_start3A_210 = tpu.memref_slice %arg8[%add3A_37, %dma_start3A_209] : memref<8000x80xi32, #tpu.memory_space<hbm>> -> memref<50x80xi32, #tpu.memory_space<hbm>>
          %dma_start3A_211 = arith.constant 0 : i32
          %dma_start3A_212 = tpu.memref_slice %arg8[%add3A_37, %dma_start3A_211] : memref<8000x80xi32, #tpu.memory_space<hbm>> -> memref<50x80xi32, #tpu.memory_space<hbm>>
          tpu.enqueue_dma source(%dma_start3A_212 : memref<50x80xi32, #tpu.memory_space<hbm>>) target(%arg23 : memref<50x80xi32, #tpu.memory_space<vmem>>) target_semaphore(%run_scoped3A : memref<!tpu.dma_semaphore, #tpu.memory_space<semaphore_mem>>)
          %dma_wait3A_213 = arith.constant 0 : i32
          %dma_wait3A_214 = tpu.memref_slice %arg8[%add3A_37, %dma_wait3A_213] : memref<8000x80xi32, #tpu.memory_space<hbm>> -> memref<50x80xi32, #tpu.memory_space<hbm>>
          %dma_wait3A_215 = arith.constant 0 : i32
          %dma_wait3A_216 = tpu.memref_slice %arg8[%add3A_37, %dma_wait3A_215] : memref<8000x80xi32, #tpu.memory_space<hbm>> -> memref<50x80xi32, #tpu.memory_space<hbm>>
          tpu.wait_dma2 semaphore(%run_scoped3A : memref<!tpu.dma_semaphore, #tpu.memory_space<semaphore_mem>>) src(%dma_wait3A_216 : memref<50x80xi32, #tpu.memory_space<hbm>>) dst(%arg23 : memref<50x80xi32, #tpu.memory_space<vmem>>)
          tpu.yield
        }) : () -> ()
        %dma_start3A = arith.constant 0 : i32
        %dma_start3A_38 = arith.constant 0 : i32
        %dma_start3A_39 = tpu.memref_slice %arg22[%dma_start3A, %dma_start3A_38] : memref<50x80xi32, #tpu.memory_space<vmem>> -> memref<1x80xi32, #tpu.memory_space<vmem>>
        %dma_start3A_40 = tpu.memref_squeeze %dma_start3A_39 : memref<1x80xi32, #tpu.memory_space<vmem>> -> memref<80xi32, #tpu.memory_space<vmem>>
        %dma_start3A_41 = arith.constant 0 : i32
        %dma_start3A_42 = arith.constant 0 : i32
        %dma_start3A_43 = tpu.memref_slice %arg4[%dma_start3A_41, %dma_start3A_42] : memref<10000x128xf32, #tpu.memory_space<hbm>> -> memref<10000x128xf32, #tpu.memory_space<hbm>>
        tpu.enqueue_indirect_dma source(%dma_start3A_43 : memref<10000x128xf32, #tpu.memory_space<hbm>>) target(%arg24 : memref<80x128xf32, #tpu.memory_space<vmem>>) offsets(%dma_start3A_40 : memref<80xi32, #tpu.memory_space<vmem>>) semaphore(%arg27 : memref<!tpu.dma_semaphore, #tpu.memory_space<semaphore_mem>>)
        %dma_start3A_44 = arith.constant 1 : i32
        %dma_start3A_45 = arith.constant 0 : i32
        %dma_start3A_46 = tpu.memref_slice %arg22[%dma_start3A_44, %dma_start3A_45] : memref<50x80xi32, #tpu.memory_space<vmem>> -> memref<1x80xi32, #tpu.memory_space<vmem>>
        %dma_start3A_47 = tpu.memref_squeeze %dma_start3A_46 : memref<1x80xi32, #tpu.memory_space<vmem>> -> memref<80xi32, #tpu.memory_space<vmem>>
        %dma_start3A_48 = arith.constant 0 : i32
        %dma_start3A_49 = arith.constant 0 : i32
        %dma_start3A_50 = tpu.memref_slice %arg4[%dma_start3A_48, %dma_start3A_49] : memref<10000x128xf32, #tpu.memory_space<hbm>> -> memref<10000x128xf32, #tpu.memory_space<hbm>>
        tpu.enqueue_indirect_dma source(%dma_start3A_50 : memref<10000x128xf32, #tpu.memory_space<hbm>>) target(%arg25 : memref<80x128xf32, #tpu.memory_space<vmem>>) offsets(%dma_start3A_47 : memref<80xi32, #tpu.memory_space<vmem>>) semaphore(%arg28 : memref<!tpu.dma_semaphore, #tpu.memory_space<semaphore_mem>>)
        %dma_wait3A = arith.constant 0 : i32
        %dma_wait3A_51 = arith.constant 0 : i32
        %dma_wait3A_52 = tpu.memref_slice %arg22[%dma_wait3A, %dma_wait3A_51] : memref<50x80xi32, #tpu.memory_space<vmem>> -> memref<1x80xi32, #tpu.memory_space<vmem>>
        %dma_wait3A_53 = tpu.memref_squeeze %dma_wait3A_52 : memref<1x80xi32, #tpu.memory_space<vmem>> -> memref<80xi32, #tpu.memory_space<vmem>>
        %dma_wait3A_54 = arith.constant 0 : i32
        %dma_wait3A_55 = arith.constant 0 : i32
        %dma_wait3A_56 = tpu.memref_slice %arg4[%dma_wait3A_54, %dma_wait3A_55] : memref<10000x128xf32, #tpu.memory_space<hbm>> -> memref<10000x128xf32, #tpu.memory_space<hbm>>
        tpu.wait_indirect_dma semaphore(%arg27 : memref<!tpu.dma_semaphore, #tpu.memory_space<semaphore_mem>>) src(%dma_wait3A_56 : memref<10000x128xf32, #tpu.memory_space<hbm>>) dst(%arg24 : memref<80x128xf32, #tpu.memory_space<vmem>>)
        %dma_start3A_57 = arith.constant 0 : i32
        %dma_start3A_58 = arith.constant 0 : i32
        %dma_start3A_59 = tpu.memref_slice %arg23[%dma_start3A_57, %dma_start3A_58] : memref<50x80xi32, #tpu.memory_space<vmem>> -> memref<1x80xi32, #tpu.memory_space<vmem>>
        %dma_start3A_60 = tpu.memref_squeeze %dma_start3A_59 : memref<1x80xi32, #tpu.memory_space<vmem>> -> memref<80xi32, #tpu.memory_space<vmem>>
        %dma_start3A_61 = arith.constant 0 : i32
        %dma_start3A_62 = arith.constant 0 : i32
        %dma_start3A_63 = tpu.memref_slice %arg20[%dma_start3A_61, %dma_start3A_62] : memref<10112x128xf32, #tpu.memory_space<vmem_shared>> -> memref<10112x128xf32, #tpu.memory_space<vmem_shared>>
        tpu.enqueue_indirect_dma source(%arg24 : memref<80x128xf32, #tpu.memory_space<vmem>>) target(%dma_start3A_63 : memref<10112x128xf32, #tpu.memory_space<vmem_shared>>) offsets(%dma_start3A_60 : memref<80xi32, #tpu.memory_space<vmem>>) semaphore(%arg29 : memref<!tpu.dma_semaphore, #tpu.memory_space<semaphore_mem>>) {add = true}
        %dma_start3A_64 = arith.constant 0 : i32
        %dma_start3A_65 = arith.constant 0 : i32
        %dma_start3A_66 = tpu.memref_slice %arg23[%dma_start3A_64, %dma_start3A_65] : memref<50x80xi32, #tpu.memory_space<vmem>> -> memref<1x80xi32, #tpu.memory_space<vmem>>
        %dma_start3A_67 = tpu.memref_squeeze %dma_start3A_66 : memref<1x80xi32, #tpu.memory_space<vmem>> -> memref<80xi32, #tpu.memory_space<vmem>>
        %dma_start3A_68 = arith.constant 0 : i32
        %dma_start3A_69 = arith.constant 0 : i32
        %dma_start3A_70 = tpu.memref_slice %arg21[%dma_start3A_68, %dma_start3A_69] : memref<10112x16xf32, #tpu.memory_space<vmem_shared>> -> memref<10112x16xf32, #tpu.memory_space<vmem_shared>>
        tpu.enqueue_indirect_dma source(%arg26 : memref<80x16xf32, #tpu.memory_space<vmem>>) target(%dma_start3A_70 : memref<10112x16xf32, #tpu.memory_space<vmem_shared>>) offsets(%dma_start3A_67 : memref<80xi32, #tpu.memory_space<vmem>>) semaphore(%arg31 : memref<!tpu.dma_semaphore, #tpu.memory_space<semaphore_mem>>) {add = true}
        %dma_wait3A_71 = arith.constant 1 : i32
        %dma_wait3A_72 = arith.constant 0 : i32
        %dma_wait3A_73 = tpu.memref_slice %arg22[%dma_wait3A_71, %dma_wait3A_72] : memref<50x80xi32, #tpu.memory_space<vmem>> -> memref<1x80xi32, #tpu.memory_space<vmem>>
        %dma_wait3A_74 = tpu.memref_squeeze %dma_wait3A_73 : memref<1x80xi32, #tpu.memory_space<vmem>> -> memref<80xi32, #tpu.memory_space<vmem>>
        %dma_wait3A_75 = arith.constant 0 : i32
        %dma_wait3A_76 = arith.constant 0 : i32
        %dma_wait3A_77 = tpu.memref_slice %arg4[%dma_wait3A_75, %dma_wait3A_76] : memref<10000x128xf32, #tpu.memory_space<hbm>> -> memref<10000x128xf32, #tpu.memory_space<hbm>>
        tpu.wait_indirect_dma semaphore(%arg28 : memref<!tpu.dma_semaphore, #tpu.memory_space<semaphore_mem>>) src(%dma_wait3A_77 : memref<10000x128xf32, #tpu.memory_space<hbm>>) dst(%arg25 : memref<80x128xf32, #tpu.memory_space<vmem>>)
        %dma_start3A_78 = arith.constant 1 : i32
        %dma_start3A_79 = arith.constant 0 : i32
        %dma_start3A_80 = tpu.memref_slice %arg23[%dma_start3A_78, %dma_start3A_79] : memref<50x80xi32, #tpu.memory_space<vmem>> -> memref<1x80xi32, #tpu.memory_space<vmem>>
        %dma_start3A_81 = tpu.memref_squeeze %dma_start3A_80 : memref<1x80xi32, #tpu.memory_space<vmem>> -> memref<80xi32, #tpu.memory_space<vmem>>
        %dma_start3A_82 = arith.constant 0 : i32
        %dma_start3A_83 = arith.constant 0 : i32
        %dma_start3A_84 = tpu.memref_slice %arg20[%dma_start3A_82, %dma_start3A_83] : memref<10112x128xf32, #tpu.memory_space<vmem_shared>> -> memref<10112x128xf32, #tpu.memory_space<vmem_shared>>
        tpu.enqueue_indirect_dma source(%arg25 : memref<80x128xf32, #tpu.memory_space<vmem>>) target(%dma_start3A_84 : memref<10112x128xf32, #tpu.memory_space<vmem_shared>>) offsets(%dma_start3A_81 : memref<80xi32, #tpu.memory_space<vmem>>) semaphore(%arg30 : memref<!tpu.dma_semaphore, #tpu.memory_space<semaphore_mem>>) {add = true}
        %dma_start3A_85 = arith.constant 1 : i32
        %dma_start3A_86 = arith.constant 0 : i32
        %dma_start3A_87 = tpu.memref_slice %arg23[%dma_start3A_85, %dma_start3A_86] : memref<50x80xi32, #tpu.memory_space<vmem>> -> memref<1x80xi32, #tpu.memory_space<vmem>>
        %dma_start3A_88 = tpu.memref_squeeze %dma_start3A_87 : memref<1x80xi32, #tpu.memory_space<vmem>> -> memref<80xi32, #tpu.memory_space<vmem>>
        %dma_start3A_89 = arith.constant 0 : i32
        %dma_start3A_90 = arith.constant 0 : i32
        %dma_start3A_91 = tpu.memref_slice %arg21[%dma_start3A_89, %dma_start3A_90] : memref<10112x16xf32, #tpu.memory_space<vmem_shared>> -> memref<10112x16xf32, #tpu.memory_space<vmem_shared>>
        tpu.enqueue_indirect_dma source(%arg26 : memref<80x16xf32, #tpu.memory_space<vmem>>) target(%dma_start3A_91 : memref<10112x16xf32, #tpu.memory_space<vmem_shared>>) offsets(%dma_start3A_88 : memref<80xi32, #tpu.memory_space<vmem>>) semaphore(%arg32 : memref<!tpu.dma_semaphore, #tpu.memory_space<semaphore_mem>>) {add = true}
        %dma_wait3A_92 = arith.constant 0 : i32
        %dma_wait3A_93 = arith.constant 0 : i32
        %dma_wait3A_94 = tpu.memref_slice %arg23[%dma_wait3A_92, %dma_wait3A_93] : memref<50x80xi32, #tpu.memory_space<vmem>> -> memref<1x80xi32, #tpu.memory_space<vmem>>
        %dma_wait3A_95 = tpu.memref_squeeze %dma_wait3A_94 : memref<1x80xi32, #tpu.memory_space<vmem>> -> memref<80xi32, #tpu.memory_space<vmem>>
        %dma_wait3A_96 = arith.constant 0 : i32
        %dma_wait3A_97 = arith.constant 0 : i32
        %dma_wait3A_98 = tpu.memref_slice %arg20[%dma_wait3A_96, %dma_wait3A_97] : memref<10112x128xf32, #tpu.memory_space<vmem_shared>> -> memref<10112x128xf32, #tpu.memory_space<vmem_shared>>
        tpu.wait_indirect_dma semaphore(%arg29 : memref<!tpu.dma_semaphore, #tpu.memory_space<semaphore_mem>>) src(%arg24 : memref<80x128xf32, #tpu.memory_space<vmem>>) dst(%dma_wait3A_98 : memref<10112x128xf32, #tpu.memory_space<vmem_shared>>)
        %dma_wait3A_99 = arith.constant 0 : i32
        %dma_wait3A_100 = arith.constant 0 : i32
        %dma_wait3A_101 = tpu.memref_slice %arg23[%dma_wait3A_99, %dma_wait3A_100] : memref<50x80xi32, #tpu.memory_space<vmem>> -> memref<1x80xi32, #tpu.memory_space<vmem>>
        %dma_wait3A_102 = tpu.memref_squeeze %dma_wait3A_101 : memref<1x80xi32, #tpu.memory_space<vmem>> -> memref<80xi32, #tpu.memory_space<vmem>>
        %dma_wait3A_103 = arith.constant 0 : i32
        %dma_wait3A_104 = arith.constant 0 : i32
        %dma_wait3A_105 = tpu.memref_slice %arg21[%dma_wait3A_103, %dma_wait3A_104] : memref<10112x16xf32, #tpu.memory_space<vmem_shared>> -> memref<10112x16xf32, #tpu.memory_space<vmem_shared>>
        tpu.wait_indirect_dma semaphore(%arg31 : memref<!tpu.dma_semaphore, #tpu.memory_space<semaphore_mem>>) src(%arg26 : memref<80x16xf32, #tpu.memory_space<vmem>>) dst(%dma_wait3A_105 : memref<10112x16xf32, #tpu.memory_space<vmem_shared>>)
        %dma_start3A_106 = arith.constant 2 : i32
        %dma_start3A_107 = arith.constant 0 : i32
        %dma_start3A_108 = tpu.memref_slice %arg22[%dma_start3A_106, %dma_start3A_107] : memref<50x80xi32, #tpu.memory_space<vmem>> -> memref<1x80xi32, #tpu.memory_space<vmem>>
        %dma_start3A_109 = tpu.memref_squeeze %dma_start3A_108 : memref<1x80xi32, #tpu.memory_space<vmem>> -> memref<80xi32, #tpu.memory_space<vmem>>
        %dma_start3A_110 = arith.constant 0 : i32
        %dma_start3A_111 = arith.constant 0 : i32
        %dma_start3A_112 = tpu.memref_slice %arg4[%dma_start3A_110, %dma_start3A_111] : memref<10000x128xf32, #tpu.memory_space<hbm>> -> memref<10000x128xf32, #tpu.memory_space<hbm>>
        tpu.enqueue_indirect_dma source(%dma_start3A_112 : memref<10000x128xf32, #tpu.memory_space<hbm>>) target(%arg24 : memref<80x128xf32, #tpu.memory_space<vmem>>) offsets(%dma_start3A_109 : memref<80xi32, #tpu.memory_space<vmem>>) semaphore(%arg27 : memref<!tpu.dma_semaphore, #tpu.memory_space<semaphore_mem>>)
        %scan3A_113 = arith.constant 1 : i32
        %scan3A_114 = arith.constant 23 : i32
        %scan3A_115 = arith.addi %scan3A_113, %scan3A_114 : i32
        %scan3A_116 = arith.constant 1 : i32
        scf.for %scan3A_209 = %scan3A_113 to %scan3A_115 step %scan3A_116  : i32 {
          %mul3A_210 = arith.constant 2 : i32
          %mul3A_211 = arith.muli %mul3A_210, %scan3A_209 : i32
          %add3A_212 = arith.constant 1 : i32
          %add3A_213 = arith.addi %mul3A_211, %add3A_212 : i32
          %sub3A = arith.constant 2 : i32
          %sub3A_214 = arith.subi %add3A_213, %sub3A : i32
          %dma_wait3A_215 = arith.constant 0 : i32
          %dma_wait3A_216 = tpu.memref_slice %arg23[%sub3A_214, %dma_wait3A_215] : memref<50x80xi32, #tpu.memory_space<vmem>> -> memref<1x80xi32, #tpu.memory_space<vmem>>
          %dma_wait3A_217 = tpu.memref_squeeze %dma_wait3A_216 : memref<1x80xi32, #tpu.memory_space<vmem>> -> memref<80xi32, #tpu.memory_space<vmem>>
          %dma_wait3A_218 = arith.constant 0 : i32
          %dma_wait3A_219 = arith.constant 0 : i32
          %dma_wait3A_220 = tpu.memref_slice %arg20[%dma_wait3A_218, %dma_wait3A_219] : memref<10112x128xf32, #tpu.memory_space<vmem_shared>> -> memref<10112x128xf32, #tpu.memory_space<vmem_shared>>
          tpu.wait_indirect_dma semaphore(%arg30 : memref<!tpu.dma_semaphore, #tpu.memory_space<semaphore_mem>>) src(%arg25 : memref<80x128xf32, #tpu.memory_space<vmem>>) dst(%dma_wait3A_220 : memref<10112x128xf32, #tpu.memory_space<vmem_shared>>)
          %dma_wait3A_221 = arith.constant 0 : i32
          %dma_wait3A_222 = tpu.memref_slice %arg23[%sub3A_214, %dma_wait3A_221] : memref<50x80xi32, #tpu.memory_space<vmem>> -> memref<1x80xi32, #tpu.memory_space<vmem>>
          %dma_wait3A_223 = tpu.memref_squeeze %dma_wait3A_222 : memref<1x80xi32, #tpu.memory_space<vmem>> -> memref<80xi32, #tpu.memory_space<vmem>>
          %dma_wait3A_224 = arith.constant 0 : i32
          %dma_wait3A_225 = arith.constant 0 : i32
          %dma_wait3A_226 = tpu.memref_slice %arg21[%dma_wait3A_224, %dma_wait3A_225] : memref<10112x16xf32, #tpu.memory_space<vmem_shared>> -> memref<10112x16xf32, #tpu.memory_space<vmem_shared>>
          tpu.wait_indirect_dma semaphore(%arg32 : memref<!tpu.dma_semaphore, #tpu.memory_space<semaphore_mem>>) src(%arg26 : memref<80x16xf32, #tpu.memory_space<vmem>>) dst(%dma_wait3A_226 : memref<10112x16xf32, #tpu.memory_space<vmem_shared>>)
          %dma_start3A_227 = arith.constant 0 : i32
          %dma_start3A_228 = tpu.memref_slice %arg22[%add3A_213, %dma_start3A_227] : memref<50x80xi32, #tpu.memory_space<vmem>> -> memref<1x80xi32, #tpu.memory_space<vmem>>
          %dma_start3A_229 = tpu.memref_squeeze %dma_start3A_228 : memref<1x80xi32, #tpu.memory_space<vmem>> -> memref<80xi32, #tpu.memory_space<vmem>>
          %dma_start3A_230 = arith.constant 0 : i32
          %dma_start3A_231 = arith.constant 0 : i32
          %dma_start3A_232 = tpu.memref_slice %arg4[%dma_start3A_230, %dma_start3A_231] : memref<10000x128xf32, #tpu.memory_space<hbm>> -> memref<10000x128xf32, #tpu.memory_space<hbm>>
          tpu.enqueue_indirect_dma source(%dma_start3A_232 : memref<10000x128xf32, #tpu.memory_space<hbm>>) target(%arg25 : memref<80x128xf32, #tpu.memory_space<vmem>>) offsets(%dma_start3A_229 : memref<80xi32, #tpu.memory_space<vmem>>) semaphore(%arg28 : memref<!tpu.dma_semaphore, #tpu.memory_space<semaphore_mem>>)
          %dma_wait3A_233 = arith.constant 0 : i32
          %dma_wait3A_234 = tpu.memref_slice %arg22[%mul3A_211, %dma_wait3A_233] : memref<50x80xi32, #tpu.memory_space<vmem>> -> memref<1x80xi32, #tpu.memory_space<vmem>>
          %dma_wait3A_235 = tpu.memref_squeeze %dma_wait3A_234 : memref<1x80xi32, #tpu.memory_space<vmem>> -> memref<80xi32, #tpu.memory_space<vmem>>
          %dma_wait3A_236 = arith.constant 0 : i32
          %dma_wait3A_237 = arith.constant 0 : i32
          %dma_wait3A_238 = tpu.memref_slice %arg4[%dma_wait3A_236, %dma_wait3A_237] : memref<10000x128xf32, #tpu.memory_space<hbm>> -> memref<10000x128xf32, #tpu.memory_space<hbm>>
          tpu.wait_indirect_dma semaphore(%arg27 : memref<!tpu.dma_semaphore, #tpu.memory_space<semaphore_mem>>) src(%dma_wait3A_238 : memref<10000x128xf32, #tpu.memory_space<hbm>>) dst(%arg24 : memref<80x128xf32, #tpu.memory_space<vmem>>)
          %dma_start3A_239 = arith.constant 0 : i32
          %dma_start3A_240 = tpu.memref_slice %arg23[%mul3A_211, %dma_start3A_239] : memref<50x80xi32, #tpu.memory_space<vmem>> -> memref<1x80xi32, #tpu.memory_space<vmem>>
          %dma_start3A_241 = tpu.memref_squeeze %dma_start3A_240 : memref<1x80xi32, #tpu.memory_space<vmem>> -> memref<80xi32, #tpu.memory_space<vmem>>
          %dma_start3A_242 = arith.constant 0 : i32
          %dma_start3A_243 = arith.constant 0 : i32
          %dma_start3A_244 = tpu.memref_slice %arg20[%dma_start3A_242, %dma_start3A_243] : memref<10112x128xf32, #tpu.memory_space<vmem_shared>> -> memref<10112x128xf32, #tpu.memory_space<vmem_shared>>
          tpu.enqueue_indirect_dma source(%arg24 : memref<80x128xf32, #tpu.memory_space<vmem>>) target(%dma_start3A_244 : memref<10112x128xf32, #tpu.memory_space<vmem_shared>>) offsets(%dma_start3A_241 : memref<80xi32, #tpu.memory_space<vmem>>) semaphore(%arg29 : memref<!tpu.dma_semaphore, #tpu.memory_space<semaphore_mem>>) {add = true}
          %dma_start3A_245 = arith.constant 0 : i32
          %dma_start3A_246 = tpu.memref_slice %arg23[%mul3A_211, %dma_start3A_245] : memref<50x80xi32, #tpu.memory_space<vmem>> -> memref<1x80xi32, #tpu.memory_space<vmem>>
          %dma_start3A_247 = tpu.memref_squeeze %dma_start3A_246 : memref<1x80xi32, #tpu.memory_space<vmem>> -> memref<80xi32, #tpu.memory_space<vmem>>
          %dma_start3A_248 = arith.constant 0 : i32
          %dma_start3A_249 = arith.constant 0 : i32
          %dma_start3A_250 = tpu.memref_slice %arg21[%dma_start3A_248, %dma_start3A_249] : memref<10112x16xf32, #tpu.memory_space<vmem_shared>> -> memref<10112x16xf32, #tpu.memory_space<vmem_shared>>
          tpu.enqueue_indirect_dma source(%arg26 : memref<80x16xf32, #tpu.memory_space<vmem>>) target(%dma_start3A_250 : memref<10112x16xf32, #tpu.memory_space<vmem_shared>>) offsets(%dma_start3A_247 : memref<80xi32, #tpu.memory_space<vmem>>) semaphore(%arg31 : memref<!tpu.dma_semaphore, #tpu.memory_space<semaphore_mem>>) {add = true}
          %dma_wait3A_251 = arith.constant 0 : i32
          %dma_wait3A_252 = tpu.memref_slice %arg22[%add3A_213, %dma_wait3A_251] : memref<50x80xi32, #tpu.memory_space<vmem>> -> memref<1x80xi32, #tpu.memory_space<vmem>>
          %dma_wait3A_253 = tpu.memref_squeeze %dma_wait3A_252 : memref<1x80xi32, #tpu.memory_space<vmem>> -> memref<80xi32, #tpu.memory_space<vmem>>
          %dma_wait3A_254 = arith.constant 0 : i32
          %dma_wait3A_255 = arith.constant 0 : i32
          %dma_wait3A_256 = tpu.memref_slice %arg4[%dma_wait3A_254, %dma_wait3A_255] : memref<10000x128xf32, #tpu.memory_space<hbm>> -> memref<10000x128xf32, #tpu.memory_space<hbm>>
          tpu.wait_indirect_dma semaphore(%arg28 : memref<!tpu.dma_semaphore, #tpu.memory_space<semaphore_mem>>) src(%dma_wait3A_256 : memref<10000x128xf32, #tpu.memory_space<hbm>>) dst(%arg25 : memref<80x128xf32, #tpu.memory_space<vmem>>)
          %dma_start3A_257 = arith.constant 0 : i32
          %dma_start3A_258 = tpu.memref_slice %arg23[%add3A_213, %dma_start3A_257] : memref<50x80xi32, #tpu.memory_space<vmem>> -> memref<1x80xi32, #tpu.memory_space<vmem>>
          %dma_start3A_259 = tpu.memref_squeeze %dma_start3A_258 : memref<1x80xi32, #tpu.memory_space<vmem>> -> memref<80xi32, #tpu.memory_space<vmem>>
          %dma_start3A_260 = arith.constant 0 : i32
          %dma_start3A_261 = arith.constant 0 : i32
          %dma_start3A_262 = tpu.memref_slice %arg20[%dma_start3A_260, %dma_start3A_261] : memref<10112x128xf32, #tpu.memory_space<vmem_shared>> -> memref<10112x128xf32, #tpu.memory_space<vmem_shared>>
          tpu.enqueue_indirect_dma source(%arg25 : memref<80x128xf32, #tpu.memory_space<vmem>>) target(%dma_start3A_262 : memref<10112x128xf32, #tpu.memory_space<vmem_shared>>) offsets(%dma_start3A_259 : memref<80xi32, #tpu.memory_space<vmem>>) semaphore(%arg30 : memref<!tpu.dma_semaphore, #tpu.memory_space<semaphore_mem>>) {add = true}
          %dma_start3A_263 = arith.constant 0 : i32
          %dma_start3A_264 = tpu.memref_slice %arg23[%add3A_213, %dma_start3A_263] : memref<50x80xi32, #tpu.memory_space<vmem>> -> memref<1x80xi32, #tpu.memory_space<vmem>>
          %dma_start3A_265 = tpu.memref_squeeze %dma_start3A_264 : memref<1x80xi32, #tpu.memory_space<vmem>> -> memref<80xi32, #tpu.memory_space<vmem>>
          %dma_start3A_266 = arith.constant 0 : i32
          %dma_start3A_267 = arith.constant 0 : i32
          %dma_start3A_268 = tpu.memref_slice %arg21[%dma_start3A_266, %dma_start3A_267] : memref<10112x16xf32, #tpu.memory_space<vmem_shared>> -> memref<10112x16xf32, #tpu.memory_space<vmem_shared>>
          tpu.enqueue_indirect_dma source(%arg26 : memref<80x16xf32, #tpu.memory_space<vmem>>) target(%dma_start3A_268 : memref<10112x16xf32, #tpu.memory_space<vmem_shared>>) offsets(%dma_start3A_265 : memref<80xi32, #tpu.memory_space<vmem>>) semaphore(%arg32 : memref<!tpu.dma_semaphore, #tpu.memory_space<semaphore_mem>>) {add = true}
          %dma_wait3A_269 = arith.constant 0 : i32
          %dma_wait3A_270 = tpu.memref_slice %arg23[%mul3A_211, %dma_wait3A_269] : memref<50x80xi32, #tpu.memory_space<vmem>> -> memref<1x80xi32, #tpu.memory_space<vmem>>
          %dma_wait3A_271 = tpu.memref_squeeze %dma_wait3A_270 : memref<1x80xi32, #tpu.memory_space<vmem>> -> memref<80xi32, #tpu.memory_space<vmem>>
          %dma_wait3A_272 = arith.constant 0 : i32
          %dma_wait3A_273 = arith.constant 0 : i32
          %dma_wait3A_274 = tpu.memref_slice %arg20[%dma_wait3A_272, %dma_wait3A_273] : memref<10112x128xf32, #tpu.memory_space<vmem_shared>> -> memref<10112x128xf32, #tpu.memory_space<vmem_shared>>
          tpu.wait_indirect_dma semaphore(%arg29 : memref<!tpu.dma_semaphore, #tpu.memory_space<semaphore_mem>>) src(%arg24 : memref<80x128xf32, #tpu.memory_space<vmem>>) dst(%dma_wait3A_274 : memref<10112x128xf32, #tpu.memory_space<vmem_shared>>)
          %dma_wait3A_275 = arith.constant 0 : i32
          %dma_wait3A_276 = tpu.memref_slice %arg23[%mul3A_211, %dma_wait3A_275] : memref<50x80xi32, #tpu.memory_space<vmem>> -> memref<1x80xi32, #tpu.memory_space<vmem>>
          %dma_wait3A_277 = tpu.memref_squeeze %dma_wait3A_276 : memref<1x80xi32, #tpu.memory_space<vmem>> -> memref<80xi32, #tpu.memory_space<vmem>>
          %dma_wait3A_278 = arith.constant 0 : i32
          %dma_wait3A_279 = arith.constant 0 : i32
          %dma_wait3A_280 = tpu.memref_slice %arg21[%dma_wait3A_278, %dma_wait3A_279] : memref<10112x16xf32, #tpu.memory_space<vmem_shared>> -> memref<10112x16xf32, #tpu.memory_space<vmem_shared>>
          tpu.wait_indirect_dma semaphore(%arg31 : memref<!tpu.dma_semaphore, #tpu.memory_space<semaphore_mem>>) src(%arg26 : memref<80x16xf32, #tpu.memory_space<vmem>>) dst(%dma_wait3A_280 : memref<10112x16xf32, #tpu.memory_space<vmem_shared>>)
          %add3A_281 = arith.constant 2 : i32
          %add3A_282 = arith.addi %mul3A_211, %add3A_281 : i32
          %dma_start3A_283 = arith.constant 0 : i32
          %dma_start3A_284 = tpu.memref_slice %arg22[%add3A_282, %dma_start3A_283] : memref<50x80xi32, #tpu.memory_space<vmem>> -> memref<1x80xi32, #tpu.memory_space<vmem>>
          %dma_start3A_285 = tpu.memref_squeeze %dma_start3A_284 : memref<1x80xi32, #tpu.memory_space<vmem>> -> memref<80xi32, #tpu.memory_space<vmem>>
          %dma_start3A_286 = arith.constant 0 : i32
          %dma_start3A_287 = arith.constant 0 : i32
          %dma_start3A_288 = tpu.memref_slice %arg4[%dma_start3A_286, %dma_start3A_287] : memref<10000x128xf32, #tpu.memory_space<hbm>> -> memref<10000x128xf32, #tpu.memory_space<hbm>>
          tpu.enqueue_indirect_dma source(%dma_start3A_288 : memref<10000x128xf32, #tpu.memory_space<hbm>>) target(%arg24 : memref<80x128xf32, #tpu.memory_space<vmem>>) offsets(%dma_start3A_285 : memref<80xi32, #tpu.memory_space<vmem>>) semaphore(%arg27 : memref<!tpu.dma_semaphore, #tpu.memory_space<semaphore_mem>>)
        }
        %scan3A_117 = arith.constant 23 : i32
        %dma_wait3A_118 = arith.constant 47 : i32
        %dma_wait3A_119 = arith.constant 0 : i32
        %dma_wait3A_120 = tpu.memref_slice %arg23[%dma_wait3A_118, %dma_wait3A_119] : memref<50x80xi32, #tpu.memory_space<vmem>> -> memref<1x80xi32, #tpu.memory_space<vmem>>
        %dma_wait3A_121 = tpu.memref_squeeze %dma_wait3A_120 : memref<1x80xi32, #tpu.memory_space<vmem>> -> memref<80xi32, #tpu.memory_space<vmem>>
        %dma_wait3A_122 = arith.constant 0 : i32
        %dma_wait3A_123 = arith.constant 0 : i32
        %dma_wait3A_124 = tpu.memref_slice %arg20[%dma_wait3A_122, %dma_wait3A_123] : memref<10112x128xf32, #tpu.memory_space<vmem_shared>> -> memref<10112x128xf32, #tpu.memory_space<vmem_shared>>
        tpu.wait_indirect_dma semaphore(%arg30 : memref<!tpu.dma_semaphore, #tpu.memory_space<semaphore_mem>>) src(%arg25 : memref<80x128xf32, #tpu.memory_space<vmem>>) dst(%dma_wait3A_124 : memref<10112x128xf32, #tpu.memory_space<vmem_shared>>)
        %dma_wait3A_125 = arith.constant 47 : i32
        %dma_wait3A_126 = arith.constant 0 : i32
        %dma_wait3A_127 = tpu.memref_slice %arg23[%dma_wait3A_125, %dma_wait3A_126] : memref<50x80xi32, #tpu.memory_space<vmem>> -> memref<1x80xi32, #tpu.memory_space<vmem>>
        %dma_wait3A_128 = tpu.memref_squeeze %dma_wait3A_127 : memref<1x80xi32, #tpu.memory_space<vmem>> -> memref<80xi32, #tpu.memory_space<vmem>>
        %dma_wait3A_129 = arith.constant 0 : i32
        %dma_wait3A_130 = arith.constant 0 : i32
        %dma_wait3A_131 = tpu.memref_slice %arg21[%dma_wait3A_129, %dma_wait3A_130] : memref<10112x16xf32, #tpu.memory_space<vmem_shared>> -> memref<10112x16xf32, #tpu.memory_space<vmem_shared>>
        tpu.wait_indirect_dma semaphore(%arg32 : memref<!tpu.dma_semaphore, #tpu.memory_space<semaphore_mem>>) src(%arg26 : memref<80x16xf32, #tpu.memory_space<vmem>>) dst(%dma_wait3A_131 : memref<10112x16xf32, #tpu.memory_space<vmem_shared>>)
        %dma_start3A_132 = arith.constant 49 : i32
        %dma_start3A_133 = arith.constant 0 : i32
        %dma_start3A_134 = tpu.memref_slice %arg22[%dma_start3A_132, %dma_start3A_133] : memref<50x80xi32, #tpu.memory_space<vmem>> -> memref<1x80xi32, #tpu.memory_space<vmem>>
        %dma_start3A_135 = tpu.memref_squeeze %dma_start3A_134 : memref<1x80xi32, #tpu.memory_space<vmem>> -> memref<80xi32, #tpu.memory_space<vmem>>
        %dma_start3A_136 = arith.constant 0 : i32
        %dma_start3A_137 = arith.constant 0 : i32
        %dma_start3A_138 = tpu.memref_slice %arg4[%dma_start3A_136, %dma_start3A_137] : memref<10000x128xf32, #tpu.memory_space<hbm>> -> memref<10000x128xf32, #tpu.memory_space<hbm>>
        tpu.enqueue_indirect_dma source(%dma_start3A_138 : memref<10000x128xf32, #tpu.memory_space<hbm>>) target(%arg25 : memref<80x128xf32, #tpu.memory_space<vmem>>) offsets(%dma_start3A_135 : memref<80xi32, #tpu.memory_space<vmem>>) semaphore(%arg28 : memref<!tpu.dma_semaphore, #tpu.memory_space<semaphore_mem>>)
        %dma_wait3A_139 = arith.constant 48 : i32
        %dma_wait3A_140 = arith.constant 0 : i32
        %dma_wait3A_141 = tpu.memref_slice %arg22[%dma_wait3A_139, %dma_wait3A_140] : memref<50x80xi32, #tpu.memory_space<vmem>> -> memref<1x80xi32, #tpu.memory_space<vmem>>
        %dma_wait3A_142 = tpu.memref_squeeze %dma_wait3A_141 : memref<1x80xi32, #tpu.memory_space<vmem>> -> memref<80xi32, #tpu.memory_space<vmem>>
        %dma_wait3A_143 = arith.constant 0 : i32
        %dma_wait3A_144 = arith.constant 0 : i32
        %dma_wait3A_145 = tpu.memref_slice %arg4[%dma_wait3A_143, %dma_wait3A_144] : memref<10000x128xf32, #tpu.memory_space<hbm>> -> memref<10000x128xf32, #tpu.memory_space<hbm>>
        tpu.wait_indirect_dma semaphore(%arg27 : memref<!tpu.dma_semaphore, #tpu.memory_space<semaphore_mem>>) src(%dma_wait3A_145 : memref<10000x128xf32, #tpu.memory_space<hbm>>) dst(%arg24 : memref<80x128xf32, #tpu.memory_space<vmem>>)
        %dma_start3A_146 = arith.constant 48 : i32
        %dma_start3A_147 = arith.constant 0 : i32
        %dma_start3A_148 = tpu.memref_slice %arg23[%dma_start3A_146, %dma_start3A_147] : memref<50x80xi32, #tpu.memory_space<vmem>> -> memref<1x80xi32, #tpu.memory_space<vmem>>
        %dma_start3A_149 = tpu.memref_squeeze %dma_start3A_148 : memref<1x80xi32, #tpu.memory_space<vmem>> -> memref<80xi32, #tpu.memory_space<vmem>>
        %dma_start3A_150 = arith.constant 0 : i32
        %dma_start3A_151 = arith.constant 0 : i32
        %dma_start3A_152 = tpu.memref_slice %arg20[%dma_start3A_150, %dma_start3A_151] : memref<10112x128xf32, #tpu.memory_space<vmem_shared>> -> memref<10112x128xf32, #tpu.memory_space<vmem_shared>>
        tpu.enqueue_indirect_dma source(%arg24 : memref<80x128xf32, #tpu.memory_space<vmem>>) target(%dma_start3A_152 : memref<10112x128xf32, #tpu.memory_space<vmem_shared>>) offsets(%dma_start3A_149 : memref<80xi32, #tpu.memory_space<vmem>>) semaphore(%arg29 : memref<!tpu.dma_semaphore, #tpu.memory_space<semaphore_mem>>) {add = true}
        %dma_start3A_153 = arith.constant 48 : i32
        %dma_start3A_154 = arith.constant 0 : i32
        %dma_start3A_155 = tpu.memref_slice %arg23[%dma_start3A_153, %dma_start3A_154] : memref<50x80xi32, #tpu.memory_space<vmem>> -> memref<1x80xi32, #tpu.memory_space<vmem>>
        %dma_start3A_156 = tpu.memref_squeeze %dma_start3A_155 : memref<1x80xi32, #tpu.memory_space<vmem>> -> memref<80xi32, #tpu.memory_space<vmem>>
        %dma_start3A_157 = arith.constant 0 : i32
        %dma_start3A_158 = arith.constant 0 : i32
        %dma_start3A_159 = tpu.memref_slice %arg21[%dma_start3A_157, %dma_start3A_158] : memref<10112x16xf32, #tpu.memory_space<vmem_shared>> -> memref<10112x16xf32, #tpu.memory_space<vmem_shared>>
        tpu.enqueue_indirect_dma source(%arg26 : memref<80x16xf32, #tpu.memory_space<vmem>>) target(%dma_start3A_159 : memref<10112x16xf32, #tpu.memory_space<vmem_shared>>) offsets(%dma_start3A_156 : memref<80xi32, #tpu.memory_space<vmem>>) semaphore(%arg31 : memref<!tpu.dma_semaphore, #tpu.memory_space<semaphore_mem>>) {add = true}
        %dma_wait3A_160 = arith.constant 49 : i32
        %dma_wait3A_161 = arith.constant 0 : i32
        %dma_wait3A_162 = tpu.memref_slice %arg22[%dma_wait3A_160, %dma_wait3A_161] : memref<50x80xi32, #tpu.memory_space<vmem>> -> memref<1x80xi32, #tpu.memory_space<vmem>>
        %dma_wait3A_163 = tpu.memref_squeeze %dma_wait3A_162 : memref<1x80xi32, #tpu.memory_space<vmem>> -> memref<80xi32, #tpu.memory_space<vmem>>
        %dma_wait3A_164 = arith.constant 0 : i32
        %dma_wait3A_165 = arith.constant 0 : i32
        %dma_wait3A_166 = tpu.memref_slice %arg4[%dma_wait3A_164, %dma_wait3A_165] : memref<10000x128xf32, #tpu.memory_space<hbm>> -> memref<10000x128xf32, #tpu.memory_space<hbm>>
        tpu.wait_indirect_dma semaphore(%arg28 : memref<!tpu.dma_semaphore, #tpu.memory_space<semaphore_mem>>) src(%dma_wait3A_166 : memref<10000x128xf32, #tpu.memory_space<hbm>>) dst(%arg25 : memref<80x128xf32, #tpu.memory_space<vmem>>)
        %dma_start3A_167 = arith.constant 49 : i32
        %dma_start3A_168 = arith.constant 0 : i32
        %dma_start3A_169 = tpu.memref_slice %arg23[%dma_start3A_167, %dma_start3A_168] : memref<50x80xi32, #tpu.memory_space<vmem>> -> memref<1x80xi32, #tpu.memory_space<vmem>>
        %dma_start3A_170 = tpu.memref_squeeze %dma_start3A_169 : memref<1x80xi32, #tpu.memory_space<vmem>> -> memref<80xi32, #tpu.memory_space<vmem>>
        %dma_start3A_171 = arith.constant 0 : i32
        %dma_start3A_172 = arith.constant 0 : i32
        %dma_start3A_173 = tpu.memref_slice %arg20[%dma_start3A_171, %dma_start3A_172] : memref<10112x128xf32, #tpu.memory_space<vmem_shared>> -> memref<10112x128xf32, #tpu.memory_space<vmem_shared>>
        tpu.enqueue_indirect_dma source(%arg25 : memref<80x128xf32, #tpu.memory_space<vmem>>) target(%dma_start3A_173 : memref<10112x128xf32, #tpu.memory_space<vmem_shared>>) offsets(%dma_start3A_170 : memref<80xi32, #tpu.memory_space<vmem>>) semaphore(%arg30 : memref<!tpu.dma_semaphore, #tpu.memory_space<semaphore_mem>>) {add = true}
        %dma_start3A_174 = arith.constant 49 : i32
        %dma_start3A_175 = arith.constant 0 : i32
        %dma_start3A_176 = tpu.memref_slice %arg23[%dma_start3A_174, %dma_start3A_175] : memref<50x80xi32, #tpu.memory_space<vmem>> -> memref<1x80xi32, #tpu.memory_space<vmem>>
        %dma_start3A_177 = tpu.memref_squeeze %dma_start3A_176 : memref<1x80xi32, #tpu.memory_space<vmem>> -> memref<80xi32, #tpu.memory_space<vmem>>
        %dma_start3A_178 = arith.constant 0 : i32
        %dma_start3A_179 = arith.constant 0 : i32
        %dma_start3A_180 = tpu.memref_slice %arg21[%dma_start3A_178, %dma_start3A_179] : memref<10112x16xf32, #tpu.memory_space<vmem_shared>> -> memref<10112x16xf32, #tpu.memory_space<vmem_shared>>
        tpu.enqueue_indirect_dma source(%arg26 : memref<80x16xf32, #tpu.memory_space<vmem>>) target(%dma_start3A_180 : memref<10112x16xf32, #tpu.memory_space<vmem_shared>>) offsets(%dma_start3A_177 : memref<80xi32, #tpu.memory_space<vmem>>) semaphore(%arg32 : memref<!tpu.dma_semaphore, #tpu.memory_space<semaphore_mem>>) {add = true}
        %dma_wait3A_181 = arith.constant 48 : i32
        %dma_wait3A_182 = arith.constant 0 : i32
        %dma_wait3A_183 = tpu.memref_slice %arg23[%dma_wait3A_181, %dma_wait3A_182] : memref<50x80xi32, #tpu.memory_space<vmem>> -> memref<1x80xi32, #tpu.memory_space<vmem>>
        %dma_wait3A_184 = tpu.memref_squeeze %dma_wait3A_183 : memref<1x80xi32, #tpu.memory_space<vmem>> -> memref<80xi32, #tpu.memory_space<vmem>>
        %dma_wait3A_185 = arith.constant 0 : i32
        %dma_wait3A_186 = arith.constant 0 : i32
        %dma_wait3A_187 = tpu.memref_slice %arg20[%dma_wait3A_185, %dma_wait3A_186] : memref<10112x128xf32, #tpu.memory_space<vmem_shared>> -> memref<10112x128xf32, #tpu.memory_space<vmem_shared>>
        tpu.wait_indirect_dma semaphore(%arg29 : memref<!tpu.dma_semaphore, #tpu.memory_space<semaphore_mem>>) src(%arg24 : memref<80x128xf32, #tpu.memory_space<vmem>>) dst(%dma_wait3A_187 : memref<10112x128xf32, #tpu.memory_space<vmem_shared>>)
        %dma_wait3A_188 = arith.constant 48 : i32
        %dma_wait3A_189 = arith.constant 0 : i32
        %dma_wait3A_190 = tpu.memref_slice %arg23[%dma_wait3A_188, %dma_wait3A_189] : memref<50x80xi32, #tpu.memory_space<vmem>> -> memref<1x80xi32, #tpu.memory_space<vmem>>
        %dma_wait3A_191 = tpu.memref_squeeze %dma_wait3A_190 : memref<1x80xi32, #tpu.memory_space<vmem>> -> memref<80xi32, #tpu.memory_space<vmem>>
        %dma_wait3A_192 = arith.constant 0 : i32
        %dma_wait3A_193 = arith.constant 0 : i32
        %dma_wait3A_194 = tpu.memref_slice %arg21[%dma_wait3A_192, %dma_wait3A_193] : memref<10112x16xf32, #tpu.memory_space<vmem_shared>> -> memref<10112x16xf32, #tpu.memory_space<vmem_shared>>
        tpu.wait_indirect_dma semaphore(%arg31 : memref<!tpu.dma_semaphore, #tpu.memory_space<semaphore_mem>>) src(%arg26 : memref<80x16xf32, #tpu.memory_space<vmem>>) dst(%dma_wait3A_194 : memref<10112x16xf32, #tpu.memory_space<vmem_shared>>)
        %dma_wait3A_195 = arith.constant 49 : i32
        %dma_wait3A_196 = arith.constant 0 : i32
        %dma_wait3A_197 = tpu.memref_slice %arg23[%dma_wait3A_195, %dma_wait3A_196] : memref<50x80xi32, #tpu.memory_space<vmem>> -> memref<1x80xi32, #tpu.memory_space<vmem>>
        %dma_wait3A_198 = tpu.memref_squeeze %dma_wait3A_197 : memref<1x80xi32, #tpu.memory_space<vmem>> -> memref<80xi32, #tpu.memory_space<vmem>>
        %dma_wait3A_199 = arith.constant 0 : i32
        %dma_wait3A_200 = arith.constant 0 : i32
        %dma_wait3A_201 = tpu.memref_slice %arg20[%dma_wait3A_199, %dma_wait3A_200] : memref<10112x128xf32, #tpu.memory_space<vmem_shared>> -> memref<10112x128xf32, #tpu.memory_space<vmem_shared>>
        tpu.wait_indirect_dma semaphore(%arg30 : memref<!tpu.dma_semaphore, #tpu.memory_space<semaphore_mem>>) src(%arg25 : memref<80x128xf32, #tpu.memory_space<vmem>>) dst(%dma_wait3A_201 : memref<10112x128xf32, #tpu.memory_space<vmem_shared>>)
        %dma_wait3A_202 = arith.constant 49 : i32
        %dma_wait3A_203 = arith.constant 0 : i32
        %dma_wait3A_204 = tpu.memref_slice %arg23[%dma_wait3A_202, %dma_wait3A_203] : memref<50x80xi32, #tpu.memory_space<vmem>> -> memref<1x80xi32, #tpu.memory_space<vmem>>
        %dma_wait3A_205 = tpu.memref_squeeze %dma_wait3A_204 : memref<1x80xi32, #tpu.memory_space<vmem>> -> memref<80xi32, #tpu.memory_space<vmem>>
        %dma_wait3A_206 = arith.constant 0 : i32
        %dma_wait3A_207 = arith.constant 0 : i32
        %dma_wait3A_208 = tpu.memref_slice %arg21[%dma_wait3A_206, %dma_wait3A_207] : memref<10112x16xf32, #tpu.memory_space<vmem_shared>> -> memref<10112x16xf32, #tpu.memory_space<vmem_shared>>
        tpu.wait_indirect_dma semaphore(%arg32 : memref<!tpu.dma_semaphore, #tpu.memory_space<semaphore_mem>>) src(%arg26 : memref<80x16xf32, #tpu.memory_space<vmem>>) dst(%dma_wait3A_208 : memref<10112x16xf32, #tpu.memory_space<vmem_shared>>)
      }
      %scan3A_27 = arith.constant 5 : i32
      %barrier3A_28 = arith.constant 0 : index
      tpu.barrier barrier_id(%barrier3A_28)
      "tpu.region"() ({
        %run_scoped3A = tpu.sem_alloc : memref<!tpu.dma_semaphore, #tpu.memory_space<semaphore_mem>>
        %dma_start3A = arith.constant 0 : i32
        %dma_start3A_30 = tpu.memref_slice %arg18[%mul3A_18, %dma_start3A] : memref<10112x128xf32, #tpu.memory_space<hbm>> -> memref<632x128xf32, #tpu.memory_space<hbm>>
        %dma_start3A_31 = arith.constant 0 : i32
        %dma_start3A_32 = tpu.memref_slice %arg20[%mul3A_18, %dma_start3A_31] : memref<10112x128xf32, #tpu.memory_space<vmem_shared>> -> memref<632x128xf32, #tpu.memory_space<vmem_shared>>
        tpu.enqueue_dma source(%dma_start3A_32 : memref<632x128xf32, #tpu.memory_space<vmem_shared>>) target(%dma_start3A_30 : memref<632x128xf32, #tpu.memory_space<hbm>>) target_semaphore(%run_scoped3A : memref<!tpu.dma_semaphore, #tpu.memory_space<semaphore_mem>>)
        %dma_wait3A = arith.constant 0 : i32
        %dma_wait3A_33 = tpu.memref_slice %arg18[%mul3A_18, %dma_wait3A] : memref<10112x128xf32, #tpu.memory_space<hbm>> -> memref<632x128xf32, #tpu.memory_space<hbm>>
        %dma_wait3A_34 = arith.constant 0 : i32
        %dma_wait3A_35 = tpu.memref_slice %arg20[%mul3A_18, %dma_wait3A_34] : memref<10112x128xf32, #tpu.memory_space<vmem_shared>> -> memref<632x128xf32, #tpu.memory_space<vmem_shared>>
        tpu.wait_dma2 semaphore(%run_scoped3A : memref<!tpu.dma_semaphore, #tpu.memory_space<semaphore_mem>>) src(%dma_wait3A_35 : memref<632x128xf32, #tpu.memory_space<vmem_shared>>) dst(%dma_wait3A_33 : memref<632x128xf32, #tpu.memory_space<hbm>>)
        tpu.yield
      }) : () -> ()
      "tpu.region"() ({
        %run_scoped3A = tpu.sem_alloc : memref<!tpu.dma_semaphore, #tpu.memory_space<semaphore_mem>>
        %dma_start3A = arith.constant 0 : i32
        %dma_start3A_30 = tpu.memref_slice %arg19[%mul3A_18, %dma_start3A] : memref<10112x16xf32, #tpu.memory_space<hbm>> -> memref<632x16xf32, #tpu.memory_space<hbm>>
        %dma_start3A_31 = arith.constant 0 : i32
        %dma_start3A_32 = tpu.memref_slice %arg21[%mul3A_18, %dma_start3A_31] : memref<10112x16xf32, #tpu.memory_space<vmem_shared>> -> memref<632x16xf32, #tpu.memory_space<vmem_shared>>
        tpu.enqueue_dma source(%dma_start3A_32 : memref<632x16xf32, #tpu.memory_space<vmem_shared>>) target(%dma_start3A_30 : memref<632x16xf32, #tpu.memory_space<hbm>>) target_semaphore(%run_scoped3A : memref<!tpu.dma_semaphore, #tpu.memory_space<semaphore_mem>>)
        %dma_wait3A = arith.constant 0 : i32
        %dma_wait3A_33 = tpu.memref_slice %arg19[%mul3A_18, %dma_wait3A] : memref<10112x16xf32, #tpu.memory_space<hbm>> -> memref<632x16xf32, #tpu.memory_space<hbm>>
        %dma_wait3A_34 = arith.constant 0 : i32
        %dma_wait3A_35 = tpu.memref_slice %arg21[%mul3A_18, %dma_wait3A_34] : memref<10112x16xf32, #tpu.memory_space<vmem_shared>> -> memref<632x16xf32, #tpu.memory_space<vmem_shared>>
        tpu.wait_dma2 semaphore(%run_scoped3A : memref<!tpu.dma_semaphore, #tpu.memory_space<semaphore_mem>>) src(%dma_wait3A_35 : memref<632x16xf32, #tpu.memory_space<vmem_shared>>) dst(%dma_wait3A_33 : memref<632x16xf32, #tpu.memory_space<hbm>>)
        tpu.yield
      }) : () -> ()
      %barrier3A_29 = arith.constant 0 : index
      tpu.barrier barrier_id(%barrier3A_29)
    } else {
    }
    return
  }
}

module attributes {stable_mosaic.version = 14 : i64} {
  func.func @_tc_body(%arg0: i32, %arg1: memref<1000x128xf32, #tpu.memory_space<vmem>>, %arg2: memref<1000x16xf32, #tpu.memory_space<vmem>>, %arg3: memref<1000x128xf32, #tpu.memory_space<vmem>>, %arg4: memref<1000x16xf32, #tpu.memory_space<vmem>>, %arg5: memref<1000x128xf32, #tpu.memory_space<vmem>>, %arg6: memref<1000x128xf32, #tpu.memory_space<vmem>>, %arg7: memref<1000x16xf32, #tpu.memory_space<vmem>>, %arg8: memref<1000x128xf32, #tpu.memory_space<vmem>>, %arg9: memref<1000x128xf32, #tpu.memory_space<vmem>>, %arg10: memref<1000x16xf32, #tpu.memory_space<vmem>>, %arg11: memref<1000x128xf32, #tpu.memory_space<vmem>>, %arg12: memref<128x128xf32, #tpu.memory_space<vmem>>, %arg13: memref<128x128xf32, #tpu.memory_space<vmem>>, %arg14: memref<1x128xf32, #tpu.memory_space<vmem>>, %arg15: memref<128x128xf32, #tpu.memory_space<vmem>>, %arg16: memref<128x128xf32, #tpu.memory_space<vmem>>, %arg17: memref<1x128xf32, #tpu.memory_space<vmem>>, %arg18: memref<128x128xf32, #tpu.memory_space<vmem>>, %arg19: memref<128x128xf32, #tpu.memory_space<vmem>>, %arg20: memref<1x128xf32, #tpu.memory_space<vmem>>, %arg21: memref<128x128xf32, #tpu.memory_space<vmem>>, %arg22: memref<128x128xf32, #tpu.memory_space<vmem>>, %arg23: memref<1x128xf32, #tpu.memory_space<vmem>>, %arg24: memref<1x128xf32, #tpu.memory_space<vmem>>, %arg25: memref<1x1xf32, #tpu.memory_space<vmem>>, %arg26: memref<1x1xf32, #tpu.memory_space<vmem>>, %arg27: memref<1x128xf32, #tpu.memory_space<vmem>>, %arg28: memref<1x1xf32, #tpu.memory_space<vmem>>, %arg29: memref<1x1xf32, #tpu.memory_space<vmem>>, %arg30: memref<1000x128xf32, #tpu.memory_space<vmem>>, %arg31: memref<1000x1xf32, #tpu.memory_space<vmem>>, %arg32: memref<1000x1xf32, #tpu.memory_space<vmem>>) attributes {dimension_semantics = [#tpu.dimension_semantics<arbitrary>], iteration_bounds = array<i64: 10>, scalar_prefetch = 0 : i64, scratch_operands = 0 : i64, tpu.core_type = #tpu.core_type<tc>, window_params = [{transform_indices = @transform_0, window_bounds = array<i64: 1000, 128>}, {transform_indices = @transform_1, window_bounds = array<i64: 1000, 16>}, {transform_indices = @transform_2, window_bounds = array<i64: 1000, 128>}, {transform_indices = @transform_3, window_bounds = array<i64: 1000, 16>}, {transform_indices = @transform_4, window_bounds = array<i64: 1000, 128>}, {transform_indices = @transform_5, window_bounds = array<i64: 1000, 128>}, {transform_indices = @transform_6, window_bounds = array<i64: 1000, 16>}, {transform_indices = @transform_7, window_bounds = array<i64: 1000, 128>}, {transform_indices = @transform_8, window_bounds = array<i64: 1000, 128>}, {transform_indices = @transform_9, window_bounds = array<i64: 1000, 16>}, {transform_indices = @transform_10, window_bounds = array<i64: 1000, 128>}, {pipeline_mode = #tpu.pipeline_mode<synchronous>, transform_indices = @transform_11, window_bounds = array<i64: 128, 128>}, {pipeline_mode = #tpu.pipeline_mode<synchronous>, transform_indices = @transform_12, window_bounds = array<i64: 128, 128>}, {pipeline_mode = #tpu.pipeline_mode<synchronous>, transform_indices = @transform_13, window_bounds = array<i64: 1, 128>}, {pipeline_mode = #tpu.pipeline_mode<synchronous>, transform_indices = @transform_14, window_bounds = array<i64: 128, 128>}, {pipeline_mode = #tpu.pipeline_mode<synchronous>, transform_indices = @transform_15, window_bounds = array<i64: 128, 128>}, {pipeline_mode = #tpu.pipeline_mode<synchronous>, transform_indices = @transform_16, window_bounds = array<i64: 1, 128>}, {pipeline_mode = #tpu.pipeline_mode<synchronous>, transform_indices = @transform_17, window_bounds = array<i64: 128, 128>}, {pipeline_mode = #tpu.pipeline_mode<synchronous>, transform_indices = @transform_18, window_bounds = array<i64: 128, 128>}, {pipeline_mode = #tpu.pipeline_mode<synchronous>, transform_indices = @transform_19, window_bounds = array<i64: 1, 128>}, {pipeline_mode = #tpu.pipeline_mode<synchronous>, transform_indices = @transform_20, window_bounds = array<i64: 128, 128>}, {pipeline_mode = #tpu.pipeline_mode<synchronous>, transform_indices = @transform_21, window_bounds = array<i64: 128, 128>}, {pipeline_mode = #tpu.pipeline_mode<synchronous>, transform_indices = @transform_22, window_bounds = array<i64: 1, 128>}, {pipeline_mode = #tpu.pipeline_mode<synchronous>, transform_indices = @transform_23, window_bounds = array<i64: 1, 128>}, {pipeline_mode = #tpu.pipeline_mode<synchronous>, transform_indices = @transform_24, window_bounds = array<i64: 1, 1>}, {pipeline_mode = #tpu.pipeline_mode<synchronous>, transform_indices = @transform_25, window_bounds = array<i64: 1, 1>}, {pipeline_mode = #tpu.pipeline_mode<synchronous>, transform_indices = @transform_26, window_bounds = array<i64: 1, 128>}, {pipeline_mode = #tpu.pipeline_mode<synchronous>, transform_indices = @transform_27, window_bounds = array<i64: 1, 1>}, {pipeline_mode = #tpu.pipeline_mode<synchronous>, transform_indices = @transform_28, window_bounds = array<i64: 1, 1>}, {transform_indices = @transform_29, window_bounds = array<i64: 1000, 128>}, {transform_indices = @transform_30, window_bounds = array<i64: 1000, 1>}, {transform_indices = @transform_31, window_bounds = array<i64: 1000, 1>}]} {
    %get3A = arith.constant 0 : index
    %get3A_0 = arith.constant 0 : index
    %get3A_1 = vector.load %arg2[%get3A, %get3A_0] : memref<1000x16xf32, #tpu.memory_space<vmem>>, vector<1000x1xf32>
    %max3A = arith.constant 1.000000e+00 : f32
    %max3A_2 = vector.broadcast %max3A : f32 to vector<1000x1xf32>
    %max3A_3 = arith.maximumf %get3A_1, %max3A_2 : vector<1000x1xf32>
    %get3A_4 = arith.constant 0 : index
    %get3A_5 = arith.constant 0 : index
    %get3A_6 = vector.load %arg1[%get3A_4, %get3A_5] : memref<1000x128xf32, #tpu.memory_space<vmem>>, vector<1000x128xf32>
    %div3A = vector.broadcast %max3A_3 : vector<1000x1xf32> to vector<1000x128xf32>
    %div3A_7 = arith.divf %get3A_6, %div3A : vector<1000x128xf32>
    %get3A_8 = arith.constant 0 : index
    %get3A_9 = arith.constant 0 : index
    %get3A_10 = vector.load %arg12[%get3A_8, %get3A_9] : memref<128x128xf32, #tpu.memory_space<vmem>>, vector<128x128xf32>
    %dot_general3A = arith.constant dense<0.000000e+00> : vector<1000x128xf32>
    %dot_general3A_11 = tpu.matmul %div3A_7, %get3A_10, %dot_general3A {dimension_numbers = #tpu.dot_dimension_numbers<[1], [1], [0], [0], [0, 0, 1, 0], [], []>, transpose_lhs_hint = false} : vector<1000x128xf32>, vector<128x128xf32>, vector<1000x128xf32> -> vector<1000x128xf32>
    %get3A_12 = arith.constant 0 : index
    %get3A_13 = arith.constant 0 : index
    %get3A_14 = vector.load %arg5[%get3A_12, %get3A_13] : memref<1000x128xf32, #tpu.memory_space<vmem>>, vector<1000x128xf32>
    %get3A_15 = arith.constant 0 : index
    %get3A_16 = arith.constant 0 : index
    %get3A_17 = vector.load %arg13[%get3A_15, %get3A_16] : memref<128x128xf32, #tpu.memory_space<vmem>>, vector<128x128xf32>
    %dot_general3A_18 = arith.constant dense<0.000000e+00> : vector<1000x128xf32>
    %dot_general3A_19 = tpu.matmul %get3A_14, %get3A_17, %dot_general3A_18 {dimension_numbers = #tpu.dot_dimension_numbers<[1], [1], [0], [0], [0, 0, 1, 0], [], []>, transpose_lhs_hint = false} : vector<1000x128xf32>, vector<128x128xf32>, vector<1000x128xf32> -> vector<1000x128xf32>
    %add3A = arith.addf %dot_general3A_11, %dot_general3A_19 : vector<1000x128xf32>
    %get3A_20 = arith.constant 0 : index
    %get3A_21 = arith.constant 0 : index
    %get3A_22 = vector.load %arg14[%get3A_20, %get3A_21] : memref<1x128xf32, #tpu.memory_space<vmem>>, vector<1x128xf32>
    %add3A_23 = vector.broadcast %get3A_22 : vector<1x128xf32> to vector<1000x128xf32>
    %add3A_24 = arith.addf %add3A, %add3A_23 : vector<1000x128xf32>
    %get3A_25 = arith.constant 0 : index
    %get3A_26 = arith.constant 0 : index
    %get3A_27 = vector.load %arg4[%get3A_25, %get3A_26] : memref<1000x16xf32, #tpu.memory_space<vmem>>, vector<1000x1xf32>
    %max3A_28 = arith.constant 1.000000e+00 : f32
    %max3A_29 = vector.broadcast %max3A_28 : f32 to vector<1000x1xf32>
    %max3A_30 = arith.maximumf %get3A_27, %max3A_29 : vector<1000x1xf32>
    %get3A_31 = arith.constant 0 : index
    %get3A_32 = arith.constant 0 : index
    %get3A_33 = vector.load %arg3[%get3A_31, %get3A_32] : memref<1000x128xf32, #tpu.memory_space<vmem>>, vector<1000x128xf32>
    %div3A_34 = vector.broadcast %max3A_30 : vector<1000x1xf32> to vector<1000x128xf32>
    %div3A_35 = arith.divf %get3A_33, %div3A_34 : vector<1000x128xf32>
    %get3A_36 = arith.constant 0 : index
    %get3A_37 = arith.constant 0 : index
    %get3A_38 = vector.load %arg15[%get3A_36, %get3A_37] : memref<128x128xf32, #tpu.memory_space<vmem>>, vector<128x128xf32>
    %dot_general3A_39 = arith.constant dense<0.000000e+00> : vector<1000x128xf32>
    %dot_general3A_40 = tpu.matmul %div3A_35, %get3A_38, %dot_general3A_39 {dimension_numbers = #tpu.dot_dimension_numbers<[1], [1], [0], [0], [0, 0, 1, 0], [], []>, transpose_lhs_hint = false} : vector<1000x128xf32>, vector<128x128xf32>, vector<1000x128xf32> -> vector<1000x128xf32>
    %get3A_41 = arith.constant 0 : index
    %get3A_42 = arith.constant 0 : index
    %get3A_43 = vector.load %arg5[%get3A_41, %get3A_42] : memref<1000x128xf32, #tpu.memory_space<vmem>>, vector<1000x128xf32>
    %get3A_44 = arith.constant 0 : index
    %get3A_45 = arith.constant 0 : index
    %get3A_46 = vector.load %arg16[%get3A_44, %get3A_45] : memref<128x128xf32, #tpu.memory_space<vmem>>, vector<128x128xf32>
    %dot_general3A_47 = arith.constant dense<0.000000e+00> : vector<1000x128xf32>
    %dot_general3A_48 = tpu.matmul %get3A_43, %get3A_46, %dot_general3A_47 {dimension_numbers = #tpu.dot_dimension_numbers<[1], [1], [0], [0], [0, 0, 1, 0], [], []>, transpose_lhs_hint = false} : vector<1000x128xf32>, vector<128x128xf32>, vector<1000x128xf32> -> vector<1000x128xf32>
    %add3A_49 = arith.addf %dot_general3A_40, %dot_general3A_48 : vector<1000x128xf32>
    %get3A_50 = arith.constant 0 : index
    %get3A_51 = arith.constant 0 : index
    %get3A_52 = vector.load %arg17[%get3A_50, %get3A_51] : memref<1x128xf32, #tpu.memory_space<vmem>>, vector<1x128xf32>
    %add3A_53 = vector.broadcast %get3A_52 : vector<1x128xf32> to vector<1000x128xf32>
    %add3A_54 = arith.addf %add3A_49, %add3A_53 : vector<1000x128xf32>
    %add3A_55 = arith.addf %add3A_24, %add3A_54 : vector<1000x128xf32>
    %max3A_56 = arith.constant 0.000000e+00 : f32
    %max3A_57 = vector.broadcast %max3A_56 : f32 to vector<1000x128xf32>
    %max3A_58 = arith.maximumf %add3A_55, %max3A_57 : vector<1000x128xf32>
    %swap3A = arith.constant 0 : index
    %swap3A_59 = arith.constant 0 : index
    %swap3A_60 = vector.load %arg30[%swap3A, %swap3A_59] : memref<1000x128xf32, #tpu.memory_space<vmem>>, vector<1000x128xf32>
    tpu.vector_store %arg30[%swap3A, %swap3A_59], %max3A_58 {strides = array<i32>} : memref<1000x128xf32, #tpu.memory_space<vmem>>, vector<1000x128xf32>,
    %get3A_61 = arith.constant 0 : index
    %get3A_62 = arith.constant 0 : index
    %get3A_63 = vector.load %arg7[%get3A_61, %get3A_62] : memref<1000x16xf32, #tpu.memory_space<vmem>>, vector<1000x1xf32>
    %max3A_64 = arith.constant 1.000000e+00 : f32
    %max3A_65 = vector.broadcast %max3A_64 : f32 to vector<1000x1xf32>
    %max3A_66 = arith.maximumf %get3A_63, %max3A_65 : vector<1000x1xf32>
    %get3A_67 = arith.constant 0 : index
    %get3A_68 = arith.constant 0 : index
    %get3A_69 = vector.load %arg6[%get3A_67, %get3A_68] : memref<1000x128xf32, #tpu.memory_space<vmem>>, vector<1000x128xf32>
    %div3A_70 = vector.broadcast %max3A_66 : vector<1000x1xf32> to vector<1000x128xf32>
    %div3A_71 = arith.divf %get3A_69, %div3A_70 : vector<1000x128xf32>
    %get3A_72 = arith.constant 0 : index
    %get3A_73 = arith.constant 0 : index
    %get3A_74 = vector.load %arg18[%get3A_72, %get3A_73] : memref<128x128xf32, #tpu.memory_space<vmem>>, vector<128x128xf32>
    %dot_general3A_75 = arith.constant dense<0.000000e+00> : vector<1000x128xf32>
    %dot_general3A_76 = tpu.matmul %div3A_71, %get3A_74, %dot_general3A_75 {dimension_numbers = #tpu.dot_dimension_numbers<[1], [1], [0], [0], [0, 0, 1, 0], [], []>, transpose_lhs_hint = false} : vector<1000x128xf32>, vector<128x128xf32>, vector<1000x128xf32> -> vector<1000x128xf32>
    %get3A_77 = arith.constant 0 : index
    %get3A_78 = arith.constant 0 : index
    %get3A_79 = vector.load %arg8[%get3A_77, %get3A_78] : memref<1000x128xf32, #tpu.memory_space<vmem>>, vector<1000x128xf32>
    %get3A_80 = arith.constant 0 : index
    %get3A_81 = arith.constant 0 : index
    %get3A_82 = vector.load %arg19[%get3A_80, %get3A_81] : memref<128x128xf32, #tpu.memory_space<vmem>>, vector<128x128xf32>
    %dot_general3A_83 = arith.constant dense<0.000000e+00> : vector<1000x128xf32>
    %dot_general3A_84 = tpu.matmul %get3A_79, %get3A_82, %dot_general3A_83 {dimension_numbers = #tpu.dot_dimension_numbers<[1], [1], [0], [0], [0, 0, 1, 0], [], []>, transpose_lhs_hint = false} : vector<1000x128xf32>, vector<128x128xf32>, vector<1000x128xf32> -> vector<1000x128xf32>
    %add3A_85 = arith.addf %dot_general3A_76, %dot_general3A_84 : vector<1000x128xf32>
    %get3A_86 = arith.constant 0 : index
    %get3A_87 = arith.constant 0 : index
    %get3A_88 = vector.load %arg20[%get3A_86, %get3A_87] : memref<1x128xf32, #tpu.memory_space<vmem>>, vector<1x128xf32>
    %add3A_89 = vector.broadcast %get3A_88 : vector<1x128xf32> to vector<1000x128xf32>
    %add3A_90 = arith.addf %add3A_85, %add3A_89 : vector<1000x128xf32>
    %max3A_91 = arith.constant 0.000000e+00 : f32
    %max3A_92 = vector.broadcast %max3A_91 : f32 to vector<1000x128xf32>
    %max3A_93 = arith.maximumf %add3A_90, %max3A_92 : vector<1000x128xf32>
    %get3A_94 = arith.constant 0 : index
    %get3A_95 = arith.constant 0 : index
    %get3A_96 = vector.load %arg24[%get3A_94, %get3A_95] : memref<1x128xf32, #tpu.memory_space<vmem>>, vector<1x128xf32>
    %mul3A = vector.broadcast %get3A_96 : vector<1x128xf32> to vector<1000x128xf32>
    %mul3A_97 = arith.mulf %max3A_93, %mul3A : vector<1000x128xf32>
    %reduce_sum3A = arith.constant dense<0.000000e+00> : vector<1000xf32>
    %reduce_sum3A_98 = vector.multi_reduction <add>, %mul3A_97, %reduce_sum3A [1] : vector<1000x128xf32> to vector<1000xf32>
    %broadcast_in_dim3A = vector.shape_cast %reduce_sum3A_98 : vector<1000xf32> to vector<1000x1xf32>
    %get3A_99 = arith.constant 0 : index
    %get3A_100 = arith.constant 0 : index
    %get3A_101 = vector.load %arg25[%get3A_99, %get3A_100] : memref<1x1xf32, #tpu.memory_space<vmem>>, vector<1x1xf32>
    %add3A_102 = vector.broadcast %get3A_101 : vector<1x1xf32> to vector<1000x1xf32>
    %add3A_103 = arith.addf %broadcast_in_dim3A, %add3A_102 : vector<1000x1xf32>
    %ge3A = arith.constant 0.000000e+00 : f32
    %ge3A_104 = vector.broadcast %ge3A : f32 to vector<1000x1xf32>
    %ge3A_105 = arith.cmpf oge, %add3A_103, %ge3A_104 : vector<1000x1xf32>
    %get3A_106 = arith.constant 0 : index
    %get3A_107 = arith.constant 0 : index
    %get3A_108 = vector.load %arg26[%get3A_106, %get3A_107] : memref<1x1xf32, #tpu.memory_space<vmem>>, vector<1x1xf32>
    %mul3A_109 = vector.broadcast %get3A_108 : vector<1x1xf32> to vector<1000x1xf32>
    %mul3A_110 = arith.mulf %mul3A_109, %add3A_103 : vector<1000x1xf32>
    %select_n3A = arith.select %ge3A_105, %add3A_103, %mul3A_110 : vector<1000x1xi1>, vector<1000x1xf32>
    %swap3A_111 = arith.constant 0 : index
    %swap3A_112 = arith.constant 0 : index
    %swap3A_113 = vector.load %arg31[%swap3A_111, %swap3A_112] : memref<1000x1xf32, #tpu.memory_space<vmem>>, vector<1000x1xf32>
    tpu.vector_store %arg31[%swap3A_111, %swap3A_112], %select_n3A {strides = array<i32>} : memref<1000x1xf32, #tpu.memory_space<vmem>>, vector<1000x1xf32>,
    %get3A_114 = arith.constant 0 : index
    %get3A_115 = arith.constant 0 : index
    %get3A_116 = vector.load %arg10[%get3A_114, %get3A_115] : memref<1000x16xf32, #tpu.memory_space<vmem>>, vector<1000x1xf32>
    %max3A_117 = arith.constant 1.000000e+00 : f32
    %max3A_118 = vector.broadcast %max3A_117 : f32 to vector<1000x1xf32>
    %max3A_119 = arith.maximumf %get3A_116, %max3A_118 : vector<1000x1xf32>
    %get3A_120 = arith.constant 0 : index
    %get3A_121 = arith.constant 0 : index
    %get3A_122 = vector.load %arg9[%get3A_120, %get3A_121] : memref<1000x128xf32, #tpu.memory_space<vmem>>, vector<1000x128xf32>
    %div3A_123 = vector.broadcast %max3A_119 : vector<1000x1xf32> to vector<1000x128xf32>
    %div3A_124 = arith.divf %get3A_122, %div3A_123 : vector<1000x128xf32>
    %get3A_125 = arith.constant 0 : index
    %get3A_126 = arith.constant 0 : index
    %get3A_127 = vector.load %arg21[%get3A_125, %get3A_126] : memref<128x128xf32, #tpu.memory_space<vmem>>, vector<128x128xf32>
    %dot_general3A_128 = arith.constant dense<0.000000e+00> : vector<1000x128xf32>
    %dot_general3A_129 = tpu.matmul %div3A_124, %get3A_127, %dot_general3A_128 {dimension_numbers = #tpu.dot_dimension_numbers<[1], [1], [0], [0], [0, 0, 1, 0], [], []>, transpose_lhs_hint = false} : vector<1000x128xf32>, vector<128x128xf32>, vector<1000x128xf32> -> vector<1000x128xf32>
    %get3A_130 = arith.constant 0 : index
    %get3A_131 = arith.constant 0 : index
    %get3A_132 = vector.load %arg11[%get3A_130, %get3A_131] : memref<1000x128xf32, #tpu.memory_space<vmem>>, vector<1000x128xf32>
    %get3A_133 = arith.constant 0 : index
    %get3A_134 = arith.constant 0 : index
    %get3A_135 = vector.load %arg22[%get3A_133, %get3A_134] : memref<128x128xf32, #tpu.memory_space<vmem>>, vector<128x128xf32>
    %dot_general3A_136 = arith.constant dense<0.000000e+00> : vector<1000x128xf32>
    %dot_general3A_137 = tpu.matmul %get3A_132, %get3A_135, %dot_general3A_136 {dimension_numbers = #tpu.dot_dimension_numbers<[1], [1], [0], [0], [0, 0, 1, 0], [], []>, transpose_lhs_hint = false} : vector<1000x128xf32>, vector<128x128xf32>, vector<1000x128xf32> -> vector<1000x128xf32>
    %add3A_138 = arith.addf %dot_general3A_129, %dot_general3A_137 : vector<1000x128xf32>
    %get3A_139 = arith.constant 0 : index
    %get3A_140 = arith.constant 0 : index
    %get3A_141 = vector.load %arg23[%get3A_139, %get3A_140] : memref<1x128xf32, #tpu.memory_space<vmem>>, vector<1x128xf32>
    %add3A_142 = vector.broadcast %get3A_141 : vector<1x128xf32> to vector<1000x128xf32>
    %add3A_143 = arith.addf %add3A_138, %add3A_142 : vector<1000x128xf32>
    %max3A_144 = arith.constant 0.000000e+00 : f32
    %max3A_145 = vector.broadcast %max3A_144 : f32 to vector<1000x128xf32>
    %max3A_146 = arith.maximumf %add3A_143, %max3A_145 : vector<1000x128xf32>
    %get3A_147 = arith.constant 0 : index
    %get3A_148 = arith.constant 0 : index
    %get3A_149 = vector.load %arg27[%get3A_147, %get3A_148] : memref<1x128xf32, #tpu.memory_space<vmem>>, vector<1x128xf32>
    %mul3A_150 = vector.broadcast %get3A_149 : vector<1x128xf32> to vector<1000x128xf32>
    %mul3A_151 = arith.mulf %max3A_146, %mul3A_150 : vector<1000x128xf32>
    %reduce_sum3A_152 = arith.constant dense<0.000000e+00> : vector<1000xf32>
    %reduce_sum3A_153 = vector.multi_reduction <add>, %mul3A_151, %reduce_sum3A_152 [1] : vector<1000x128xf32> to vector<1000xf32>
    %broadcast_in_dim3A_154 = vector.shape_cast %reduce_sum3A_153 : vector<1000xf32> to vector<1000x1xf32>
    %get3A_155 = arith.constant 0 : index
    %get3A_156 = arith.constant 0 : index
    %get3A_157 = vector.load %arg28[%get3A_155, %get3A_156] : memref<1x1xf32, #tpu.memory_space<vmem>>, vector<1x1xf32>
    %add3A_158 = vector.broadcast %get3A_157 : vector<1x1xf32> to vector<1000x1xf32>
    %add3A_159 = arith.addf %broadcast_in_dim3A_154, %add3A_158 : vector<1000x1xf32>
    %ge3A_160 = arith.constant 0.000000e+00 : f32
    %ge3A_161 = vector.broadcast %ge3A_160 : f32 to vector<1000x1xf32>
    %ge3A_162 = arith.cmpf oge, %add3A_159, %ge3A_161 : vector<1000x1xf32>
    %get3A_163 = arith.constant 0 : index
    %get3A_164 = arith.constant 0 : index
    %get3A_165 = vector.load %arg29[%get3A_163, %get3A_164] : memref<1x1xf32, #tpu.memory_space<vmem>>, vector<1x1xf32>
    %mul3A_166 = vector.broadcast %get3A_165 : vector<1x1xf32> to vector<1000x1xf32>
    %mul3A_167 = arith.mulf %mul3A_166, %add3A_159 : vector<1000x1xf32>
    %select_n3A_168 = arith.select %ge3A_162, %add3A_159, %mul3A_167 : vector<1000x1xi1>, vector<1000x1xf32>
    %swap3A_169 = arith.constant 0 : index
    %swap3A_170 = arith.constant 0 : index
    %swap3A_171 = vector.load %arg32[%swap3A_169, %swap3A_170] : memref<1000x1xf32, #tpu.memory_space<vmem>>, vector<1000x1xf32>
    tpu.vector_store %arg32[%swap3A_169, %swap3A_170], %select_n3A_168 {strides = array<i32>} : memref<1000x1xf32, #tpu.memory_space<vmem>>, vector<1000x1xf32>,
    return
  }
  func.func @transform_0(%arg0: i32) -> (i32, i32) {
    %c0_i32 = arith.constant 0 : i32
    %c0_i32_0 = arith.constant 0 : i32
    return %arg0, %c0_i32 : i32, i32
  }
  func.func @transform_1(%arg0: i32) -> (i32, i32) {
    %c0_i32 = arith.constant 0 : i32
    %c0_i32_0 = arith.constant 0 : i32
    return %arg0, %c0_i32 : i32, i32
  }
  func.func @transform_2(%arg0: i32) -> (i32, i32) {
    %c0_i32 = arith.constant 0 : i32
    %c0_i32_0 = arith.constant 0 : i32
    return %arg0, %c0_i32 : i32, i32
  }
  func.func @transform_3(%arg0: i32) -> (i32, i32) {
    %c0_i32 = arith.constant 0 : i32
    %c0_i32_0 = arith.constant 0 : i32
    return %arg0, %c0_i32 : i32, i32
  }
  func.func @transform_4(%arg0: i32) -> (i32, i32) {
    %c0_i32 = arith.constant 0 : i32
    %c0_i32_0 = arith.constant 0 : i32
    return %arg0, %c0_i32 : i32, i32
  }
  func.func @transform_5(%arg0: i32) -> (i32, i32) {
    %c0_i32 = arith.constant 0 : i32
    %c0_i32_0 = arith.constant 0 : i32
    return %arg0, %c0_i32 : i32, i32
  }
  func.func @transform_6(%arg0: i32) -> (i32, i32) {
    %c0_i32 = arith.constant 0 : i32
    %c0_i32_0 = arith.constant 0 : i32
    return %arg0, %c0_i32 : i32, i32
  }
  func.func @transform_7(%arg0: i32) -> (i32, i32) {
    %c0_i32 = arith.constant 0 : i32
    %c0_i32_0 = arith.constant 0 : i32
    return %arg0, %c0_i32 : i32, i32
  }
  func.func @transform_8(%arg0: i32) -> (i32, i32) {
    %c0_i32 = arith.constant 0 : i32
    %c0_i32_0 = arith.constant 0 : i32
    return %arg0, %c0_i32 : i32, i32
  }
  func.func @transform_9(%arg0: i32) -> (i32, i32) {
    %c0_i32 = arith.constant 0 : i32
    %c0_i32_0 = arith.constant 0 : i32
    return %arg0, %c0_i32 : i32, i32
  }
  func.func @transform_10(%arg0: i32) -> (i32, i32) {
    %c0_i32 = arith.constant 0 : i32
    %c0_i32_0 = arith.constant 0 : i32
    return %arg0, %c0_i32 : i32, i32
  }
  func.func @transform_11(%arg0: i32) -> (i32, i32) {
    %c0_i32 = arith.constant 0 : i32
    %c0_i32_0 = arith.constant 0 : i32
    %c0_i32_1 = arith.constant 0 : i32
    return %c0_i32, %c0_i32_0 : i32, i32
  }
  func.func @transform_12(%arg0: i32) -> (i32, i32) {
    %c0_i32 = arith.constant 0 : i32
    %c0_i32_0 = arith.constant 0 : i32
    %c0_i32_1 = arith.constant 0 : i32
    return %c0_i32, %c0_i32_0 : i32, i32
  }
  func.func @transform_13(%arg0: i32) -> (i32, i32) {
    %c0_i32 = arith.constant 0 : i32
    %c0_i32_0 = arith.constant 0 : i32
    %c0_i32_1 = arith.constant 0 : i32
    return %c0_i32, %c0_i32_0 : i32, i32
  }
  func.func @transform_14(%arg0: i32) -> (i32, i32) {
    %c0_i32 = arith.constant 0 : i32
    %c0_i32_0 = arith.constant 0 : i32
    %c0_i32_1 = arith.constant 0 : i32
    return %c0_i32, %c0_i32_0 : i32, i32
  }
  func.func @transform_15(%arg0: i32) -> (i32, i32) {
    %c0_i32 = arith.constant 0 : i32
    %c0_i32_0 = arith.constant 0 : i32
    %c0_i32_1 = arith.constant 0 : i32
    return %c0_i32, %c0_i32_0 : i32, i32
  }
  func.func @transform_16(%arg0: i32) -> (i32, i32) {
    %c0_i32 = arith.constant 0 : i32
    %c0_i32_0 = arith.constant 0 : i32
    %c0_i32_1 = arith.constant 0 : i32
    return %c0_i32, %c0_i32_0 : i32, i32
  }
  func.func @transform_17(%arg0: i32) -> (i32, i32) {
    %c0_i32 = arith.constant 0 : i32
    %c0_i32_0 = arith.constant 0 : i32
    %c0_i32_1 = arith.constant 0 : i32
    return %c0_i32, %c0_i32_0 : i32, i32
  }
  func.func @transform_18(%arg0: i32) -> (i32, i32) {
    %c0_i32 = arith.constant 0 : i32
    %c0_i32_0 = arith.constant 0 : i32
    %c0_i32_1 = arith.constant 0 : i32
    return %c0_i32, %c0_i32_0 : i32, i32
  }
  func.func @transform_19(%arg0: i32) -> (i32, i32) {
    %c0_i32 = arith.constant 0 : i32
    %c0_i32_0 = arith.constant 0 : i32
    %c0_i32_1 = arith.constant 0 : i32
    return %c0_i32, %c0_i32_0 : i32, i32
  }
  func.func @transform_20(%arg0: i32) -> (i32, i32) {
    %c0_i32 = arith.constant 0 : i32
    %c0_i32_0 = arith.constant 0 : i32
    %c0_i32_1 = arith.constant 0 : i32
    return %c0_i32, %c0_i32_0 : i32, i32
  }
  func.func @transform_21(%arg0: i32) -> (i32, i32) {
    %c0_i32 = arith.constant 0 : i32
    %c0_i32_0 = arith.constant 0 : i32
    %c0_i32_1 = arith.constant 0 : i32
    return %c0_i32, %c0_i32_0 : i32, i32
  }
  func.func @transform_22(%arg0: i32) -> (i32, i32) {
    %c0_i32 = arith.constant 0 : i32
    %c0_i32_0 = arith.constant 0 : i32
    %c0_i32_1 = arith.constant 0 : i32
    return %c0_i32, %c0_i32_0 : i32, i32
  }
  func.func @transform_23(%arg0: i32) -> (i32, i32) {
    %c0_i32 = arith.constant 0 : i32
    %c0_i32_0 = arith.constant 0 : i32
    %c0_i32_1 = arith.constant 0 : i32
    return %c0_i32, %c0_i32_0 : i32, i32
  }
  func.func @transform_24(%arg0: i32) -> (i32, i32) {
    %c0_i32 = arith.constant 0 : i32
    %c0_i32_0 = arith.constant 0 : i32
    %c0_i32_1 = arith.constant 0 : i32
    return %c0_i32, %c0_i32_0 : i32, i32
  }
  func.func @transform_25(%arg0: i32) -> (i32, i32) {
    %c0_i32 = arith.constant 0 : i32
    %c0_i32_0 = arith.constant 0 : i32
    %c0_i32_1 = arith.constant 0 : i32
    return %c0_i32, %c0_i32_0 : i32, i32
  }
  func.func @transform_26(%arg0: i32) -> (i32, i32) {
    %c0_i32 = arith.constant 0 : i32
    %c0_i32_0 = arith.constant 0 : i32
    %c0_i32_1 = arith.constant 0 : i32
    return %c0_i32, %c0_i32_0 : i32, i32
  }
  func.func @transform_27(%arg0: i32) -> (i32, i32) {
    %c0_i32 = arith.constant 0 : i32
    %c0_i32_0 = arith.constant 0 : i32
    %c0_i32_1 = arith.constant 0 : i32
    return %c0_i32, %c0_i32_0 : i32, i32
  }
  func.func @transform_28(%arg0: i32) -> (i32, i32) {
    %c0_i32 = arith.constant 0 : i32
    %c0_i32_0 = arith.constant 0 : i32
    %c0_i32_1 = arith.constant 0 : i32
    return %c0_i32, %c0_i32_0 : i32, i32
  }
  func.func @transform_29(%arg0: i32) -> (i32, i32) {
    %c0_i32 = arith.constant 0 : i32
    %c0_i32_0 = arith.constant 0 : i32
    return %arg0, %c0_i32 : i32, i32
  }
  func.func @transform_30(%arg0: i32) -> (i32, i32) {
    %c0_i32 = arith.constant 0 : i32
    %c0_i32_0 = arith.constant 0 : i32
    return %arg0, %c0_i32 : i32, i32
  }
  func.func @transform_31(%arg0: i32) -> (i32, i32) {
    %c0_i32 = arith.constant 0 : i32
    %c0_i32_0 = arith.constant 0 : i32
    return %arg0, %c0_i32 : i32, i32
  }
}

</mosaic_0001>

<sc_bundles>
// kernel: kernel.4.cloned.1.call-start
scs
__scs_entry_jumppad:
0x0: {  	(pc) =	sbr.rel $0x88, $3  }
0x1: {  	(tag) =	ssettag $0x0;
	lr =	simm.s32 $0x1  }
0x2: {  	[smem:$0x3F88] =	sst lr;
	_ =	strace $0xD0000000  }
0x3: {  	_ = 	snop  }
0x4: {  	_ = 	snop  }
0x5: {  	_ = 	snop  }
0x6: {  	_ = 	snop  }
0x7: {  	_ = 	snop  }
__scs_overlays_trampoline_lowered:
0x8: {  	[smem:$0x3F97] =	sst s0  }
0x9: {  	[smem:$0x3F98] =	sst s1  }
0xa: {  	[smem:$0x3F99] =	sst s2  }
0xb: {  	[smem:$0x3F9A] =	sst s3  }
0xc: {  	[smem:$0x3F9B] =	sst s4  }
0xd: {  	[smem:$0x3F9C] =	sst s5  }
0xe: {  	[smem:$0x3F9D] =	sst s6  }
0xf: {  	[smem:$0x3F9E] =	sst s7  }
0x10: {  	[smem:$0x3F9F] =	sst s8  }
0x11: {  	[smem:$0x3FA0] =	sst s9;
	s0 =	simm.s32 @!p0 $0x0  }
0x12: {  	s1 =	sld [smem:$0x3F86];
	s0 =	simm.s32 @p0 $0x1  }
0x13: {  	[smem:$0x3FA1] =	sst s0;
	s0 =	simm.s32 @!p1 $0x0  }
0x14: {  	s2 =	sld [smem:$0x3F85];
	s0 =	simm.s32 @p1 $0x1  }
0x15: {  	[smem:$0x3FA2] =	sst s0;
	s0 =	simm.s32 @!p2 $0x0  }
0x16: {  	s3 =	sld [smem:$0x3FDB];
	s0 =	simm.s32 @p2 $0x1  }
0x17: {  	s4 =	simm.s32 $0x1BF5;
	[smem:$0x3FA4] =	sst s0  }
0x18: {  	s0 =	sld [smem:$0x3F87];
	_ =	swait.ge [sflag:s4], $0x0  }
0x19: {  	s7 =	sld [smem:$0x3F88]  }
0x1a: {  	s8 =	sadd.s32 $0xFFFFE003, lr  }
0x1b: {  	s9 =	sadd.s32 $0xFFFFFEF7, lr;
	s5 =	simm.s32 $0xFFFFFFFF;
	p2 =	slt.u32 s8, $0xFFFFF086  }
0x1c: {  	p1 =	slt.u32 s9, $0xF7A;
	s5 =	simm.s32 @!p2 $0x0  }
0x1d: {  	s5 =	simm.s32 @p1 $0x1;
	p0 =	seq.s32 s7, s2  }
0x1e: {  	s7 =	smul.u32 @!p0 $0xF7A, s2;
	p2 =	seq.s32 @!p0 s5, $0x0  }
0x1f: {  	s9 =	smul.u32 $0xF7A, s1;
	s8 =	simm.s32 @!p0 $0x1BF5;
	p2 =	por !p2, p0  }
0x20: {  	[sflag:s8] =	ssyncset.s32 @!p0 $0xFFFFF086;
	s6 =	sadd.s32 @!p0 s3, s7;
	s7 =	simm.s32 @!p0 $0x108  }
0x21: {  	s3 =	sadd.s32 s3, s9;
	s6 =	sadd.s32 @!p0 $0x88, s6;
	s7 =	simm.s32 @p2 $0x1082  }
0x22: {  	[simem:s7], [sflag:s8] =	dma.local @!p0 [hbm:s6], $0xF7A  }
0x23: {  	s9 =	sor.u32 $0xD0000000, s2;
	s6 =	simm.s32 $0x108;
	_ =	swait.ge @!p0 [sflag:s8], $0x0  }
0x24: {  	s3 =	sadd.s32 $0x88, s3;
	s6 =	simm.s32 @!p1 $0x1082;
	[sflag:s4] =	ssyncset.s32 $0xFFFFF086  }
0x25: {  	[simem:s6], [sflag:s4] =	dma.local [hbm:s3], $0xF7A  }
0x26: {  	[smem:$0x3F88] =	sst s1;
	(tag) =	ssettag s2;
	_ =	strace s9  }
0x27: {  	s1 =	sld [smem:$0x3F98]  }
0x28: {  	s2 =	sld [smem:$0x3F99]  }
0x29: {  	s4 =	sld [smem:$0x3F9B]  }
0x2a: {  	p0 =	seq.s32 s5, $0x0;
	s5 =	sld [smem:$0x3F9C]  }
0x2b: {  	s6 =	sld [smem:$0x3F9D]  }
0x2c: {  	s7 =	sld [smem:$0x3F9E]  }
0x2d: {  	s3 =	simm.s32 $0x108;
	s8 =	sld [smem:$0x3F9F]  }
0x2e: {  	s3 =	simm.s32 @!p0 $0x1082;
	s9 =	sld [smem:$0x3FA0]  }
0x2f: {  	lr =	sadd.s32 s0, s3;
	s0 =	sld [smem:$0x3F97]  }
0x30: {  	s3 =	sld [smem:$0x3F9A]  }
0x31: {  	[smem:$0x3FA3] =	sst s10  }
0x32: {  	s10 =	sld [smem:$0x3FA1];
	_ =	sdelay $0x3  }
0x33: {  	p0 =	seq.s32 s10, $0x1;
	s10 =	sld [smem:$0x3FA3];
	_ =	sdelay $0x3  }
0x34: {  	[smem:$0x3FA3] =	sst s10  }
0x35: {  	s10 =	sld [smem:$0x3FA2];
	_ =	sdelay $0x3  }
0x36: {  	p1 =	seq.s32 s10, $0x1;
	s10 =	sld [smem:$0x3FA3];
	_ =	sdelay $0x3  }
0x37: {  	[smem:$0x3FA3] =	sst s10  }
0x38: {  	s10 =	sld [smem:$0x3FA4]  }
0x39: {  	_ = 	snop;
	(pc) =	sbr.ind lr, $3  }
0x3a: {  	_ = 	snop  }
0x3b: {  	_ = 	snop  }
0x3c: {  	p2 =	seq.s32 s10, $0x1;
	s10 =	sld [smem:$0x3FA3]  }
0x3d: {  	_ =	shalt  }
0x3e: {  	_ =	shalt  }
0x3f: {  	_ =	shalt  }
0x40: {  	_ =	shalt  }
0x41: {  	_ =	shalt  }
0x42: {  	_ =	shalt  }
0x43: {  	_ =	shalt  }
0x44: {  	_ =	shalt  }
0x45: {  	_ =	shalt  }
0x46: {  	_ =	shalt  }
0x47: {  	_ =	shalt  }
0x48: {  	_ =	shalt  }
0x49: {  	_ =	shalt  }
0x4a: {  	_ =	shalt  }
0x4b: {  	_ =	shalt  }
0x4c: {  	_ =	shalt  }
0x4d: {  	_ =	shalt  }
0x4e: {  	_ =	shalt  }
0x4f: {  	_ =	shalt  }
0x50: {  	_ =	shalt  }
0x51: {  	_ =	shalt  }
0x52: {  	_ =	shalt  }
0x53: {  	_ =	shalt  }
0x54: {  	_ =	shalt  }
0x55: {  	_ =	shalt  }
0x56: {  	_ =	shalt  }
0x57: {  	_ =	shalt  }
0x58: {  	_ =	shalt  }
0x59: {  	_ =	shalt  }
0x5a: {  	_ =	shalt  }
0x5b: {  	_ =	shalt  }
0x5c: {  	_ =	shalt  }
0x5d: {  	_ =	shalt  }
0x5e: {  	_ =	shalt  }
0x5f: {  	_ =	shalt  }
0x60: {  	_ =	shalt  }
0x61: {  	_ =	shalt  }
0x62: {  	_ =	shalt  }
0x63: {  	_ =	shalt  }
0x64: {  	_ =	shalt  }
0x65: {  	_ =	shalt  }
0x66: {  	_ =	shalt  }
0x67: {  	_ =	shalt  }
0x68: {  	_ =	shalt  }
0x69: {  	_ =	shalt  }
0x6a: {  	_ =	shalt  }
0x6b: {  	_ =	shalt  }
0x6c: {  	_ =	shalt  }
0x6d: {  	_ =	shalt  }
0x6e: {  	_ =	shalt  }
0x6f: {  	_ =	shalt  }
0x70: {  	_ =	shalt  }
0x71: {  	_ =	shalt  }
0x72: {  	_ =	shalt  }
0x73: {  	_ =	shalt  }
0x74: {  	_ =	shalt  }
0x75: {  	_ =	shalt  }
0x76: {  	_ =	shalt  }
0x77: {  	_ =	shalt  }
0x78: {  	_ =	shalt  }
0x79: {  	_ =	shalt  }
0x7a: {  	_ =	shalt  }
0x7b: {  	_ =	shalt  }
0x7c: {  	_ =	shalt  }
0x7d: {  	_ =	shalt  }
0x7e: {  	_ =	shalt  }
0x7f: {  	_ =	shalt  }
0x80: {  	_ =	shalt  }
0x81: {  	_ =	shalt  }
0x82: {  	_ =	shalt  }
0x83: {  	_ =	shalt  }
0x84: {  	_ =	shalt  }
0x85: {  	_ =	shalt  }
0x86: {  	_ =	shalt  }
0x87: {  	_ =	shalt  }
.Lfunc_end0:
.L_simem_size_0:
called_computation_lowered:
.L_overlay_start_0:
0x88: {  	s2 =	sld [smem:$0x3FD9]  }
0x89: {  	s3 =	sld [smem:$0x3FFE];
	_ =	sdelay $0x1  }
0x8a: {  	s1 =	srdreg.scid  }
0x8b: {  	s0 =	sand.u32 $0x1, s1  }
0x8c: {  	s14 =	sshll.u32 s0, $0xA;
	s2 =	sadd.s32 s3, s2  }
0x8d: {  	s2 =	sadd.s32 s2, s14  }
0x8e: {  	[smem:$0x3FAF] =	sst s2  }
0x8f: {  	_ = 	snop  }
0x90: {  	s2 =	sld [smem:$0x3FD0]  }
0x91: {  	s15 =	sld [smem:$0x3FC9]  }
0x92: {  	s4 =	sld [smem:$0x3FC8]  }
0x93: {  	s6 =	simm.s32 $0xA;
	s7 =	simm.s32 $0x10;
	s5 =	sld [smem:$0x3FC7]  }
0x94: {  	[smem:s7], [sflag:s6] =	dma.local [hbm:s2], $0x1  }
0x95: {  	_ =	swait.eq [sflag:s6], $0x1  }
0x96: {  	[sflag:s6] =	ssyncset.done $0x0  }
0x97: {  	s16 =	sld [smem:$0x10];
	[sflag:s6] =	ssyncadd.s32 $0xFFFFFFFF  }
0x98: {  	s17 =	sld [smem:$0x12];
	(tm) =	ssettm $0x1  }
0x99: {  	s18 =	sld [smem:$0x3FFB];
	_ =	sdelay $0x3  }
0x9a: {  	_ =	strace s18  }
0x9b: {  	s7 =	sld [smem:$0x3FFC];
	_ =	sdelay $0x3  }
0x9c: {  	_ =	strace s7  }
0x9d: {  	s7 =	sld [smem:$0x3FFD];
	_ =	sdelay $0x3  }
0x9e: {  	_ =	strace s7  }
0x9f: {  	_ =	strace $0x8FFFFFFF  }
0xa0: {  	s19 =	sld [smem:$0x3FDB];
	_ =	sdelay $0x1  }
0xa1: {  	s8 =	simm.s32 $_scs_section_size  }
0xa2: {  	s9 =	simm.s32 $_size__tile_overlayer_lowered;
	s10 =	simm.s32 $_tile_overlayer_lowered  }
0xa3: {  	s22 =	simm.s32 $0x1BFF;
	s21 =	sshll.u32 s10, $0x1;
	s7 =	sadd.s32 s8, s19  }
0xa4: {  	s11 =	simm.s32 $0x0;
	s20 =	sshll.u32 s9, $0x1;
	s9 =	sadd.s32 s21, s7  }
0xa5: {  	[timem:s11], [sflag:s22] =	dma.local [hbm:s9], s20  }
0xa6: {  	_ =	swait.ge [sflag:s22], s20  }
0xa7: {  	s8 =	ssub.s32 $0x0, s20;
	[sflag:s22] =	ssyncset.done $0x0  }
0xa8: {  	[sflag:s22] =	ssyncadd.s32 s8;
	_ =	sdelay $0x1  }
0xa9: {  	s23 =	simm.s32 $0x1B8B  }
0xaa: {  	_ =	swait.ge [sflag:s23], $0x1  }
0xab: {  	[sflag:s23] =	ssyncset.done $0x0  }
0xac: {  	s25 =	simm.s32 $0x1B8E;
	s24 =	sld [smem:$0x3FFE];
	[sflag:s23] =	ssyncadd.s32 $0xFFFFFFFF  }
0xad: {  	s26 =	simm.s32 $execute0_lowered;
	[smem:$0x3FD2] =	sst s25  }
0xae: {  	s9 =	sshll.u32 s26, $0x1;
	_ =	strace $0x80000046;
	[dreg:$0x1] =	wrdreg $0xFFFFFFFF  }
0xaf: {  	s28 =	simm.s32 $_size_execute0_lowered;
	s7 =	sadd.s32 s7, s9;
	[dreg:$0x0] =	wrdreg $0x0  }
0xb0: {  	s9 =	sshll.u32 s28, $0x1;
	[dreg:$0x2] =	wrdreg s7  }
0xb1: {  	[dreg:$0x3] =	wrdreg s9  }
0xb2: {  	[dreg:$0x4] =	wrdreg $0xC0  }
0xb3: {  	_ =	task [dreg:s11], $0x5FFFF  }
0xb4: {  	[dreg:$0x1] =	wrdreg $0xFFFFFFFF  }
0xb5: {  	[dreg:$0x0] =	wrdreg $0x60  }
0xb6: {  	[dreg:$0x2] =	wrdreg s15  }
0xb7: {  	[dreg:$0x3] =	wrdreg s4  }
0xb8: {  	[dreg:$0x4] =	wrdreg s5  }
0xb9: {  	[dreg:$0x5] =	wrdreg s16  }
0xba: {  	[dreg:$0x6] =	wrdreg s24  }
0xbb: {  	[dreg:$0x7] =	wrdreg s17  }
0xbc: {  	[dreg:$0x8] =	wrdreg $0x0  }
0xbd: {  	[dreg:$0x9] =	wrdreg $0x13C000  }
0xbe: {  	[dreg:$0xa] =	wrdreg $0x9  }
0xbf: {  	_ =	task.clear_ibuf [dreg:s11], $0xBFFFF;
	_ =	strace $0x90000046  }
0xc0: {  	s29 =	simm.s32 $0x9;
	_ =	strace $0x80000048  }
0xc1: {  	_ =	swait.ge [sflag:s29], $0x1  }
0xc2: {  	[sflag:s29] =	ssyncadd.s32 $0xFFFFFFFF  }
0xc3: {  	_ =	strace $0x90000048  }
0xc4: {  	_ =	sfence  }
0xc5: {  	s30 =	sld [smem:$0x0];
	_ =	sdelay $0x2  }
0xc6: {  	s31 =	sshll.u32 s1, $0xD;
	s1 =	sshrl.u32 s1, $0x2  }
0xc7: {  	s3 =	sand.u32 $0x4000, s31;
	s1 =	sadd.s32 s1, s30  }
0xc8: {  	s0 =	sor.u32 s3, s0;
	s1 =	sshll.u32 s1, $0x11  }
0xc9: {  	s0 =	sor.u32 s1, s0  }
0xca: {  	s0 =	sadd.s32 $0x8F2B, s0  }
0xcb: {  	[sflag:s0] =	ssyncadd.remote.s32 $0x1  }
0xcc: {  	_ =	sfence.sel $0xFFFF  }
0xcd: {  	[dreg:$0x0] =	wrdreg $0xFFFFFFFF;
	(pc) =	sbr.abs _section_cstart, $3  }
0xce: {  	[dreg:$0x1] =	wrdreg $0xFFFFFFFF  }
0xcf: {  	_ =	task.clear_ibuf [dreg:s11], $0x2FFFF;
	_ =	strace $0x9FFFFFFF  }
0xd0: {  	(tm) =	ssettm $0x7FFFFFFF  }
0xd1: {  	_ =	shalt  }
tec
execute0_lowered:
.L_overlay_start_1:
0x0: {  	(tag) =	ssettag $0x1  }
0x1: {  	s0 =	rddreg [dreg:$0x0]  }
0x2: {  	s1 =	rddreg [dreg:$0x1]  }
0x3: {  	s3 =	rddreg [dreg:$0x2]  }
0x4: {  	s2 =	rddreg [dreg:$0x4]  }
0x5: {  	s6 =	rddreg [dreg:$0x6]  }
0x6: {  	s7 =	rddreg [dreg:$0x7];
	s8 =	simm.s32 $0x0  }
0x7: {  	s12 =	stileid.u32;
	[smem:$0x7FF] =	sst s8;
	s4 =	sadd.s32 $0x4200, s2  }
0x8: {  	s22 =	sadd.s32 $0x17C00, s2;
	_ =	strace $0x80000047;
	[dreg:$0x9] =	wrdreg s4  }
0x9: {  	s25 =	srdreg.scid;
	s23 =	sadd.s32 $0x2B600, s2;
	[dreg:$0xa] =	wrdreg s22  }
0xa: {  	s31 =	simm.s32 $0x1D2C0;
	s24 =	sadd.s32 $0x3F600, s2;
	[dreg:$0xb] =	wrdreg s23  }
0xb: {  	s28 =	simm.s32 $0x2;
	s5 =	sadd.s32 $0x3F000, s2;
	[dreg:$0xc] =	wrdreg s24  }
0xc: {  	s29 =	simm.s32 $0x4;
	s9 =	sadd.s32 $0x7D600, s2;
	[dreg:$0xd] =	wrdreg s5  }
0xd: {  	s26 =	smul.u32 $0x13C00, s12;
	s11 =	sadd.s32 $0x41E00, s2;
	[dreg:$0xe] =	wrdreg s9  }
0xe: {  	s15 =	smul.u32 $0x2780, s12;
	s18 =	sadd.s32 $0xCC600, s2;
	[dreg:$0xf] =	wrdreg s11  }
0xf: {  	s4 =	sand.u32 $0x1, s25;
	[dreg:$0x12] =	wrdreg s18;
	s25 =	smul.u32 $0xFA, s12  }
0x10: {  	s5 =	simm.s32 $0x16380;
	s9 =	simm.s32 $0x3;
	s18 =	simm.s32 $0x172D0  }
0x11: {  	s12 =	simm.s32 $0x0;
	s10 =	ssub.s32 $0x2, s4;
	s13 =	sshrl.u32 s26, $0x3  }
0x12: {  	s14 =	sshrl.u32 s15, $0x3;
	p0 =	seq.s32 s4, $0x1;
	s19 =	sadd.s32 s26, s6  }
0x13: {  	s20 =	sadd.s32 s15, s7;
	s15 =	simm.s32 $0x17320;
	[dreg:$0x10] =	wrdreg s13  }
0x14: {  	s16 =	sshrl.u32 s10, $0x1;
	s13 =	sadd.s32 s13, s2;
	[dreg:$0x11] =	wrdreg s14  }
0x15: {  	s17 =	sadd.s32 s14, s2;
	s2 =	sadd.s32 $0x46E00, s2;
	[dreg:$0x14] =	wrdreg s19  }
0x16: {  	[dreg:$0x15] =	wrdreg s20;
	s30 =	sadd.s32 $0xFA0, s25;
	s19 =	simm.s32 $0x1  }
0x17: {  	s20 =	simm.s32 $0x17370;
	s14 =	simm.s32 $0x18270;
	s10 =	ssub.s32 s10, s16  }
0x18: {  	[dreg:$0x13] =	wrdreg s2;
	s21 =	sadd.s32 $0x55E00, s13;
	s22 =	sadd.s32 $0xA4E00, s13  }
0x19: {  	s23 =	sadd.s32 $0x4BE00, s17;
	s24 =	sadd.s32 $0x50E00, s17;
	[dreg:$0x16] =	wrdreg s21  }
.Ltmp0:
0x1a: {  	s2 =	simm.s32 $0x7;
	[dreg:$0x17] =	wrdreg s22;
	(pc) =	sbr.rel .LBB2_1-.Ltmp0, $4  }
0x1b: {  	s16 =	simm.s32 $0x50;
	s17 =	simm.s32 $0x6;
	[dreg:$0x18] =	wrdreg s23  }
0x1c: {  	s13 =	simm.s32 $0x18220;
	[dreg:$0x19] =	wrdreg s24;
	s26 =	smax.u32 s10, $0x1  }
0x1d: {  	s23 =	simm.s32 $0x182C0;
	s24 =	simm.s32 $0x163D0;
	s21 =	simm.s32 $0x5  }
0x1e: {  	s22 =	simm.s32 $0x16420;
	[dreg:$0x1a] =	wrdreg s26;
	s26 =	simm.s32 $0x1AAC0  }
.LBB2_18:
0x1f: {  	s11 =	rddreg [dreg:$0x10];
	[bflag:$0x0] =	sbarrier.arrive $0xFFFF  }
0x20: {  	s10 =	sadd.s32 s10, s11;
	s11 =	rddreg [dreg:$0x1c]  }
0x21: {  	s24 =	rddreg [dreg:$0x1d]  }
0x22: {  	[hbm:s10], [sflag:s11] =	dma.local [spmem:s24], $0x2780  }
0x23: {  	_ =	swait.ge [sflag:s2], $0x2780  }
0x24: {  	[sflag:s2] =	ssyncset.done $0x0;
	s24 =	rddreg [dreg:$0x11]  }
0x25: {  	s4 =	sadd.s32 s4, s24;
	[sflag:s2] =	ssyncadd.s32 $0xFFFFD880;
	s24 =	rddreg [dreg:$0x1e]  }
0x26: {  	[hbm:s4], [sflag:s11] =	dma.local [spmem:s24], $0x4F0  }
0x27: {  	_ =	swait.ge [sflag:s2], $0x4F0  }
0x28: {  	s12 =	sadd.s32 $0x1, s12;
	s24 =	rddreg [dreg:$0x1a]  }
0x29: {  	p1 =	sne.s32 s12, s24  }
.Ltmp1:
0x2a: {  	_ = 	snop;
	(pc) =	sbr.rel @!p1 .LBB2_19-.Ltmp1, $4  }
0x2b: {  	[sflag:s2] =	ssyncset.done $0x0  }
0x2c: {  	[sflag:s2] =	ssyncadd.s32 $0xFFFFFB10  }
0x2d: {  	[bflag:$0x0] =	sbarrier.arrive $0xFFFF  }
0x2e: {  	s24 =	simm.s32 $0x163D0  }
.LBB2_1:
0x2f: {  	[dreg:$0x1b] =	wrdreg s12  }
0x30: {  	s4 =	rddreg [dreg:$0x5]  }
0x31: {  	[tilespmem:s31], [sflag:$0x7] =	stream.linear.gather [hbm4b:s4+s8], $0x500, $0x38;
	[tilespmem:$0x1D7C0] =	vst v63  }
0x32: {  	s10 =	stileid.u32;
	_ =	swait.ge [sflag:s2], $0x500  }
0x33: {  	s4 =	sshll.u32 s10, $0x6;
	s11 =	rddreg [dreg:$0x14]  }
0x34: {  	[sflag:s2] =	ssyncset.done $0x0;
	s12 =	rddreg [dreg:$0xc];
	s11 =	sshrl.u32 s11, $0x3  }
0x35: {  	s10 =	sor.u32 $0x1C07, s4;
	[sflag:s2] =	ssyncadd.s32 $0xFFFFFB00;
	[dreg:$0x1d] =	wrdreg s11  }
0x36: {  	[spmem:s11], [sflag:s10] =	dma.local [hbm:s12], $0x2780  }
0x37: {  	_ =	swait.ge [sflag:s2], $0x2780;
	[dreg:$0x1c] =	wrdreg s10  }
0x38: {  	s12 =	rddreg [dreg:$0x15]  }
0x39: {  	[sflag:s2] =	ssyncset.done $0x0;
	s4 =	sshrl.u32 s12, $0x3;
	s12 =	rddreg [dreg:$0xd]  }
0x3a: {  	[sflag:s2] =	ssyncadd.s32 $0xFFFFD880;
	[dreg:$0x1e] =	wrdreg s4  }
0x3b: {  	[spmem:s4], [sflag:s10] =	dma.local [hbm:s12], $0x4F0  }
.Ltmp2:
0x3c: {  	_ =	swait.ge [sflag:s2], $0x4F0;
	(pc) =	sbr.rel @!p0 .LBB2_2-.Ltmp2, $4  }
0x3d: {  	[sflag:s2] =	ssyncset.done $0x0  }
0x3e: {  	[sflag:s2] =	ssyncadd.s32 $0xFFFFFB10  }
0x3f: {  	[bflag:$0x0] =	sbarrier.arrive $0xFFFF  }
0x40: {  	s4 =	simm.s32 $0x0;
	s10 =	simm.s32 $0x0  }
.LBB2_10:
0x41: {  	s4 =	smul.u32 $0x32, s10;
	_ =	sdelay $0x1  }
0x42: {  	s11 =	sadd.s32 s25, s4  }
0x43: {  	s11 =	smul.u32 $0xA, s11  }
0x44: {  	s12 =	rddreg [dreg:$0xa]  }
0x45: {  	s4 =	sadd.s32 s4, s30;
	s11 =	sadd.s32 s12, s11  }
0x46: {  	[tilespmem:s5], [sflag:$0x7] =	stream.linear.gather [hbm4b:s11+s8], $0xFA0, $0x38;
	[tilespmem:$0x1D7C0] =	vst v63  }
0x47: {  	s4 =	smul.u32 $0xA, s4;
	_ =	swait.ge [sflag:s2], $0xFA0  }
0x48: {  	[sflag:s2] =	ssyncset.done $0x0  }
0x49: {  	s4 =	sadd.s32 s12, s4;
	[sflag:s2] =	ssyncadd.s32 $0xFFFFF060  }
0x4a: {  	[tilespmem:s15], [sflag:$0x7] =	stream.linear.gather [hbm4b:s4+s8], $0xFA0, $0x38;
	[tilespmem:$0x1D7C0] =	vst v63  }
0x4b: {  	_ =	swait.ge [sflag:s2], $0xFA0  }
0x4c: {  	[sflag:s2] =	ssyncset.done $0x0  }
0x4d: {  	[sflag:s2] =	ssyncadd.s32 $0xFFFFF060  }
0x4e: {  	[tilespmem:s23], [sflag:$0x1] =	stream.indirect.gather [hbm4b:s0+s16], $0x80, s5, s16, $0xb8;
	[tilespmem:$0x1D7C0] =	vst v63  }
0x4f: {  	_ = 	snop  }
0x50: {  	[tilespmem:s26], [sflag:$0x2] =	stream.indirect.gather [hbm4b:s0+s16], $0x80, s24, s16, $0xb8;
	[tilespmem:$0x1D7C0] =	vst v63  }
0x51: {  	_ =	swait.ge [sflag:s19], $0x2800  }
0x52: {  	[sflag:s19] =	ssyncset.done $0x0  }
0x53: {  	[sflag:s19] =	ssyncadd.s32 $0xFFFFD800  }
0x54: {  	[spmem:s6] =	stream.indirect.scatter.add.f32 [tilespmem:s23], [sflag:$0x3], $0x80, s15, s16, $0xb8;
	[tilespmem:$0x1D7C0] =	vst v63  }
0x55: {  	_ = 	snop  }
0x56: {  	[spmem:s7] =	stream.indirect.scatter.add.f32 [tilespmem:s31], [sflag:$0x5], $0x10, s15, s16, $0xb8;
	[tilespmem:$0x1D7C0] =	vst v63  }
0x57: {  	_ =	swait.ge [sflag:s28], $0x2800  }
0x58: {  	[sflag:s28] =	ssyncset.done $0x0  }
0x59: {  	[sflag:s28] =	ssyncadd.s32 $0xFFFFD800  }
0x5a: {  	[spmem:s6] =	stream.indirect.scatter.add.f32 [tilespmem:s26], [sflag:$0x4], $0x80, s20, s16, $0xb8;
	[tilespmem:$0x1D7C0] =	vst v63  }
0x5b: {  	_ = 	snop  }
0x5c: {  	[spmem:s7] =	stream.indirect.scatter.add.f32 [tilespmem:s31], [sflag:$0x6], $0x10, s20, s16, $0xb8;
	[tilespmem:$0x1D7C0] =	vst v63  }
0x5d: {  	_ =	swait.ge [sflag:s9], $0x2800  }
0x5e: {  	[sflag:s9] =	ssyncset.done $0x0  }
0x5f: {  	[sflag:s9] =	ssyncadd.s32 $0xFFFFD800  }
0x60: {  	_ =	swait.ge [sflag:s21], $0x500  }
0x61: {  	[sflag:s21] =	ssyncset.done $0x0  }
0x62: {  	[sflag:s21] =	ssyncadd.s32 $0xFFFFFB00  }
0x63: {  	[tilespmem:s23], [sflag:$0x1] =	stream.indirect.gather [hbm4b:s0+s16], $0x80, s22, s16, $0xb8;
	[tilespmem:$0x1D7C0] =	vst v63  }
0x64: {  	_ =	swait.ge [sflag:s29], $0x2800  }
0x65: {  	[sflag:s29] =	ssyncset.done $0x0  }
0x66: {  	[sflag:s29] =	ssyncadd.s32 $0xFFFFD800  }
0x67: {  	_ =	swait.ge [sflag:s17], $0x500  }
0x68: {  	[sflag:s17] =	ssyncset.done $0x0  }
0x69: {  	s12 =	simm.s32 $0x16470;
	[sflag:s17] =	ssyncadd.s32 $0xFFFFFB00  }
0x6a: {  	[tilespmem:s26], [sflag:$0x2] =	stream.indirect.gather [hbm4b:s0+s16], $0x80, s12, s16, $0xb8;
	[tilespmem:$0x1D7C0] =	vst v63  }
0x6b: {  	_ =	swait.ge [sflag:s19], $0x2800  }
0x6c: {  	[sflag:s19] =	ssyncset.done $0x0  }
0x6d: {  	s11 =	simm.s32 $0x173C0;
	[sflag:s19] =	ssyncadd.s32 $0xFFFFD800  }
0x6e: {  	[spmem:s6] =	stream.indirect.scatter.add.f32 [tilespmem:s23], [sflag:$0x3], $0x80, s11, s16, $0xb8;
	[tilespmem:$0x1D7C0] =	vst v63  }
0x6f: {  	_ = 	snop  }
0x70: {  	[spmem:s7] =	stream.indirect.scatter.add.f32 [tilespmem:s31], [sflag:$0x5], $0x10, s11, s16, $0xb8;
	[tilespmem:$0x1D7C0] =	vst v63  }
0x71: {  	_ =	swait.ge [sflag:s28], $0x2800  }
0x72: {  	[sflag:s28] =	ssyncset.done $0x0  }
0x73: {  	s12 =	simm.s32 $0x17410;
	[sflag:s28] =	ssyncadd.s32 $0xFFFFD800  }
0x74: {  	[spmem:s6] =	stream.indirect.scatter.add.f32 [tilespmem:s26], [sflag:$0x4], $0x80, s12, s16, $0xb8;
	[tilespmem:$0x1D7C0] =	vst v63  }
0x75: {  	_ = 	snop  }
0x76: {  	[spmem:s7] =	stream.indirect.scatter.add.f32 [tilespmem:s31], [sflag:$0x6], $0x10, s12, s16, $0xb8;
	[tilespmem:$0x1D7C0] =	vst v63  }
0x77: {  	_ =	swait.ge [sflag:s9], $0x2800  }
0x78: {  	[sflag:s9] =	ssyncset.done $0x0  }
0x79: {  	[sflag:s9] =	ssyncadd.s32 $0xFFFFD800  }
0x7a: {  	_ =	swait.ge [sflag:s21], $0x500  }
0x7b: {  	[sflag:s21] =	ssyncset.done $0x0  }
0x7c: {  	s4 =	simm.s32 $0xFFFFC900;
	s11 =	simm.s32 $0x164C0;
	[sflag:s21] =	ssyncadd.s32 $0xFFFFFB00  }
.LBB2_11:
0x7d: {  	[tilespmem:s23], [sflag:$0x1] =	stream.indirect.gather [hbm4b:s0+s16], $0x80, s11, s16, $0xb8;
	[tilespmem:$0x1D7C0] =	vst v63  }
0x7e: {  	s11 =	smov.u32 s4  }
0x7f: {  	p1 =	sne.s32 s4, $0xFFFFFD80;
	s4 =	sadd.s32 $0x280, s4;
	_ =	swait.ge [sflag:s29], $0x2800  }
0x80: {  	[sflag:s29] =	ssyncset.done $0x0  }
0x81: {  	[sflag:s29] =	ssyncadd.s32 $0xFFFFD800  }
0x82: {  	_ =	swait.ge [sflag:s17], $0x500  }
0x83: {  	s11 =	sshra.s32 s11, $0x2;
	[sflag:s17] =	ssyncset.done $0x0  }
0x84: {  	s12 =	sadd.s32 $0x172D0, s11;
	[sflag:s17] =	ssyncadd.s32 $0xFFFFFB00  }
0x85: {  	[tilespmem:s26], [sflag:$0x2] =	stream.indirect.gather [hbm4b:s0+s16], $0x80, s12, s16, $0xb8;
	[tilespmem:$0x1D7C0] =	vst v63  }
0x86: {  	_ =	swait.ge [sflag:s19], $0x2800  }
0x87: {  	[sflag:s19] =	ssyncset.done $0x0  }
0x88: {  	s12 =	sadd.s32 $0x18220, s11;
	[sflag:s19] =	ssyncadd.s32 $0xFFFFD800  }
0x89: {  	[spmem:s6] =	stream.indirect.scatter.add.f32 [tilespmem:s23], [sflag:$0x3], $0x80, s12, s16, $0xb8;
	[tilespmem:$0x1D7C0] =	vst v63  }
0x8a: {  	_ = 	snop  }
0x8b: {  	[spmem:s7] =	stream.indirect.scatter.add.f32 [tilespmem:s31], [sflag:$0x5], $0x10, s12, s16, $0xb8;
	[tilespmem:$0x1D7C0] =	vst v63  }
0x8c: {  	_ =	swait.ge [sflag:s28], $0x2800  }
0x8d: {  	[sflag:s28] =	ssyncset.done $0x0  }
0x8e: {  	s12 =	sadd.s32 $0x18270, s11;
	[sflag:s28] =	ssyncadd.s32 $0xFFFFD800  }
0x8f: {  	[spmem:s6] =	stream.indirect.scatter.add.f32 [tilespmem:s26], [sflag:$0x4], $0x80, s12, s16, $0xb8;
	[tilespmem:$0x1D7C0] =	vst v63  }
0x90: {  	_ = 	snop  }
0x91: {  	[spmem:s7] =	stream.indirect.scatter.add.f32 [tilespmem:s31], [sflag:$0x6], $0x10, s12, s16, $0xb8;
	[tilespmem:$0x1D7C0] =	vst v63  }
0x92: {  	_ =	swait.ge [sflag:s9], $0x2800  }
.Ltmp3:
0x93: {  	[sflag:s9] =	ssyncset.done $0x0;
	(pc) =	sbr.rel @p1 .LBB2_11-.Ltmp3, $4  }
0x94: {  	[sflag:s9] =	ssyncadd.s32 $0xFFFFD800  }
0x95: {  	_ =	swait.ge [sflag:s21], $0x500  }
0x96: {  	[sflag:s21] =	ssyncset.done $0x0  }
0x97: {  	s11 =	sadd.s32 $0x17320, s11;
	[sflag:s21] =	ssyncadd.s32 $0xFFFFFB00  }
0x98: {  	[tilespmem:s23], [sflag:$0x1] =	stream.indirect.gather [hbm4b:s0+s16], $0x80, s11, s16, $0xb8;
	[tilespmem:$0x1D7C0] =	vst v63  }
0x99: {  	_ =	swait.ge [sflag:s29], $0x2800  }
0x9a: {  	[sflag:s29] =	ssyncset.done $0x0  }
0x9b: {  	[sflag:s29] =	ssyncadd.s32 $0xFFFFD800  }
0x9c: {  	_ =	swait.ge [sflag:s17], $0x500  }
0x9d: {  	[sflag:s17] =	ssyncset.done $0x0  }
0x9e: {  	[sflag:s17] =	ssyncadd.s32 $0xFFFFFB00  }
0x9f: {  	[tilespmem:s26], [sflag:$0x2] =	stream.indirect.gather [hbm4b:s0+s16], $0x80, s18, s16, $0xb8;
	[tilespmem:$0x1D7C0] =	vst v63  }
0xa0: {  	_ =	swait.ge [sflag:s19], $0x2800  }
0xa1: {  	[sflag:s19] =	ssyncset.done $0x0  }
0xa2: {  	[sflag:s19] =	ssyncadd.s32 $0xFFFFD800  }
0xa3: {  	[spmem:s6] =	stream.indirect.scatter.add.f32 [tilespmem:s23], [sflag:$0x3], $0x80, s13, s16, $0xb8;
	[tilespmem:$0x1D7C0] =	vst v63  }
0xa4: {  	_ = 	snop  }
0xa5: {  	[spmem:s7] =	stream.indirect.scatter.add.f32 [tilespmem:s31], [sflag:$0x5], $0x10, s13, s16, $0xb8;
	[tilespmem:$0x1D7C0] =	vst v63  }
0xa6: {  	_ =	swait.ge [sflag:s28], $0x2800  }
0xa7: {  	[sflag:s28] =	ssyncset.done $0x0  }
0xa8: {  	[sflag:s28] =	ssyncadd.s32 $0xFFFFD800  }
0xa9: {  	[spmem:s6] =	stream.indirect.scatter.add.f32 [tilespmem:s26], [sflag:$0x4], $0x80, s14, s16, $0xb8;
	[tilespmem:$0x1D7C0] =	vst v63  }
0xaa: {  	_ = 	snop  }
0xab: {  	[spmem:s7] =	stream.indirect.scatter.add.f32 [tilespmem:s31], [sflag:$0x6], $0x10, s14, s16, $0xb8;
	[tilespmem:$0x1D7C0] =	vst v63  }
0xac: {  	_ =	swait.ge [sflag:s9], $0x2800  }
0xad: {  	[sflag:s9] =	ssyncset.done $0x0  }
0xae: {  	[sflag:s9] =	ssyncadd.s32 $0xFFFFD800  }
0xaf: {  	_ =	swait.ge [sflag:s21], $0x500  }
0xb0: {  	[sflag:s21] =	ssyncset.done $0x0  }
0xb1: {  	s10 =	sadd.s32 $0x1, s10;
	[sflag:s21] =	ssyncadd.s32 $0xFFFFFB00  }
0xb2: {  	p1 =	sne.s32 s10, $0x5;
	_ =	swait.ge [sflag:s29], $0x2800  }
.Ltmp4:
0xb3: {  	[sflag:s29] =	ssyncset.done $0x0;
	(pc) =	sbr.rel @p1 .LBB2_10-.Ltmp4, $4  }
0xb4: {  	[sflag:s29] =	ssyncadd.s32 $0xFFFFD800  }
0xb5: {  	_ =	swait.ge [sflag:s17], $0x500  }
0xb6: {  	[sflag:s17] =	ssyncset.done $0x0  }
0xb7: {  	[sflag:s17] =	ssyncadd.s32 $0xFFFFFB00  }
0xb8: {  	[bflag:$0x0] =	sbarrier.arrive $0xFFFF  }
0xb9: {  	s4 =	rddreg [dreg:$0x17]  }
0xba: {  	s10 =	rddreg [dreg:$0x1c]  }
0xbb: {  	s11 =	rddreg [dreg:$0x1d]  }
0xbc: {  	[hbm:s4], [sflag:s10] =	dma.local [spmem:s11], $0x2780  }
0xbd: {  	_ =	swait.ge [sflag:s2], $0x2780  }
0xbe: {  	[sflag:s2] =	ssyncset.done $0x0;
	s4 =	rddreg [dreg:$0x19]  }
0xbf: {  	s12 =	rddreg [dreg:$0x1e];
	[sflag:s2] =	ssyncadd.s32 $0xFFFFD880  }
0xc0: {  	[hbm:s4], [sflag:s10] =	dma.local [spmem:s12], $0x4F0  }
0xc1: {  	_ =	swait.ge [sflag:s2], $0x4F0  }
0xc2: {  	[sflag:s2] =	ssyncset.done $0x0  }
0xc3: {  	[sflag:s2] =	ssyncadd.s32 $0xFFFFFB10  }
0xc4: {  	[bflag:$0x0] =	sbarrier.arrive $0xFFFF  }
0xc5: {  	s4 =	rddreg [dreg:$0xc]  }
0xc6: {  	[spmem:s11], [sflag:s10] =	dma.local [hbm:s4], $0x2780  }
0xc7: {  	_ =	swait.ge [sflag:s2], $0x2780  }
0xc8: {  	[sflag:s2] =	ssyncset.done $0x0  }
0xc9: {  	s11 =	rddreg [dreg:$0xd];
	[sflag:s2] =	ssyncadd.s32 $0xFFFFD880  }
0xca: {  	[spmem:s12], [sflag:s10] =	dma.local [hbm:s11], $0x4F0  }
0xcb: {  	_ =	swait.ge [sflag:s2], $0x4F0  }
0xcc: {  	[sflag:s2] =	ssyncset.done $0x0  }
0xcd: {  	[sflag:s2] =	ssyncadd.s32 $0xFFFFFB10  }
0xce: {  	s4 =	simm.s32 $0x0;
	[bflag:$0x0] =	sbarrier.arrive $0xFFFF  }
.LBB2_14:
0xcf: {  	s10 =	smul.u32 $0x32, s4;
	_ =	sdelay $0x1  }
0xd0: {  	s11 =	sadd.s32 s25, s10  }
0xd1: {  	s11 =	smul.u32 $0xA, s11  }
0xd2: {  	s12 =	rddreg [dreg:$0xb]  }
0xd3: {  	s10 =	sadd.s32 s10, s30;
	s11 =	sadd.s32 s12, s11  }
0xd4: {  	[tilespmem:s5], [sflag:$0x7] =	stream.linear.gather [hbm4b:s11+s8], $0xFA0, $0x38;
	[tilespmem:$0x1D7C0] =	vst v63  }
0xd5: {  	s10 =	smul.u32 $0xA, s10;
	_ =	swait.ge [sflag:s2], $0xFA0  }
0xd6: {  	[sflag:s2] =	ssyncset.done $0x0  }
0xd7: {  	s10 =	sadd.s32 s12, s10;
	[sflag:s2] =	ssyncadd.s32 $0xFFFFF060  }
0xd8: {  	[tilespmem:s15], [sflag:$0x7] =	stream.linear.gather [hbm4b:s10+s8], $0xFA0, $0x38;
	[tilespmem:$0x1D7C0] =	vst v63  }
0xd9: {  	_ =	swait.ge [sflag:s2], $0xFA0  }
0xda: {  	[sflag:s2] =	ssyncset.done $0x0  }
0xdb: {  	[sflag:s2] =	ssyncadd.s32 $0xFFFFF060  }
0xdc: {  	[tilespmem:s23], [sflag:$0x1] =	stream.indirect.gather [hbm4b:s3+s16], $0x80, s5, s16, $0xb8;
	[tilespmem:$0x1D7C0] =	vst v63  }
0xdd: {  	_ = 	snop  }
0xde: {  	[tilespmem:s26], [sflag:$0x2] =	stream.indirect.gather [hbm4b:s3+s16], $0x80, s24, s16, $0xb8;
	[tilespmem:$0x1D7C0] =	vst v63  }
0xdf: {  	_ =	swait.ge [sflag:s19], $0x2800  }
0xe0: {  	[sflag:s19] =	ssyncset.done $0x0  }
0xe1: {  	[sflag:s19] =	ssyncadd.s32 $0xFFFFD800  }
0xe2: {  	[spmem:s6] =	stream.indirect.scatter.add.f32 [tilespmem:s23], [sflag:$0x3], $0x80, s15, s16, $0xb8;
	[tilespmem:$0x1D7C0] =	vst v63  }
0xe3: {  	_ = 	snop  }
0xe4: {  	[spmem:s7] =	stream.indirect.scatter.add.f32 [tilespmem:s31], [sflag:$0x5], $0x10, s15, s16, $0xb8;
	[tilespmem:$0x1D7C0] =	vst v63  }
0xe5: {  	_ =	swait.ge [sflag:s28], $0x2800  }
0xe6: {  	[sflag:s28] =	ssyncset.done $0x0  }
0xe7: {  	[sflag:s28] =	ssyncadd.s32 $0xFFFFD800  }
0xe8: {  	[spmem:s6] =	stream.indirect.scatter.add.f32 [tilespmem:s26], [sflag:$0x4], $0x80, s20, s16, $0xb8;
	[tilespmem:$0x1D7C0] =	vst v63  }
0xe9: {  	_ = 	snop  }
0xea: {  	[spmem:s7] =	stream.indirect.scatter.add.f32 [tilespmem:s31], [sflag:$0x6], $0x10, s20, s16, $0xb8;
	[tilespmem:$0x1D7C0] =	vst v63  }
0xeb: {  	_ =	swait.ge [sflag:s9], $0x2800  }
0xec: {  	[sflag:s9] =	ssyncset.done $0x0  }
0xed: {  	[sflag:s9] =	ssyncadd.s32 $0xFFFFD800  }
0xee: {  	_ =	swait.ge [sflag:s21], $0x500  }
0xef: {  	[sflag:s21] =	ssyncset.done $0x0  }
0xf0: {  	[sflag:s21] =	ssyncadd.s32 $0xFFFFFB00  }
0xf1: {  	[tilespmem:s23], [sflag:$0x1] =	stream.indirect.gather [hbm4b:s3+s16], $0x80, s22, s16, $0xb8;
	[tilespmem:$0x1D7C0] =	vst v63  }
0xf2: {  	_ =	swait.ge [sflag:s29], $0x2800  }
0xf3: {  	[sflag:s29] =	ssyncset.done $0x0  }
0xf4: {  	[sflag:s29] =	ssyncadd.s32 $0xFFFFD800  }
0xf5: {  	_ =	swait.ge [sflag:s17], $0x500  }
0xf6: {  	[sflag:s17] =	ssyncset.done $0x0  }
0xf7: {  	s12 =	simm.s32 $0x16470;
	[sflag:s17] =	ssyncadd.s32 $0xFFFFFB00  }
0xf8: {  	[tilespmem:s26], [sflag:$0x2] =	stream.indirect.gather [hbm4b:s3+s16], $0x80, s12, s16, $0xb8;
	[tilespmem:$0x1D7C0] =	vst v63  }
0xf9: {  	_ =	swait.ge [sflag:s19], $0x2800  }
0xfa: {  	[sflag:s19] =	ssyncset.done $0x0  }
0xfb: {  	s11 =	simm.s32 $0x173C0;
	[sflag:s19] =	ssyncadd.s32 $0xFFFFD800  }
0xfc: {  	[spmem:s6] =	stream.indirect.scatter.add.f32 [tilespmem:s23], [sflag:$0x3], $0x80, s11, s16, $0xb8;
	[tilespmem:$0x1D7C0] =	vst v63  }
0xfd: {  	_ = 	snop  }
0xfe: {  	[spmem:s7] =	stream.indirect.scatter.add.f32 [tilespmem:s31], [sflag:$0x5], $0x10, s11, s16, $0xb8;
	[tilespmem:$0x1D7C0] =	vst v63  }
0xff: {  	_ =	swait.ge [sflag:s28], $0x2800  }
0x100: {  	[sflag:s28] =	ssyncset.done $0x0  }
0x101: {  	s12 =	simm.s32 $0x17410;
	[sflag:s28] =	ssyncadd.s32 $0xFFFFD800  }
0x102: {  	[spmem:s6] =	stream.indirect.scatter.add.f32 [tilespmem:s26], [sflag:$0x4], $0x80, s12, s16, $0xb8;
	[tilespmem:$0x1D7C0] =	vst v63  }
0x103: {  	_ = 	snop  }
0x104: {  	[spmem:s7] =	stream.indirect.scatter.add.f32 [tilespmem:s31], [sflag:$0x6], $0x10, s12, s16, $0xb8;
	[tilespmem:$0x1D7C0] =	vst v63  }
0x105: {  	_ =	swait.ge [sflag:s9], $0x2800  }
0x106: {  	[sflag:s9] =	ssyncset.done $0x0  }
0x107: {  	[sflag:s9] =	ssyncadd.s32 $0xFFFFD800  }
0x108: {  	_ =	swait.ge [sflag:s21], $0x500  }
0x109: {  	[sflag:s21] =	ssyncset.done $0x0  }
0x10a: {  	s10 =	simm.s32 $0xFFFFC900;
	s11 =	simm.s32 $0x164C0;
	[sflag:s21] =	ssyncadd.s32 $0xFFFFFB00  }
.LBB2_15:
0x10b: {  	[tilespmem:s23], [sflag:$0x1] =	stream.indirect.gather [hbm4b:s3+s16], $0x80, s11, s16, $0xb8;
	[tilespmem:$0x1D7C0] =	vst v63  }
0x10c: {  	s11 =	smov.u32 s10  }
0x10d: {  	p1 =	sne.s32 s10, $0xFFFFFD80;
	s10 =	sadd.s32 $0x280, s10;
	_ =	swait.ge [sflag:s29], $0x2800  }
0x10e: {  	[sflag:s29] =	ssyncset.done $0x0  }
0x10f: {  	[sflag:s29] =	ssyncadd.s32 $0xFFFFD800  }
0x110: {  	_ =	swait.ge [sflag:s17], $0x500  }
0x111: {  	s11 =	sshra.s32 s11, $0x2;
	[sflag:s17] =	ssyncset.done $0x0  }
0x112: {  	s12 =	sadd.s32 $0x172D0, s11;
	[sflag:s17] =	ssyncadd.s32 $0xFFFFFB00  }
0x113: {  	[tilespmem:s26], [sflag:$0x2] =	stream.indirect.gather [hbm4b:s3+s16], $0x80, s12, s16, $0xb8;
	[tilespmem:$0x1D7C0] =	vst v63  }
0x114: {  	_ =	swait.ge [sflag:s19], $0x2800  }
0x115: {  	[sflag:s19] =	ssyncset.done $0x0  }
0x116: {  	s12 =	sadd.s32 $0x18220, s11;
	[sflag:s19] =	ssyncadd.s32 $0xFFFFD800  }
0x117: {  	[spmem:s6] =	stream.indirect.scatter.add.f32 [tilespmem:s23], [sflag:$0x3], $0x80, s12, s16, $0xb8;
	[tilespmem:$0x1D7C0] =	vst v63  }
0x118: {  	_ = 	snop  }
0x119: {  	[spmem:s7] =	stream.indirect.scatter.add.f32 [tilespmem:s31], [sflag:$0x5], $0x10, s12, s16, $0xb8;
	[tilespmem:$0x1D7C0] =	vst v63  }
0x11a: {  	_ =	swait.ge [sflag:s28], $0x2800  }
0x11b: {  	[sflag:s28] =	ssyncset.done $0x0  }
0x11c: {  	s12 =	sadd.s32 $0x18270, s11;
	[sflag:s28] =	ssyncadd.s32 $0xFFFFD800  }
0x11d: {  	[spmem:s6] =	stream.indirect.scatter.add.f32 [tilespmem:s26], [sflag:$0x4], $0x80, s12, s16, $0xb8;
	[tilespmem:$0x1D7C0] =	vst v63  }
0x11e: {  	_ = 	snop  }
0x11f: {  	[spmem:s7] =	stream.indirect.scatter.add.f32 [tilespmem:s31], [sflag:$0x6], $0x10, s12, s16, $0xb8;
	[tilespmem:$0x1D7C0] =	vst v63  }
0x120: {  	_ =	swait.ge [sflag:s9], $0x2800  }
.Ltmp5:
0x121: {  	[sflag:s9] =	ssyncset.done $0x0;
	(pc) =	sbr.rel @p1 .LBB2_15-.Ltmp5, $4  }
0x122: {  	[sflag:s9] =	ssyncadd.s32 $0xFFFFD800  }
0x123: {  	_ =	swait.ge [sflag:s21], $0x500  }
0x124: {  	[sflag:s21] =	ssyncset.done $0x0  }
0x125: {  	s11 =	sadd.s32 $0x17320, s11;
	[sflag:s21] =	ssyncadd.s32 $0xFFFFFB00  }
0x126: {  	[tilespmem:s23], [sflag:$0x1] =	stream.indirect.gather [hbm4b:s3+s16], $0x80, s11, s16, $0xb8;
	[tilespmem:$0x1D7C0] =	vst v63  }
0x127: {  	_ =	swait.ge [sflag:s29], $0x2800  }
0x128: {  	[sflag:s29] =	ssyncset.done $0x0  }
0x129: {  	[sflag:s29] =	ssyncadd.s32 $0xFFFFD800  }
0x12a: {  	_ =	swait.ge [sflag:s17], $0x500  }
0x12b: {  	[sflag:s17] =	ssyncset.done $0x0  }
0x12c: {  	[sflag:s17] =	ssyncadd.s32 $0xFFFFFB00  }
0x12d: {  	[tilespmem:s26], [sflag:$0x2] =	stream.indirect.gather [hbm4b:s3+s16], $0x80, s18, s16, $0xb8;
	[tilespmem:$0x1D7C0] =	vst v63  }
0x12e: {  	_ =	swait.ge [sflag:s19], $0x2800  }
0x12f: {  	[sflag:s19] =	ssyncset.done $0x0  }
0x130: {  	[sflag:s19] =	ssyncadd.s32 $0xFFFFD800  }
0x131: {  	[spmem:s6] =	stream.indirect.scatter.add.f32 [tilespmem:s23], [sflag:$0x3], $0x80, s13, s16, $0xb8;
	[tilespmem:$0x1D7C0] =	vst v63  }
0x132: {  	_ = 	snop  }
0x133: {  	[spmem:s7] =	stream.indirect.scatter.add.f32 [tilespmem:s31], [sflag:$0x5], $0x10, s13, s16, $0xb8;
	[tilespmem:$0x1D7C0] =	vst v63  }
0x134: {  	_ =	swait.ge [sflag:s28], $0x2800  }
0x135: {  	[sflag:s28] =	ssyncset.done $0x0  }
0x136: {  	[sflag:s28] =	ssyncadd.s32 $0xFFFFD800  }
0x137: {  	[spmem:s6] =	stream.indirect.scatter.add.f32 [tilespmem:s26], [sflag:$0x4], $0x80, s14, s16, $0xb8;
	[tilespmem:$0x1D7C0] =	vst v63  }
0x138: {  	_ = 	snop  }
0x139: {  	[spmem:s7] =	stream.indirect.scatter.add.f32 [tilespmem:s31], [sflag:$0x6], $0x10, s14, s16, $0xb8;
	[tilespmem:$0x1D7C0] =	vst v63  }
0x13a: {  	_ =	swait.ge [sflag:s9], $0x2800  }
0x13b: {  	[sflag:s9] =	ssyncset.done $0x0  }
0x13c: {  	[sflag:s9] =	ssyncadd.s32 $0xFFFFD800  }
0x13d: {  	_ =	swait.ge [sflag:s21], $0x500  }
0x13e: {  	[sflag:s21] =	ssyncset.done $0x0  }
0x13f: {  	s4 =	sadd.s32 $0x1, s4;
	[sflag:s21] =	ssyncadd.s32 $0xFFFFFB00  }
0x140: {  	p1 =	sne.s32 s4, $0x5;
	_ =	swait.ge [sflag:s29], $0x2800  }
.Ltmp6:
0x141: {  	[sflag:s29] =	ssyncset.done $0x0;
	(pc) =	sbr.rel @p1 .LBB2_14-.Ltmp6, $4  }
0x142: {  	[sflag:s29] =	ssyncadd.s32 $0xFFFFD800  }
0x143: {  	_ =	swait.ge [sflag:s17], $0x500  }
0x144: {  	[sflag:s17] =	ssyncset.done $0x0  }
0x145: {  	[sflag:s17] =	ssyncadd.s32 $0xFFFFFB00  }
.Ltmp7:
0x146: {  	(pc) =	sbr.rel .LBB2_18-.Ltmp7, $4  }
0x147: {  	_ = 	snop  }
0x148: {  	s10 =	rddreg [dreg:$0x12]  }
0x149: {  	s4 =	rddreg [dreg:$0x13]  }
0x14a: {  	s12 =	rddreg [dreg:$0x1b]  }
.LBB2_2:
0x14b: {  	s10 =	smul.u32 $0x32, s4;
	_ =	sdelay $0x1  }
0x14c: {  	s11 =	sadd.s32 s25, s10  }
0x14d: {  	s11 =	smul.u32 $0xA, s11  }
0x14e: {  	s12 =	rddreg [dreg:$0x3]  }
0x14f: {  	s10 =	sadd.s32 s10, s30;
	s11 =	sadd.s32 s12, s11  }
0x150: {  	[tilespmem:s5], [sflag:$0x7] =	stream.linear.gather [hbm4b:s11+s8], $0xFA0, $0x38;
	[tilespmem:$0x1D7C0] =	vst v63  }
0x151: {  	s10 =	smul.u32 $0xA, s10;
	_ =	swait.ge [sflag:s2], $0xFA0  }
0x152: {  	[sflag:s2] =	ssyncset.done $0x0  }
0x153: {  	s10 =	sadd.s32 s12, s10;
	[sflag:s2] =	ssyncadd.s32 $0xFFFFF060  }
0x154: {  	[tilespmem:s15], [sflag:$0x7] =	stream.linear.gather [hbm4b:s10+s8], $0xFA0, $0x38;
	[tilespmem:$0x1D7C0] =	vst v63  }
0x155: {  	_ =	swait.ge [sflag:s2], $0xFA0  }
0x156: {  	[sflag:s2] =	ssyncset.done $0x0  }
0x157: {  	[sflag:s2] =	ssyncadd.s32 $0xFFFFF060  }
0x158: {  	[tilespmem:s23], [sflag:$0x1] =	stream.indirect.gather [hbm4b:s0+s16], $0x80, s5, s16, $0xb8;
	[tilespmem:$0x1D7C0] =	vst v63  }
0x159: {  	_ = 	snop  }
0x15a: {  	[tilespmem:s26], [sflag:$0x2] =	stream.indirect.gather [hbm4b:s0+s16], $0x80, s24, s16, $0xb8;
	[tilespmem:$0x1D7C0] =	vst v63  }
0x15b: {  	_ =	swait.ge [sflag:s19], $0x2800  }
0x15c: {  	[sflag:s19] =	ssyncset.done $0x0  }
0x15d: {  	[sflag:s19] =	ssyncadd.s32 $0xFFFFD800  }
0x15e: {  	[spmem:s6] =	stream.indirect.scatter.add.f32 [tilespmem:s23], [sflag:$0x3], $0x80, s15, s16, $0xb8;
	[tilespmem:$0x1D7C0] =	vst v63  }
0x15f: {  	_ = 	snop  }
0x160: {  	[spmem:s7] =	stream.indirect.scatter.add.f32 [tilespmem:s31], [sflag:$0x5], $0x10, s15, s16, $0xb8;
	[tilespmem:$0x1D7C0] =	vst v63  }
0x161: {  	_ =	swait.ge [sflag:s28], $0x2800  }
0x162: {  	[sflag:s28] =	ssyncset.done $0x0  }
0x163: {  	[sflag:s28] =	ssyncadd.s32 $0xFFFFD800  }
0x164: {  	[spmem:s6] =	stream.indirect.scatter.add.f32 [tilespmem:s26], [sflag:$0x4], $0x80, s20, s16, $0xb8;
	[tilespmem:$0x1D7C0] =	vst v63  }
0x165: {  	_ = 	snop  }
0x166: {  	[spmem:s7] =	stream.indirect.scatter.add.f32 [tilespmem:s31], [sflag:$0x6], $0x10, s20, s16, $0xb8;
	[tilespmem:$0x1D7C0] =	vst v63  }
0x167: {  	_ =	swait.ge [sflag:s9], $0x2800  }
0x168: {  	[sflag:s9] =	ssyncset.done $0x0  }
0x169: {  	[sflag:s9] =	ssyncadd.s32 $0xFFFFD800  }
0x16a: {  	_ =	swait.ge [sflag:s21], $0x500  }
0x16b: {  	[sflag:s21] =	ssyncset.done $0x0  }
0x16c: {  	[sflag:s21] =	ssyncadd.s32 $0xFFFFFB00  }
0x16d: {  	[tilespmem:s23], [sflag:$0x1] =	stream.indirect.gather [hbm4b:s0+s16], $0x80, s22, s16, $0xb8;
	[tilespmem:$0x1D7C0] =	vst v63  }
0x16e: {  	_ =	swait.ge [sflag:s29], $0x2800  }
0x16f: {  	[sflag:s29] =	ssyncset.done $0x0  }
0x170: {  	[sflag:s29] =	ssyncadd.s32 $0xFFFFD800  }
0x171: {  	_ =	swait.ge [sflag:s17], $0x500  }
0x172: {  	[sflag:s17] =	ssyncset.done $0x0  }
0x173: {  	s12 =	simm.s32 $0x16470;
	[sflag:s17] =	ssyncadd.s32 $0xFFFFFB00  }
0x174: {  	[tilespmem:s26], [sflag:$0x2] =	stream.indirect.gather [hbm4b:s0+s16], $0x80, s12, s16, $0xb8;
	[tilespmem:$0x1D7C0] =	vst v63  }
0x175: {  	_ =	swait.ge [sflag:s19], $0x2800  }
0x176: {  	[sflag:s19] =	ssyncset.done $0x0  }
0x177: {  	s11 =	simm.s32 $0x173C0;
	[sflag:s19] =	ssyncadd.s32 $0xFFFFD800  }
0x178: {  	[spmem:s6] =	stream.indirect.scatter.add.f32 [tilespmem:s23], [sflag:$0x3], $0x80, s11, s16, $0xb8;
	[tilespmem:$0x1D7C0] =	vst v63  }
0x179: {  	_ = 	snop  }
0x17a: {  	[spmem:s7] =	stream.indirect.scatter.add.f32 [tilespmem:s31], [sflag:$0x5], $0x10, s11, s16, $0xb8;
	[tilespmem:$0x1D7C0] =	vst v63  }
0x17b: {  	_ =	swait.ge [sflag:s28], $0x2800  }
0x17c: {  	[sflag:s28] =	ssyncset.done $0x0  }
0x17d: {  	s12 =	simm.s32 $0x17410;
	[sflag:s28] =	ssyncadd.s32 $0xFFFFD800  }
0x17e: {  	[spmem:s6] =	stream.indirect.scatter.add.f32 [tilespmem:s26], [sflag:$0x4], $0x80, s12, s16, $0xb8;
	[tilespmem:$0x1D7C0] =	vst v63  }
0x17f: {  	_ = 	snop  }
0x180: {  	[spmem:s7] =	stream.indirect.scatter.add.f32 [tilespmem:s31], [sflag:$0x6], $0x10, s12, s16, $0xb8;
	[tilespmem:$0x1D7C0] =	vst v63  }
0x181: {  	_ =	swait.ge [sflag:s9], $0x2800  }
0x182: {  	[sflag:s9] =	ssyncset.done $0x0  }
0x183: {  	[sflag:s9] =	ssyncadd.s32 $0xFFFFD800  }
0x184: {  	_ =	swait.ge [sflag:s21], $0x500  }
0x185: {  	[sflag:s21] =	ssyncset.done $0x0  }
0x186: {  	s10 =	simm.s32 $0xFFFFC900;
	s11 =	simm.s32 $0x164C0;
	[sflag:s21] =	ssyncadd.s32 $0xFFFFFB00  }
.LBB2_3:
0x187: {  	[tilespmem:s23], [sflag:$0x1] =	stream.indirect.gather [hbm4b:s0+s16], $0x80, s11, s16, $0xb8;
	[tilespmem:$0x1D7C0] =	vst v63  }
0x188: {  	s11 =	smov.u32 s10  }
0x189: {  	p1 =	sne.s32 s10, $0xFFFFFD80;
	s10 =	sadd.s32 $0x280, s10;
	_ =	swait.ge [sflag:s29], $0x2800  }
0x18a: {  	[sflag:s29] =	ssyncset.done $0x0  }
0x18b: {  	[sflag:s29] =	ssyncadd.s32 $0xFFFFD800  }
0x18c: {  	_ =	swait.ge [sflag:s17], $0x500  }
0x18d: {  	s11 =	sshra.s32 s11, $0x2;
	[sflag:s17] =	ssyncset.done $0x0  }
0x18e: {  	s12 =	sadd.s32 $0x172D0, s11;
	[sflag:s17] =	ssyncadd.s32 $0xFFFFFB00  }
0x18f: {  	[tilespmem:s26], [sflag:$0x2] =	stream.indirect.gather [hbm4b:s0+s16], $0x80, s12, s16, $0xb8;
	[tilespmem:$0x1D7C0] =	vst v63  }
0x190: {  	_ =	swait.ge [sflag:s19], $0x2800  }
0x191: {  	[sflag:s19] =	ssyncset.done $0x0  }
0x192: {  	s12 =	sadd.s32 $0x18220, s11;
	[sflag:s19] =	ssyncadd.s32 $0xFFFFD800  }
0x193: {  	[spmem:s6] =	stream.indirect.scatter.add.f32 [tilespmem:s23], [sflag:$0x3], $0x80, s12, s16, $0xb8;
	[tilespmem:$0x1D7C0] =	vst v63  }
0x194: {  	_ = 	snop  }
0x195: {  	[spmem:s7] =	stream.indirect.scatter.add.f32 [tilespmem:s31], [sflag:$0x5], $0x10, s12, s16, $0xb8;
	[tilespmem:$0x1D7C0] =	vst v63  }
0x196: {  	_ =	swait.ge [sflag:s28], $0x2800  }
0x197: {  	[sflag:s28] =	ssyncset.done $0x0  }
0x198: {  	s12 =	sadd.s32 $0x18270, s11;
	[sflag:s28] =	ssyncadd.s32 $0xFFFFD800  }
0x199: {  	[spmem:s6] =	stream.indirect.scatter.add.f32 [tilespmem:s26], [sflag:$0x4], $0x80, s12, s16, $0xb8;
	[tilespmem:$0x1D7C0] =	vst v63  }
0x19a: {  	_ = 	snop  }
0x19b: {  	[spmem:s7] =	stream.indirect.scatter.add.f32 [tilespmem:s31], [sflag:$0x6], $0x10, s12, s16, $0xb8;
	[tilespmem:$0x1D7C0] =	vst v63  }
0x19c: {  	_ =	swait.ge [sflag:s9], $0x2800  }
.Ltmp8:
0x19d: {  	[sflag:s9] =	ssyncset.done $0x0;
	(pc) =	sbr.rel @p1 .LBB2_3-.Ltmp8, $4  }
0x19e: {  	[sflag:s9] =	ssyncadd.s32 $0xFFFFD800  }
0x19f: {  	_ =	swait.ge [sflag:s21], $0x500  }
0x1a0: {  	[sflag:s21] =	ssyncset.done $0x0  }
0x1a1: {  	s11 =	sadd.s32 $0x17320, s11;
	[sflag:s21] =	ssyncadd.s32 $0xFFFFFB00  }
0x1a2: {  	[tilespmem:s23], [sflag:$0x1] =	stream.indirect.gather [hbm4b:s0+s16], $0x80, s11, s16, $0xb8;
	[tilespmem:$0x1D7C0] =	vst v63  }
0x1a3: {  	_ =	swait.ge [sflag:s29], $0x2800  }
0x1a4: {  	[sflag:s29] =	ssyncset.done $0x0  }
0x1a5: {  	[sflag:s29] =	ssyncadd.s32 $0xFFFFD800  }
0x1a6: {  	_ =	swait.ge [sflag:s17], $0x500  }
0x1a7: {  	[sflag:s17] =	ssyncset.done $0x0  }
0x1a8: {  	[sflag:s17] =	ssyncadd.s32 $0xFFFFFB00  }
0x1a9: {  	[tilespmem:s26], [sflag:$0x2] =	stream.indirect.gather [hbm4b:s0+s16], $0x80, s18, s16, $0xb8;
	[tilespmem:$0x1D7C0] =	vst v63  }
0x1aa: {  	_ =	swait.ge [sflag:s19], $0x2800  }
0x1ab: {  	[sflag:s19] =	ssyncset.done $0x0  }
0x1ac: {  	[sflag:s19] =	ssyncadd.s32 $0xFFFFD800  }
0x1ad: {  	[spmem:s6] =	stream.indirect.scatter.add.f32 [tilespmem:s23], [sflag:$0x3], $0x80, s13, s16, $0xb8;
	[tilespmem:$0x1D7C0] =	vst v63  }
0x1ae: {  	_ = 	snop  }
0x1af: {  	[spmem:s7] =	stream.indirect.scatter.add.f32 [tilespmem:s31], [sflag:$0x5], $0x10, s13, s16, $0xb8;
	[tilespmem:$0x1D7C0] =	vst v63  }
0x1b0: {  	_ =	swait.ge [sflag:s28], $0x2800  }
0x1b1: {  	[sflag:s28] =	ssyncset.done $0x0  }
0x1b2: {  	[sflag:s28] =	ssyncadd.s32 $0xFFFFD800  }
0x1b3: {  	[spmem:s6] =	stream.indirect.scatter.add.f32 [tilespmem:s26], [sflag:$0x4], $0x80, s14, s16, $0xb8;
	[tilespmem:$0x1D7C0] =	vst v63  }
0x1b4: {  	_ = 	snop  }
0x1b5: {  	[spmem:s7] =	stream.indirect.scatter.add.f32 [tilespmem:s31], [sflag:$0x6], $0x10, s14, s16, $0xb8;
	[tilespmem:$0x1D7C0] =	vst v63  }
0x1b6: {  	_ =	swait.ge [sflag:s9], $0x2800  }
0x1b7: {  	[sflag:s9] =	ssyncset.done $0x0  }
0x1b8: {  	[sflag:s9] =	ssyncadd.s32 $0xFFFFD800  }
0x1b9: {  	_ =	swait.ge [sflag:s21], $0x500  }
0x1ba: {  	[sflag:s21] =	ssyncset.done $0x0  }
0x1bb: {  	s4 =	sadd.s32 $0x1, s4;
	[sflag:s21] =	ssyncadd.s32 $0xFFFFFB00  }
0x1bc: {  	p1 =	sne.s32 s4, $0x5;
	_ =	swait.ge [sflag:s29], $0x2800  }
.Ltmp9:
0x1bd: {  	[sflag:s29] =	ssyncset.done $0x0;
	(pc) =	sbr.rel @p1 .LBB2_2-.Ltmp9, $4  }
0x1be: {  	[sflag:s29] =	ssyncadd.s32 $0xFFFFD800  }
0x1bf: {  	_ =	swait.ge [sflag:s17], $0x500  }
0x1c0: {  	[sflag:s17] =	ssyncset.done $0x0  }
0x1c1: {  	[sflag:s17] =	ssyncadd.s32 $0xFFFFFB00  }
0x1c2: {  	[bflag:$0x0] =	sbarrier.arrive $0xFFFF  }
0x1c3: {  	s4 =	rddreg [dreg:$0x16]  }
0x1c4: {  	s10 =	rddreg [dreg:$0x1c]  }
0x1c5: {  	s11 =	rddreg [dreg:$0x1d]  }
0x1c6: {  	[hbm:s4], [sflag:s10] =	dma.local [spmem:s11], $0x2780  }
0x1c7: {  	_ =	swait.ge [sflag:s2], $0x2780  }
0x1c8: {  	[sflag:s2] =	ssyncset.done $0x0;
	s4 =	rddreg [dreg:$0x18]  }
0x1c9: {  	s12 =	rddreg [dreg:$0x1e];
	[sflag:s2] =	ssyncadd.s32 $0xFFFFD880  }
0x1ca: {  	[hbm:s4], [sflag:s10] =	dma.local [spmem:s12], $0x4F0  }
0x1cb: {  	_ =	swait.ge [sflag:s2], $0x4F0  }
0x1cc: {  	[sflag:s2] =	ssyncset.done $0x0  }
0x1cd: {  	[sflag:s2] =	ssyncadd.s32 $0xFFFFFB10  }
0x1ce: {  	[bflag:$0x0] =	sbarrier.arrive $0xFFFF  }
0x1cf: {  	s4 =	rddreg [dreg:$0xc]  }
0x1d0: {  	[spmem:s11], [sflag:s10] =	dma.local [hbm:s4], $0x2780  }
0x1d1: {  	_ =	swait.ge [sflag:s2], $0x2780  }
0x1d2: {  	[sflag:s2] =	ssyncset.done $0x0  }
0x1d3: {  	s11 =	rddreg [dreg:$0xd];
	[sflag:s2] =	ssyncadd.s32 $0xFFFFD880  }
0x1d4: {  	[spmem:s12], [sflag:s10] =	dma.local [hbm:s11], $0x4F0  }
0x1d5: {  	_ =	swait.ge [sflag:s2], $0x4F0  }
0x1d6: {  	[sflag:s2] =	ssyncset.done $0x0  }
0x1d7: {  	[sflag:s2] =	ssyncadd.s32 $0xFFFFFB10  }
0x1d8: {  	s4 =	simm.s32 $0x0;
	[bflag:$0x0] =	sbarrier.arrive $0xFFFF  }
.LBB2_6:
0x1d9: {  	s10 =	smul.u32 $0x32, s4;
	_ =	sdelay $0x1  }
0x1da: {  	s11 =	sadd.s32 s25, s10  }
0x1db: {  	s11 =	smul.u32 $0xA, s11  }
0x1dc: {  	s12 =	rddreg [dreg:$0x9]  }
0x1dd: {  	s10 =	sadd.s32 s10, s30;
	s11 =	sadd.s32 s12, s11  }
0x1de: {  	[tilespmem:s5], [sflag:$0x7] =	stream.linear.gather [hbm4b:s11+s8], $0xFA0, $0x38;
	[tilespmem:$0x1D7C0] =	vst v63  }
0x1df: {  	s10 =	smul.u32 $0xA, s10;
	_ =	swait.ge [sflag:s2], $0xFA0  }
0x1e0: {  	[sflag:s2] =	ssyncset.done $0x0  }
0x1e1: {  	s10 =	sadd.s32 s12, s10;
	[sflag:s2] =	ssyncadd.s32 $0xFFFFF060  }
0x1e2: {  	[tilespmem:s15], [sflag:$0x7] =	stream.linear.gather [hbm4b:s10+s8], $0xFA0, $0x38;
	[tilespmem:$0x1D7C0] =	vst v63  }
0x1e3: {  	_ =	swait.ge [sflag:s2], $0xFA0  }
0x1e4: {  	[sflag:s2] =	ssyncset.done $0x0  }
0x1e5: {  	[sflag:s2] =	ssyncadd.s32 $0xFFFFF060  }
0x1e6: {  	[tilespmem:s23], [sflag:$0x1] =	stream.indirect.gather [hbm4b:s1+s16], $0x80, s5, s16, $0xb8;
	[tilespmem:$0x1D7C0] =	vst v63  }
0x1e7: {  	_ = 	snop  }
0x1e8: {  	[tilespmem:s26], [sflag:$0x2] =	stream.indirect.gather [hbm4b:s1+s16], $0x80, s24, s16, $0xb8;
	[tilespmem:$0x1D7C0] =	vst v63  }
0x1e9: {  	_ =	swait.ge [sflag:s19], $0x2800  }
0x1ea: {  	[sflag:s19] =	ssyncset.done $0x0  }
0x1eb: {  	[sflag:s19] =	ssyncadd.s32 $0xFFFFD800  }
0x1ec: {  	[spmem:s6] =	stream.indirect.scatter.add.f32 [tilespmem:s23], [sflag:$0x3], $0x80, s15, s16, $0xb8;
	[tilespmem:$0x1D7C0] =	vst v63  }
0x1ed: {  	_ = 	snop  }
0x1ee: {  	[spmem:s7] =	stream.indirect.scatter.add.f32 [tilespmem:s31], [sflag:$0x5], $0x10, s15, s16, $0xb8;
	[tilespmem:$0x1D7C0] =	vst v63  }
0x1ef: {  	_ =	swait.ge [sflag:s28], $0x2800  }
0x1f0: {  	[sflag:s28] =	ssyncset.done $0x0  }
0x1f1: {  	[sflag:s28] =	ssyncadd.s32 $0xFFFFD800  }
0x1f2: {  	[spmem:s6] =	stream.indirect.scatter.add.f32 [tilespmem:s26], [sflag:$0x4], $0x80, s20, s16, $0xb8;
	[tilespmem:$0x1D7C0] =	vst v63  }
0x1f3: {  	_ = 	snop  }
0x1f4: {  	[spmem:s7] =	stream.indirect.scatter.add.f32 [tilespmem:s31], [sflag:$0x6], $0x10, s20, s16, $0xb8;
	[tilespmem:$0x1D7C0] =	vst v63  }
0x1f5: {  	_ =	swait.ge [sflag:s9], $0x2800  }
0x1f6: {  	[sflag:s9] =	ssyncset.done $0x0  }
0x1f7: {  	[sflag:s9] =	ssyncadd.s32 $0xFFFFD800  }
0x1f8: {  	_ =	swait.ge [sflag:s21], $0x500  }
0x1f9: {  	[sflag:s21] =	ssyncset.done $0x0  }
0x1fa: {  	[sflag:s21] =	ssyncadd.s32 $0xFFFFFB00  }
0x1fb: {  	[tilespmem:s23], [sflag:$0x1] =	stream.indirect.gather [hbm4b:s1+s16], $0x80, s22, s16, $0xb8;
	[tilespmem:$0x1D7C0] =	vst v63  }
0x1fc: {  	_ =	swait.ge [sflag:s29], $0x2800  }
0x1fd: {  	[sflag:s29] =	ssyncset.done $0x0  }
0x1fe: {  	[sflag:s29] =	ssyncadd.s32 $0xFFFFD800  }
0x1ff: {  	_ =	swait.ge [sflag:s17], $0x500  }
0x200: {  	[sflag:s17] =	ssyncset.done $0x0  }
0x201: {  	s12 =	simm.s32 $0x16470;
	[sflag:s17] =	ssyncadd.s32 $0xFFFFFB00  }
0x202: {  	[tilespmem:s26], [sflag:$0x2] =	stream.indirect.gather [hbm4b:s1+s16], $0x80, s12, s16, $0xb8;
	[tilespmem:$0x1D7C0] =	vst v63  }
0x203: {  	_ =	swait.ge [sflag:s19], $0x2800  }
0x204: {  	[sflag:s19] =	ssyncset.done $0x0  }
0x205: {  	s11 =	simm.s32 $0x173C0;
	[sflag:s19] =	ssyncadd.s32 $0xFFFFD800  }
0x206: {  	[spmem:s6] =	stream.indirect.scatter.add.f32 [tilespmem:s23], [sflag:$0x3], $0x80, s11, s16, $0xb8;
	[tilespmem:$0x1D7C0] =	vst v63  }
0x207: {  	_ = 	snop  }
0x208: {  	[spmem:s7] =	stream.indirect.scatter.add.f32 [tilespmem:s31], [sflag:$0x5], $0x10, s11, s16, $0xb8;
	[tilespmem:$0x1D7C0] =	vst v63  }
0x209: {  	_ =	swait.ge [sflag:s28], $0x2800  }
0x20a: {  	[sflag:s28] =	ssyncset.done $0x0  }
0x20b: {  	s12 =	simm.s32 $0x17410;
	[sflag:s28] =	ssyncadd.s32 $0xFFFFD800  }
0x20c: {  	[spmem:s6] =	stream.indirect.scatter.add.f32 [tilespmem:s26], [sflag:$0x4], $0x80, s12, s16, $0xb8;
	[tilespmem:$0x1D7C0] =	vst v63  }
0x20d: {  	_ = 	snop  }
0x20e: {  	[spmem:s7] =	stream.indirect.scatter.add.f32 [tilespmem:s31], [sflag:$0x6], $0x10, s12, s16, $0xb8;
	[tilespmem:$0x1D7C0] =	vst v63  }
0x20f: {  	_ =	swait.ge [sflag:s9], $0x2800  }
0x210: {  	[sflag:s9] =	ssyncset.done $0x0  }
0x211: {  	[sflag:s9] =	ssyncadd.s32 $0xFFFFD800  }
0x212: {  	_ =	swait.ge [sflag:s21], $0x500  }
0x213: {  	[sflag:s21] =	ssyncset.done $0x0  }
0x214: {  	s10 =	simm.s32 $0xFFFFC900;
	s11 =	simm.s32 $0x164C0;
	[sflag:s21] =	ssyncadd.s32 $0xFFFFFB00  }
.LBB2_7:
0x215: {  	[tilespmem:s23], [sflag:$0x1] =	stream.indirect.gather [hbm4b:s1+s16], $0x80, s11, s16, $0xb8;
	[tilespmem:$0x1D7C0] =	vst v63  }
0x216: {  	s11 =	smov.u32 s10  }
0x217: {  	p1 =	sne.s32 s10, $0xFFFFFD80;
	s10 =	sadd.s32 $0x280, s10;
	_ =	swait.ge [sflag:s29], $0x2800  }
0x218: {  	[sflag:s29] =	ssyncset.done $0x0  }
0x219: {  	[sflag:s29] =	ssyncadd.s32 $0xFFFFD800  }
0x21a: {  	_ =	swait.ge [sflag:s17], $0x500  }
0x21b: {  	s11 =	sshra.s32 s11, $0x2;
	[sflag:s17] =	ssyncset.done $0x0  }
0x21c: {  	s12 =	sadd.s32 $0x172D0, s11;
	[sflag:s17] =	ssyncadd.s32 $0xFFFFFB00  }
0x21d: {  	[tilespmem:s26], [sflag:$0x2] =	stream.indirect.gather [hbm4b:s1+s16], $0x80, s12, s16, $0xb8;
	[tilespmem:$0x1D7C0] =	vst v63  }
0x21e: {  	_ =	swait.ge [sflag:s19], $0x2800  }
0x21f: {  	[sflag:s19] =	ssyncset.done $0x0  }
0x220: {  	s12 =	sadd.s32 $0x18220, s11;
	[sflag:s19] =	ssyncadd.s32 $0xFFFFD800  }
0x221: {  	[spmem:s6] =	stream.indirect.scatter.add.f32 [tilespmem:s23], [sflag:$0x3], $0x80, s12, s16, $0xb8;
	[tilespmem:$0x1D7C0] =	vst v63  }
0x222: {  	_ = 	snop  }
0x223: {  	[spmem:s7] =	stream.indirect.scatter.add.f32 [tilespmem:s31], [sflag:$0x5], $0x10, s12, s16, $0xb8;
	[tilespmem:$0x1D7C0] =	vst v63  }
0x224: {  	_ =	swait.ge [sflag:s28], $0x2800  }
0x225: {  	[sflag:s28] =	ssyncset.done $0x0  }
0x226: {  	s12 =	sadd.s32 $0x18270, s11;
	[sflag:s28] =	ssyncadd.s32 $0xFFFFD800  }
0x227: {  	[spmem:s6] =	stream.indirect.scatter.add.f32 [tilespmem:s26], [sflag:$0x4], $0x80, s12, s16, $0xb8;
	[tilespmem:$0x1D7C0] =	vst v63  }
0x228: {  	_ = 	snop  }
0x229: {  	[spmem:s7] =	stream.indirect.scatter.add.f32 [tilespmem:s31], [sflag:$0x6], $0x10, s12, s16, $0xb8;
	[tilespmem:$0x1D7C0] =	vst v63  }
0x22a: {  	_ =	swait.ge [sflag:s9], $0x2800  }
.Ltmp10:
0x22b: {  	[sflag:s9] =	ssyncset.done $0x0;
	(pc) =	sbr.rel @p1 .LBB2_7-.Ltmp10, $4  }
0x22c: {  	[sflag:s9] =	ssyncadd.s32 $0xFFFFD800  }
0x22d: {  	_ =	swait.ge [sflag:s21], $0x500  }
0x22e: {  	[sflag:s21] =	ssyncset.done $0x0  }
0x22f: {  	s11 =	sadd.s32 $0x17320, s11;
	[sflag:s21] =	ssyncadd.s32 $0xFFFFFB00  }
0x230: {  	[tilespmem:s23], [sflag:$0x1] =	stream.indirect.gather [hbm4b:s1+s16], $0x80, s11, s16, $0xb8;
	[tilespmem:$0x1D7C0] =	vst v63  }
0x231: {  	_ =	swait.ge [sflag:s29], $0x2800  }
0x232: {  	[sflag:s29] =	ssyncset.done $0x0  }
0x233: {  	[sflag:s29] =	ssyncadd.s32 $0xFFFFD800  }
0x234: {  	_ =	swait.ge [sflag:s17], $0x500  }
0x235: {  	[sflag:s17] =	ssyncset.done $0x0  }
0x236: {  	[sflag:s17] =	ssyncadd.s32 $0xFFFFFB00  }
0x237: {  	[tilespmem:s26], [sflag:$0x2] =	stream.indirect.gather [hbm4b:s1+s16], $0x80, s18, s16, $0xb8;
	[tilespmem:$0x1D7C0] =	vst v63  }
0x238: {  	_ =	swait.ge [sflag:s19], $0x2800  }
0x239: {  	[sflag:s19] =	ssyncset.done $0x0  }
0x23a: {  	[sflag:s19] =	ssyncadd.s32 $0xFFFFD800  }
0x23b: {  	[spmem:s6] =	stream.indirect.scatter.add.f32 [tilespmem:s23], [sflag:$0x3], $0x80, s13, s16, $0xb8;
	[tilespmem:$0x1D7C0] =	vst v63  }
0x23c: {  	_ = 	snop  }
0x23d: {  	[spmem:s7] =	stream.indirect.scatter.add.f32 [tilespmem:s31], [sflag:$0x5], $0x10, s13, s16, $0xb8;
	[tilespmem:$0x1D7C0] =	vst v63  }
0x23e: {  	_ =	swait.ge [sflag:s28], $0x2800  }
0x23f: {  	[sflag:s28] =	ssyncset.done $0x0  }
0x240: {  	[sflag:s28] =	ssyncadd.s32 $0xFFFFD800  }
0x241: {  	[spmem:s6] =	stream.indirect.scatter.add.f32 [tilespmem:s26], [sflag:$0x4], $0x80, s14, s16, $0xb8;
	[tilespmem:$0x1D7C0] =	vst v63  }
0x242: {  	_ = 	snop  }
0x243: {  	[spmem:s7] =	stream.indirect.scatter.add.f32 [tilespmem:s31], [sflag:$0x6], $0x10, s14, s16, $0xb8;
	[tilespmem:$0x1D7C0] =	vst v63  }
0x244: {  	_ =	swait.ge [sflag:s9], $0x2800  }
0x245: {  	[sflag:s9] =	ssyncset.done $0x0  }
0x246: {  	[sflag:s9] =	ssyncadd.s32 $0xFFFFD800  }
0x247: {  	_ =	swait.ge [sflag:s21], $0x500  }
0x248: {  	[sflag:s21] =	ssyncset.done $0x0  }
0x249: {  	s4 =	sadd.s32 $0x1, s4;
	[sflag:s21] =	ssyncadd.s32 $0xFFFFFB00  }
0x24a: {  	p1 =	seq.s32 s4, $0x5;
	_ =	swait.ge [sflag:s29], $0x2800  }
.Ltmp11:
0x24b: {  	[sflag:s29] =	ssyncset.done $0x0;
	(pc) =	sbr.rel @!p1 .LBB2_6-.Ltmp11, $4  }
0x24c: {  	[sflag:s29] =	ssyncadd.s32 $0xFFFFD800  }
0x24d: {  	_ =	swait.ge [sflag:s17], $0x500  }
0x24e: {  	[sflag:s17] =	ssyncset.done $0x0  }
0x24f: {  	[sflag:s17] =	ssyncadd.s32 $0xFFFFFB00  }
.Ltmp12:
0x250: {  	(pc) =	sbr.rel .LBB2_18-.Ltmp12, $4  }
0x251: {  	_ = 	snop  }
0x252: {  	s10 =	rddreg [dreg:$0xe]  }
0x253: {  	s4 =	rddreg [dreg:$0xf]  }
0x254: {  	s12 =	rddreg [dreg:$0x1b]  }
.LBB2_19:
0x255: {  	_ =	sfence.sel $0x180000  }
0x256: {  	[bflag:$0x0] =	sbarrier.arrive $0xFFFF  }
0x257: {  	_ =	strace $0x90000047  }
0x258: {  	s0 =	stileid.u32;
	[bflag:$0x2] =	sbarrier.arrive $0xFFFF  }
0x259: {  	p0 =	sne.s32 s0, $0x0;
	s0 =	rddreg [dreg:$0x8]  }
0x25a: {  	s0 =	sadd.s32 @!p0 $0x100000, s0  }
0x25b: {  	[sflag:s0] =	ssyncadd.tile.s32 @!p0 $0x1;
	_ =	shalt  }
.Lfunc_end2:
_tile_overlayer_lowered:
.L_overlay_start_2:
0x25c: {  	(tag) =	ssettag $0x2  }
0x25d: {  	s0 =	rddreg [dreg:$0x0];
	s2 =	stileid.u32  }
0x25e: {  	s1 =	rddreg [dreg:$0x1];
	p0 =	sne.s32 s2, $0x0  }
0x25f: {  	s3 =	rddreg [dreg:$0x2];
	[bflag:$0x3] =	sbarrier.arrive $0xFFFF;
	s2 =	simm.s32 @!p0 $0x1C07  }
0x260: {  	[timem:s3], [sflag:s2] =	dma.local @!p0 [hbm:s0], s1  }
0x261: {  	s0 =	simm.s32 @!p0 $0x7  }
0x262: {  	_ =	swait.ge @!p0 [sflag:s0], s1  }
0x263: {  	s1 =	ssub.s32 @!p0 $0x0, s1;
	[sflag:s0] =	ssyncset.done @!p0 $0x0  }
0x264: {  	[sflag:s0] =	ssyncadd.s32 @!p0 s1  }
0x265: {  	[bflag:$0x3] =	sbarrier.arrive $0xFFFF  }
0x266: {  	_ =	shalt  }

</sc_bundles>
